<compile_context>
chip_gen: v7x
topology: tpu7x:2x2x1
jax: 0.10.2.dev20260603
libtpu: 0.0.44.dev20260713+nightly
codegen_flags: <defaults>
</compile_context>

<pallas_src>
import jax
import jax.numpy as jnp
from jax import lax
from jax.experimental import pallas as pl
from jax.experimental.pallas import tpu as pltpu
from jax.experimental.pallas import tpu_sc as plsc

T = 2048
D = 1024
DH = D // 2
E = 8
DF = 512
CAP = 512
S = E * CAP
NW = 32
SPT = S // NW
TPT = T // NW
L = 16
_NEG = -1e30



def _routing_body(x_ref, gw_ref, ri_ref, rf_ref, xp_ref):
    x = x_ref[...]
    gw = gw_ref[...]
    xp_ref[...] = _pack_rows(x)
    logits = jax.lax.dot_general(
        x, gw, (((1,), (1,)), ((), ())), preferred_element_type=jnp.float32
    )
    m = jnp.max(logits, axis=-1, keepdims=True)
    ex = jnp.exp(logits - m)
    scores = ex / jnp.sum(ex, axis=-1, keepdims=True)
    eidx = jax.lax.broadcasted_iota(jnp.int32, (T, E), 1)
    s0 = jnp.max(scores, axis=-1, keepdims=True)
    i0 = jnp.min(jnp.where(scores >= s0, eidx, E), axis=-1, keepdims=True)
    oh0 = eidx == i0
    sc1 = jnp.where(oh0, _NEG, scores)
    s1 = jnp.max(sc1, axis=-1, keepdims=True)
    i1 = jnp.min(jnp.where(sc1 >= s1, eidx, E), axis=-1, keepdims=True)
    oh1 = eidx == i1
    cnt = oh0.astype(jnp.bfloat16) + oh1.astype(jnp.bfloat16)
    nb = 8
    tb = T // nb
    r = jax.lax.broadcasted_iota(jnp.int32, (tb, tb), 0)
    c = jax.lax.broadcasted_iota(jnp.int32, (tb, tb), 1)
    lmask = (c < r).astype(jnp.bfloat16)
    ones = jnp.ones((1, tb), jnp.bfloat16)
    parts = []
    run = jnp.zeros((1, E), jnp.float32)
    for b in range(nb):
        cb = cnt[b * tb:(b + 1) * tb, :]
        intra = jax.lax.dot_general(
            lmask, cb, (((1,), (0,)), ((), ())), preferred_element_type=jnp.float32
        )
        parts.append(intra + run)
        tot = jax.lax.dot_general(
            ones, cb, (((1,), (0,)), ((), ())), preferred_element_type=jnp.float32
        )
        run = run + tot
    cum = jnp.concatenate(parts, axis=0)
    pos0 = jnp.sum(jnp.where(oh0, cum, 0.0), axis=-1, keepdims=True).astype(jnp.int32)
    pos1 = jnp.sum(jnp.where(oh1, cum, 0.0), axis=-1, keepdims=True).astype(jnp.int32)
    v0 = pos0 < CAP
    v1 = pos1 < CAP
    denom = s0 + s1 + 1e-20
    w0 = jnp.where(v0, s0 / denom, 0.0)
    w1 = jnp.where(v1, s1 / denom, 0.0)
    d0 = i0 * CAP + pos0
    d1 = i1 * CAP + pos1
    d0m = jnp.where(v0, d0, -1)
    d1m = jnp.where(v1, d1, -1)
    d0c = jnp.where(v0, d0, 0)
    d1c = jnp.where(v1, d1, 0)
    zi = jnp.zeros((T, 1), jnp.int32)
    ri = jnp.concatenate([d0m, d1m, d0c, d1c, zi, zi, zi, zi], axis=1)
    zf = jnp.zeros((T, 1), jnp.float32)
    rf = jnp.concatenate([w0, w1, zf, zf, zf, zf, zf, zf], axis=1)
    ri_ref[...] = ri
    rf_ref[...] = rf


def _routing(x, gate_w):
    return pl.pallas_call(
        _routing_body,
        out_shape=(
            jax.ShapeDtypeStruct((T, E), jnp.int32),
            jax.ShapeDtypeStruct((T, E), jnp.float32),
            jax.ShapeDtypeStruct((T, DH), jnp.int32),
        ),
    )(x, gate_w)



def _dispatch_body(ri_hbm, xp_hbm, xg_hbm, riv, src, rows, rows2, sema, semb):
    wid = lax.axis_index("s") * 2 + lax.axis_index("c")
    base = wid * SPT
    pltpu.sync_copy(ri_hbm, riv)
    for k in range(SPT // L):
        src[pl.ds(k * L, L)] = jnp.zeros((L,), jnp.int32)
    lanes = jax.lax.broadcasted_iota(jnp.int32, (L,), 0)

    def chunk(c, carry):
        rowi = c * L + lanes
        flat = rowi * E
        d0 = plsc.load_gather(riv, [flat])
        d1 = plsc.load_gather(riv, [flat + 1])
        m0 = (d0 >= base) & (d0 < base + SPT)
        l0 = jnp.where(m0, d0 - base, 0)
        plsc.store_scatter(src, [l0], rowi, mask=m0)
        m1 = (d1 >= base) & (d1 < base + SPT)
        l1 = jnp.where(m1, d1 - base, 0)
        plsc.store_scatter(src, [l1], rowi, mask=m1)
        return carry

    lax.fori_loop(0, T // L, chunk, 0)
    half = SPT // 2
    cpa = pltpu.async_copy(xp_hbm.at[src.at[pl.ds(0, half)]], rows, sema)
    cpb = pltpu.async_copy(xp_hbm.at[src.at[pl.ds(half, half)]], rows2, semb)
    cpa.wait()
    pltpu.sync_copy(rows, xg_hbm.at[pl.ds(base, half)])
    cpb.wait()
    pltpu.sync_copy(rows2, xg_hbm.at[pl.ds(base + half, half)])


def _dispatch(ri, xp):
    mesh = plsc.VectorSubcoreMesh(core_axis_name="c", subcore_axis_name="s")
    half = SPT // 2
    f = pl.kernel(
        _dispatch_body,
        out_type=jax.ShapeDtypeStruct((S, DH), jnp.int32),
        mesh=mesh,
        scratch_types=[
            pltpu.VMEM((T * E,), jnp.int32),
            pltpu.VMEM((SPT,), jnp.int32),
            pltpu.VMEM((half, DH), jnp.int32),
            pltpu.VMEM((half, DH), jnp.int32),
            pltpu.SemaphoreType.DMA,
            pltpu.SemaphoreType.DMA,
        ],
        compiler_params=pltpu.CompilerParams(needs_layout_passes=False),
    )
    return f(ri.reshape(T * E), xp)



def _silu(h):
    return h / (1.0 + jnp.exp(-h))


def _pack_rows(r):
    rb = r.astype(jnp.bfloat16).astype(jnp.float32)
    ub = jax.lax.bitcast_convert_type(rb, jnp.uint32)
    lo = ub[:, :DH] >> 16
    hi = ub[:, DH:] & jnp.uint32(0xFFFF0000)
    return jax.lax.bitcast_convert_type(hi | lo, jnp.int32)


def _unpack_rows(p):
    ub = jax.lax.bitcast_convert_type(p, jnp.uint32)
    lo = jax.lax.bitcast_convert_type(ub << 16, jnp.float32)
    hi = jax.lax.bitcast_convert_type(ub & jnp.uint32(0xFFFF0000), jnp.float32)
    return jnp.concatenate([lo, hi], axis=1).astype(jnp.bfloat16)


def _experts_body(xg_ref, w1_ref, w3_ref, w2_ref, eo_ref):
    xgb = _unpack_rows(xg_ref[0])
    a = w1_ref[0].astype(jnp.bfloat16)
    b = w3_ref[0].astype(jnp.bfloat16)
    cw = w2_ref[0].astype(jnp.bfloat16)
    h1 = jax.lax.dot_general(
        xgb, a, (((1,), (1,)), ((), ())), preferred_element_type=jnp.float32
    )
    h3 = jax.lax.dot_general(
        xgb, b, (((1,), (1,)), ((), ())), preferred_element_type=jnp.float32
    )
    h = (_silu(h1) * h3).astype(jnp.bfloat16)
    out = jax.lax.dot_general(
        h, cw, (((1,), (1,)), ((), ())), preferred_element_type=jnp.float32
    )
    eo_ref[0] = _pack_rows(out)


def _experts(xg, w1, w3, w2):
    return pl.pallas_call(
        _experts_body,
        grid=(E,),
        in_specs=[
            pl.BlockSpec((1, CAP, DH), lambda e: (e, 0, 0)),
            pl.BlockSpec((1, DF, D), lambda e: (e, 0, 0)),
            pl.BlockSpec((1, DF, D), lambda e: (e, 0, 0)),
            pl.BlockSpec((1, D, DF), lambda e: (e, 0, 0)),
        ],
        out_specs=pl.BlockSpec((1, CAP, DH), lambda e: (e, 0, 0)),
        out_shape=jax.ShapeDtypeStruct((E, CAP, DH), jnp.int32),
        compiler_params=pltpu.CompilerParams(
            dimension_semantics=("arbitrary",),
        ),
    )(xg.reshape(E, CAP, DH), w1, w3, w2)



_SB = 8


def _shared_body(xp_ref, sw1_ref, sw3_ref, sw2_ref, sh_ref):
    xs = _unpack_rows(xp_ref[...])
    sa = sw1_ref[...].astype(jnp.bfloat16)
    sb = sw3_ref[...].astype(jnp.bfloat16)
    sc = sw2_ref[...].astype(jnp.bfloat16)
    sh1 = jax.lax.dot_general(
        xs, sa, (((1,), (1,)), ((), ())), preferred_element_type=jnp.float32
    )
    sh3 = jax.lax.dot_general(
        xs, sb, (((1,), (1,)), ((), ())), preferred_element_type=jnp.float32
    )
    hs = (_silu(sh1) * sh3).astype(jnp.bfloat16)
    out = jax.lax.dot_general(
        hs, sc, (((1,), (1,)), ((), ())), preferred_element_type=jnp.float32
    )
    sh_ref[...] = _pack_rows(out)


def _shared(xp, sw1, sw3, sw2):
    tb = T // _SB
    return pl.pallas_call(
        _shared_body,
        grid=(_SB,),
        in_specs=[
            pl.BlockSpec((tb, DH), lambda i: (i, 0)),
            pl.BlockSpec((2 * DF, D), lambda i: (0, 0)),
            pl.BlockSpec((2 * DF, D), lambda i: (0, 0)),
            pl.BlockSpec((D, 2 * DF), lambda i: (0, 0)),
        ],
        out_specs=pl.BlockSpec((tb, DH), lambda i: (i, 0)),
        out_shape=jax.ShapeDtypeStruct((T, DH), jnp.int32),
        compiler_params=pltpu.CompilerParams(
            dimension_semantics=("arbitrary",),
        ),
    )(xp, sw1, sw3, sw2)



def _combine_body(ri_hbm, rf_hbm, eo_hbm, sh_hbm, y_hbm,
                  riv, rfv, idx0, idx1, g0, g1, shb, sem0, sem1, sem2):
    wid = lax.axis_index("s") * 2 + lax.axis_index("c")
    tb = wid * TPT
    pltpu.sync_copy(ri_hbm.at[pl.ds(tb * E, TPT * E)], riv)
    pltpu.sync_copy(rf_hbm.at[pl.ds(tb * E, TPT * E)], rfv)
    lanes = jax.lax.broadcasted_iota(jnp.int32, (L,), 0)
    for c in range(TPT // L):
        flat = (c * L + lanes) * E
        idx0[pl.ds(c * L, L)] = plsc.load_gather(riv, [flat + 2])
        idx1[pl.ds(c * L, L)] = plsc.load_gather(riv, [flat + 3])
    cp0 = pltpu.async_copy(eo_hbm.at[idx0], g0, sem0)
    cp1 = pltpu.async_copy(eo_hbm.at[idx1], g1, sem1)
    cp2 = pltpu.async_copy(sh_hbm.at[pl.ds(tb, TPT)], shb, sem2)
    cp0.wait()
    cp1.wait()
    cp2.wait()

    def tok(t, carry):
        row = jnp.full((L,), t * E, jnp.int32)
        w0 = plsc.load_gather(rfv, [row])
        w1 = plsc.load_gather(rfv, [row + 1])
        w0b = plsc.pack(w0, w0, format=plsc.PackFormat.INTERLEAVED)
        w1b = plsc.pack(w1, w1, format=plsc.PackFormat.INTERLEAVED)
        for j in range(DH // L):
            va = plsc.bitcast(g0[t, pl.ds(j * L, L)], jnp.bfloat16)
            vb = plsc.bitcast(g1[t, pl.ds(j * L, L)], jnp.bfloat16)
            vs = plsc.bitcast(shb[t, pl.ds(j * L, L)], jnp.bfloat16)
            acc = vs + w0b * va + w1b * vb
            shb[t, pl.ds(j * L, L)] = plsc.bitcast(acc, jnp.int32)
        return carry

    lax.fori_loop(0, TPT, tok, 0)
    pltpu.sync_copy(shb, y_hbm.at[pl.ds(tb, TPT)])


def _combine(ri, rf, eo, sh):
    mesh = plsc.VectorSubcoreMesh(core_axis_name="c", subcore_axis_name="s")
    f = pl.kernel(
        _combine_body,
        out_type=jax.ShapeDtypeStruct((T, DH), jnp.int32),
        mesh=mesh,
        scratch_types=[
            pltpu.VMEM((TPT * E,), jnp.int32),
            pltpu.VMEM((TPT * E,), jnp.float32),
            pltpu.VMEM((TPT,), jnp.int32),
            pltpu.VMEM((TPT,), jnp.int32),
            pltpu.VMEM((TPT, DH), jnp.int32),
            pltpu.VMEM((TPT, DH), jnp.int32),
            pltpu.VMEM((TPT, DH), jnp.int32),
            pltpu.SemaphoreType.DMA,
            pltpu.SemaphoreType.DMA,
            pltpu.SemaphoreType.DMA,
        ],
        compiler_params=pltpu.CompilerParams(needs_layout_passes=False),
    )
    return f(ri.reshape(T * E), rf.reshape(T * E), eo, sh)



def kernel(hidden_states, gate_w, w1, w3, w2, sw1, sw3, sw2):
    orig_shape = hidden_states.shape
    x = hidden_states.reshape(T, D).astype(jnp.float32)
    ri, rf, xp = _routing(x, gate_w.astype(jnp.float32))
    sh = _shared(xp, sw1, sw3, sw2)
    xg = _dispatch(ri, xp)
    eo = _experts(xg, w1, w3, w2)
    yp = _combine(ri, rf, eo.reshape(S, DH), sh)
    ub = jax.lax.bitcast_convert_type(yp, jnp.uint32)
    lo = jax.lax.bitcast_convert_type(ub << 16, jnp.float32)
    hi = jax.lax.bitcast_convert_type(ub & jnp.uint32(0xFFFF0000), jnp.float32)
    y = jnp.concatenate([lo, hi], axis=1)
    return y.reshape(orig_shape)

# --- scband reference (transcript-rebuilt; emitter-appended) ---
"""Pipeline reference for scband-mo-e-73753178407160 (READ-ONLY COPY).

The authoritative reference and input builder live on the scoring server;
editing this copy changes nothing except your own understanding.
"""

import math
import jax
import jax.numpy as jnp
import numpy as np

E = 8
TOP_K = 2
D = 1024
D_FF = 512
N_SHARED = 2
CAP_FACTOR = 1.0
SCALING = 1.0
BSZ = 1
SEQ = 2048


def setup_inputs(seed: int = 0) -> dict:
    key = jax.random.key(seed)
    ks = jax.random.split(key, 8)
    hidden_states = jax.random.normal(ks[0], (BSZ, SEQ, D), dtype=jnp.float32)
    gate_w = jax.random.normal(ks[1], (E, D), dtype=jnp.float32) * 0.02
    w1 = jax.random.normal(ks[2], (E, D_FF, D), dtype=jnp.float32) * 0.02
    w3 = jax.random.normal(ks[3], (E, D_FF, D), dtype=jnp.float32) * 0.02
    w2 = jax.random.normal(ks[4], (E, D, D_FF), dtype=jnp.float32) * 0.02
    sw1 = jax.random.normal(ks[5], (D_FF * N_SHARED, D), dtype=jnp.float32) * 0.02
    sw3 = jax.random.normal(ks[6], (D_FF * N_SHARED, D), dtype=jnp.float32) * 0.02
    sw2 = jax.random.normal(ks[7], (D, D_FF * N_SHARED), dtype=jnp.float32) * 0.02
    return {"hidden_states": hidden_states, "gate_w": gate_w, "w1": w1, "w3": w3, "w2": w2, "sw1": sw1, "sw3": sw3, "sw2": sw2}


def _mlp(x, a, b, c):
    # gated SiLU FFN: (silu(x@a^T) * (x@b^T)) @ c^T
    return (jax.nn.silu(x @ a.T) * (x @ b.T)) @ c.T


def reference(hidden_states, gate_w, w1, w3, w2, sw1, sw3, sw2):
    orig_shape = hidden_states.shape
    x = hidden_states.reshape(-1, D).astype(jnp.float32)
    # ---- MoEGate (eval path: no jitter, no aux loss) ----
    logits = x @ gate_w.astype(jnp.float32).T
    scores = jax.nn.softmax(logits, axis=-1)
    topk_w, topk_idx = jax.lax.top_k(scores, TOP_K)
    denom = jnp.sum(topk_w, axis=-1, keepdims=True) + 1e-20
    topk_w = topk_w / denom * SCALING
    # ---- capacity-based token dropping ----
    tokens = topk_idx.size
    capacity = math.ceil(CAP_FACTOR * tokens / E)
    flat_expert = topk_idx.reshape(-1)
    one_hot = jax.nn.one_hot(flat_expert, E, dtype=jnp.int32)
    position_in_expert = jnp.cumsum(one_hot, axis=0) - 1
    pos = jnp.take_along_axis(position_in_expert, flat_expert[:, None], axis=1)[:, 0]
    mask = (pos < capacity).reshape(topk_idx.shape)
    topk_w = topk_w * mask.astype(topk_w.dtype)
    topk_idx = jnp.where(mask, topk_idx, -1)
    # ---- moe_infer equivalent (dense dispatch; dropped tokens have zero weight) ----
    y = jnp.zeros_like(x)
    for i in range(E):
        combine = jnp.sum((topk_idx == i).astype(x.dtype) * topk_w, axis=-1)
        y = y + combine[:, None] * _mlp(x, w1[i], w3[i], w2[i])
    y = y.reshape(orig_shape)
    # ---- shared experts ----
    shared = _mlp(hidden_states.reshape(-1, D), sw1, sw3, sw2).reshape(orig_shape)
    y = y + shared
    return y

if __name__ == "__main__":
    import jax
    _d = setup_inputs()
    print(jax.jit(kernel)(*tuple(_d.values())))

</pallas_src>

<mosaic_0001>
#map = affine_map<(d0, d1) -> (0)>
#map1 = affine_map<(d0, d1) -> (0, 0)>
module attributes {stable_mosaic.version = 14 : i64} {
  func.func @_combine_body(%arg0: i32, %arg1: i32, %arg2: memref<16384xi32, #tpu.memory_space<hbm>>, %arg3: memref<16384xf32, #tpu.memory_space<hbm>>, %arg4: memref<4096x512xi32, #tpu.memory_space<hbm>>, %arg5: memref<2048x512xi32, #tpu.memory_space<hbm>>, %arg6: memref<2048x512xi32, #tpu.memory_space<hbm>>, %arg7: memref<512xi32, #tpu.memory_space<vmem>>, %arg8: memref<512xf32, #tpu.memory_space<vmem>>, %arg9: memref<64xi32, #tpu.memory_space<vmem>>, %arg10: memref<64xi32, #tpu.memory_space<vmem>>, %arg11: memref<64x512xi32, #tpu.memory_space<vmem>>, %arg12: memref<64x512xi32, #tpu.memory_space<vmem>>, %arg13: memref<64x512xi32, #tpu.memory_space<vmem>>, %arg14: memref<!tpu.dma_semaphore, #tpu.memory_space<semaphore_mem>>, %arg15: memref<!tpu.dma_semaphore, #tpu.memory_space<semaphore_mem>>, %arg16: memref<!tpu.dma_semaphore, #tpu.memory_space<semaphore_mem>>) attributes {dimension_semantics = [#tpu.dimension_semantics<core_parallel>, #tpu.dimension_semantics<subcore_parallel>], iteration_bounds = array<i64: 2, 16>, scalar_prefetch = 0 : i64, scratch_operands = 10 : i64, tpu.core_type = #tpu.core_type<sc_vector_subcore>, window_params = [{transform_indices = #map}, {transform_indices = #map}, {transform_indices = #map1}, {transform_indices = #map1}, {transform_indices = #map1}]} {
    %mul3A = arith.constant 2 : i32
    %mul3A_0 = arith.muli %arg1, %mul3A : i32
    %add3A = arith.addi %mul3A_0, %arg0 : i32
    %mul3A_1 = arith.constant 64 : i32
    %mul3A_2 = arith.muli %add3A, %mul3A_1 : i32
    %mul3A_3 = arith.constant 8 : i32
    %mul3A_4 = arith.muli %mul3A_2, %mul3A_3 : i32
    "tpu.region"() ({
      %run_scoped3A = tpu.sem_alloc : memref<!tpu.dma_semaphore, #tpu.memory_space<semaphore_mem>>
      %dma_start3A_100 = tpu.memref_slice %arg2[%mul3A_4] : memref<16384xi32, #tpu.memory_space<hbm>> -> memref<512xi32, #tpu.memory_space<hbm>>
      %dma_start3A_101 = tpu.memref_slice %arg2[%mul3A_4] : memref<16384xi32, #tpu.memory_space<hbm>> -> memref<512xi32, #tpu.memory_space<hbm>>
      tpu.enqueue_dma source(%dma_start3A_101 : memref<512xi32, #tpu.memory_space<hbm>>) target(%arg7 : memref<512xi32, #tpu.memory_space<vmem>>) target_semaphore(%run_scoped3A : memref<!tpu.dma_semaphore, #tpu.memory_space<semaphore_mem>>)
      %dma_wait3A_102 = tpu.memref_slice %arg2[%mul3A_4] : memref<16384xi32, #tpu.memory_space<hbm>> -> memref<512xi32, #tpu.memory_space<hbm>>
      %dma_wait3A_103 = tpu.memref_slice %arg2[%mul3A_4] : memref<16384xi32, #tpu.memory_space<hbm>> -> memref<512xi32, #tpu.memory_space<hbm>>
      tpu.wait_dma2 semaphore(%run_scoped3A : memref<!tpu.dma_semaphore, #tpu.memory_space<semaphore_mem>>) src(%dma_wait3A_103 : memref<512xi32, #tpu.memory_space<hbm>>) dst(%arg7 : memref<512xi32, #tpu.memory_space<vmem>>)
      tpu.yield
    }) : () -> ()
    %mul3A_5 = arith.constant 8 : i32
    %mul3A_6 = arith.muli %mul3A_2, %mul3A_5 : i32
    "tpu.region"() ({
      %run_scoped3A = tpu.sem_alloc : memref<!tpu.dma_semaphore, #tpu.memory_space<semaphore_mem>>
      %dma_start3A_100 = tpu.memref_slice %arg3[%mul3A_6] : memref<16384xf32, #tpu.memory_space<hbm>> -> memref<512xf32, #tpu.memory_space<hbm>>
      %dma_start3A_101 = tpu.memref_slice %arg3[%mul3A_6] : memref<16384xf32, #tpu.memory_space<hbm>> -> memref<512xf32, #tpu.memory_space<hbm>>
      tpu.enqueue_dma source(%dma_start3A_101 : memref<512xf32, #tpu.memory_space<hbm>>) target(%arg8 : memref<512xf32, #tpu.memory_space<vmem>>) target_semaphore(%run_scoped3A : memref<!tpu.dma_semaphore, #tpu.memory_space<semaphore_mem>>)
      %dma_wait3A_102 = tpu.memref_slice %arg3[%mul3A_6] : memref<16384xf32, #tpu.memory_space<hbm>> -> memref<512xf32, #tpu.memory_space<hbm>>
      %dma_wait3A_103 = tpu.memref_slice %arg3[%mul3A_6] : memref<16384xf32, #tpu.memory_space<hbm>> -> memref<512xf32, #tpu.memory_space<hbm>>
      tpu.wait_dma2 semaphore(%run_scoped3A : memref<!tpu.dma_semaphore, #tpu.memory_space<semaphore_mem>>) src(%dma_wait3A_103 : memref<512xf32, #tpu.memory_space<hbm>>) dst(%arg8 : memref<512xf32, #tpu.memory_space<vmem>>)
      tpu.yield
    }) : () -> ()
    %iota3A = tpu.iota {dimensions = array<i32: 0>} : vector<16xi32>
    %add3A_7 = arith.constant 0 : i32
    %add3A_8 = vector.broadcast %add3A_7 : i32 to vector<16xi32>
    %add3A_9 = arith.addi %add3A_8, %iota3A : vector<16xi32>
    %mul3A_10 = arith.constant 8 : i32
    %mul3A_11 = vector.broadcast %mul3A_10 : i32 to vector<16xi32>
    %mul3A_12 = arith.muli %add3A_9, %mul3A_11 : vector<16xi32>
    %add3A_13 = arith.constant 2 : i32
    %add3A_14 = vector.broadcast %add3A_13 : i32 to vector<16xi32>
    %add3A_15 = arith.addi %mul3A_12, %add3A_14 : vector<16xi32>
    %gather3A = tpu.vector_load_idx %arg7[%add3A_15] : memref<512xi32, #tpu.memory_space<vmem>>[vector<16xi32>], vector<16xi32>,
    %swap3A = arith.constant 0 : index
    %swap3A_16 = tpu.vector_load %arg9[%swap3A] {strides = array<i32>} : memref<64xi32, #tpu.memory_space<vmem>>, vector<16xi32>,
    tpu.vector_store %arg9[%swap3A], %gather3A {strides = array<i32>} : memref<64xi32, #tpu.memory_space<vmem>>, vector<16xi32>,
    %add3A_17 = arith.constant 3 : i32
    %add3A_18 = vector.broadcast %add3A_17 : i32 to vector<16xi32>
    %add3A_19 = arith.addi %mul3A_12, %add3A_18 : vector<16xi32>
    %gather3A_20 = tpu.vector_load_idx %arg7[%add3A_19] : memref<512xi32, #tpu.memory_space<vmem>>[vector<16xi32>], vector<16xi32>,
    %swap3A_21 = arith.constant 0 : index
    %swap3A_22 = tpu.vector_load %arg10[%swap3A_21] {strides = array<i32>} : memref<64xi32, #tpu.memory_space<vmem>>, vector<16xi32>,
    tpu.vector_store %arg10[%swap3A_21], %gather3A_20 {strides = array<i32>} : memref<64xi32, #tpu.memory_space<vmem>>, vector<16xi32>,
    %add3A_23 = arith.constant 16 : i32
    %add3A_24 = vector.broadcast %add3A_23 : i32 to vector<16xi32>
    %add3A_25 = arith.addi %add3A_24, %iota3A : vector<16xi32>
    %mul3A_26 = arith.constant 8 : i32
    %mul3A_27 = vector.broadcast %mul3A_26 : i32 to vector<16xi32>
    %mul3A_28 = arith.muli %add3A_25, %mul3A_27 : vector<16xi32>
    %add3A_29 = arith.constant 2 : i32
    %add3A_30 = vector.broadcast %add3A_29 : i32 to vector<16xi32>
    %add3A_31 = arith.addi %mul3A_28, %add3A_30 : vector<16xi32>
    %gather3A_32 = tpu.vector_load_idx %arg7[%add3A_31] : memref<512xi32, #tpu.memory_space<vmem>>[vector<16xi32>], vector<16xi32>,
    %swap3A_33 = arith.constant 16 : index
    %swap3A_34 = tpu.vector_load %arg9[%swap3A_33] {strides = array<i32>} : memref<64xi32, #tpu.memory_space<vmem>>, vector<16xi32>,
    tpu.vector_store %arg9[%swap3A_33], %gather3A_32 {strides = array<i32>} : memref<64xi32, #tpu.memory_space<vmem>>, vector<16xi32>,
    %add3A_35 = arith.constant 3 : i32
    %add3A_36 = vector.broadcast %add3A_35 : i32 to vector<16xi32>
    %add3A_37 = arith.addi %mul3A_28, %add3A_36 : vector<16xi32>
    %gather3A_38 = tpu.vector_load_idx %arg7[%add3A_37] : memref<512xi32, #tpu.memory_space<vmem>>[vector<16xi32>], vector<16xi32>,
    %swap3A_39 = arith.constant 16 : index
    %swap3A_40 = tpu.vector_load %arg10[%swap3A_39] {strides = array<i32>} : memref<64xi32, #tpu.memory_space<vmem>>, vector<16xi32>,
    tpu.vector_store %arg10[%swap3A_39], %gather3A_38 {strides = array<i32>} : memref<64xi32, #tpu.memory_space<vmem>>, vector<16xi32>,
    %add3A_41 = arith.constant 32 : i32
    %add3A_42 = vector.broadcast %add3A_41 : i32 to vector<16xi32>
    %add3A_43 = arith.addi %add3A_42, %iota3A : vector<16xi32>
    %mul3A_44 = arith.constant 8 : i32
    %mul3A_45 = vector.broadcast %mul3A_44 : i32 to vector<16xi32>
    %mul3A_46 = arith.muli %add3A_43, %mul3A_45 : vector<16xi32>
    %add3A_47 = arith.constant 2 : i32
    %add3A_48 = vector.broadcast %add3A_47 : i32 to vector<16xi32>
    %add3A_49 = arith.addi %mul3A_46, %add3A_48 : vector<16xi32>
    %gather3A_50 = tpu.vector_load_idx %arg7[%add3A_49] : memref<512xi32, #tpu.memory_space<vmem>>[vector<16xi32>], vector<16xi32>,
    %swap3A_51 = arith.constant 32 : index
    %swap3A_52 = tpu.vector_load %arg9[%swap3A_51] {strides = array<i32>} : memref<64xi32, #tpu.memory_space<vmem>>, vector<16xi32>,
    tpu.vector_store %arg9[%swap3A_51], %gather3A_50 {strides = array<i32>} : memref<64xi32, #tpu.memory_space<vmem>>, vector<16xi32>,
    %add3A_53 = arith.constant 3 : i32
    %add3A_54 = vector.broadcast %add3A_53 : i32 to vector<16xi32>
    %add3A_55 = arith.addi %mul3A_46, %add3A_54 : vector<16xi32>
    %gather3A_56 = tpu.vector_load_idx %arg7[%add3A_55] : memref<512xi32, #tpu.memory_space<vmem>>[vector<16xi32>], vector<16xi32>,
    %swap3A_57 = arith.constant 32 : index
    %swap3A_58 = tpu.vector_load %arg10[%swap3A_57] {strides = array<i32>} : memref<64xi32, #tpu.memory_space<vmem>>, vector<16xi32>,
    tpu.vector_store %arg10[%swap3A_57], %gather3A_56 {strides = array<i32>} : memref<64xi32, #tpu.memory_space<vmem>>, vector<16xi32>,
    %add3A_59 = arith.constant 48 : i32
    %add3A_60 = vector.broadcast %add3A_59 : i32 to vector<16xi32>
    %add3A_61 = arith.addi %add3A_60, %iota3A : vector<16xi32>
    %mul3A_62 = arith.constant 8 : i32
    %mul3A_63 = vector.broadcast %mul3A_62 : i32 to vector<16xi32>
    %mul3A_64 = arith.muli %add3A_61, %mul3A_63 : vector<16xi32>
    %add3A_65 = arith.constant 2 : i32
    %add3A_66 = vector.broadcast %add3A_65 : i32 to vector<16xi32>
    %add3A_67 = arith.addi %mul3A_64, %add3A_66 : vector<16xi32>
    %gather3A_68 = tpu.vector_load_idx %arg7[%add3A_67] : memref<512xi32, #tpu.memory_space<vmem>>[vector<16xi32>], vector<16xi32>,
    %swap3A_69 = arith.constant 48 : index
    %swap3A_70 = tpu.vector_load %arg9[%swap3A_69] {strides = array<i32>} : memref<64xi32, #tpu.memory_space<vmem>>, vector<16xi32>,
    tpu.vector_store %arg9[%swap3A_69], %gather3A_68 {strides = array<i32>} : memref<64xi32, #tpu.memory_space<vmem>>, vector<16xi32>,
    %add3A_71 = arith.constant 3 : i32
    %add3A_72 = vector.broadcast %add3A_71 : i32 to vector<16xi32>
    %add3A_73 = arith.addi %mul3A_64, %add3A_72 : vector<16xi32>
    %gather3A_74 = tpu.vector_load_idx %arg7[%add3A_73] : memref<512xi32, #tpu.memory_space<vmem>>[vector<16xi32>], vector<16xi32>,
    %swap3A_75 = arith.constant 48 : index
    %swap3A_76 = tpu.vector_load %arg10[%swap3A_75] {strides = array<i32>} : memref<64xi32, #tpu.memory_space<vmem>>, vector<16xi32>,
    tpu.vector_store %arg10[%swap3A_75], %gather3A_74 {strides = array<i32>} : memref<64xi32, #tpu.memory_space<vmem>>, vector<16xi32>,
    %dma_start3A = arith.constant 0 : i32
    %dma_start3A_77 = arith.constant 0 : i32
    %dma_start3A_78 = tpu.memref_slice %arg4[%dma_start3A, %dma_start3A_77] : memref<4096x512xi32, #tpu.memory_space<hbm>> -> memref<4096x512xi32, #tpu.memory_space<hbm>>
    tpu.enqueue_indirect_dma source(%dma_start3A_78 : memref<4096x512xi32, #tpu.memory_space<hbm>>) target(%arg11 : memref<64x512xi32, #tpu.memory_space<vmem>>) offsets(%arg9 : memref<64xi32, #tpu.memory_space<vmem>>) semaphore(%arg14 : memref<!tpu.dma_semaphore, #tpu.memory_space<semaphore_mem>>)
    %dma_start3A_79 = arith.constant 0 : i32
    %dma_start3A_80 = arith.constant 0 : i32
    %dma_start3A_81 = tpu.memref_slice %arg4[%dma_start3A_79, %dma_start3A_80] : memref<4096x512xi32, #tpu.memory_space<hbm>> -> memref<4096x512xi32, #tpu.memory_space<hbm>>
    tpu.enqueue_indirect_dma source(%dma_start3A_81 : memref<4096x512xi32, #tpu.memory_space<hbm>>) target(%arg12 : memref<64x512xi32, #tpu.memory_space<vmem>>) offsets(%arg10 : memref<64xi32, #tpu.memory_space<vmem>>) semaphore(%arg15 : memref<!tpu.dma_semaphore, #tpu.memory_space<semaphore_mem>>)
    %dma_start3A_82 = arith.constant 0 : i32
    %dma_start3A_83 = tpu.memref_slice %arg5[%mul3A_2, %dma_start3A_82] : memref<2048x512xi32, #tpu.memory_space<hbm>> -> memref<64x512xi32, #tpu.memory_space<hbm>>
    %dma_start3A_84 = arith.constant 0 : i32
    %dma_start3A_85 = tpu.memref_slice %arg5[%mul3A_2, %dma_start3A_84] : memref<2048x512xi32, #tpu.memory_space<hbm>> -> memref<64x512xi32, #tpu.memory_space<hbm>>
    tpu.enqueue_dma source(%dma_start3A_85 : memref<64x512xi32, #tpu.memory_space<hbm>>) target(%arg13 : memref<64x512xi32, #tpu.memory_space<vmem>>) target_semaphore(%arg16 : memref<!tpu.dma_semaphore, #tpu.memory_space<semaphore_mem>>)
    %dma_wait3A = arith.constant 0 : i32
    %dma_wait3A_86 = arith.constant 0 : i32
    %dma_wait3A_87 = tpu.memref_slice %arg4[%dma_wait3A, %dma_wait3A_86] : memref<4096x512xi32, #tpu.memory_space<hbm>> -> memref<4096x512xi32, #tpu.memory_space<hbm>>
    tpu.wait_indirect_dma semaphore(%arg14 : memref<!tpu.dma_semaphore, #tpu.memory_space<semaphore_mem>>) src(%dma_wait3A_87 : memref<4096x512xi32, #tpu.memory_space<hbm>>) dst(%arg11 : memref<64x512xi32, #tpu.memory_space<vmem>>)
    %dma_wait3A_88 = arith.constant 0 : i32
    %dma_wait3A_89 = arith.constant 0 : i32
    %dma_wait3A_90 = tpu.memref_slice %arg4[%dma_wait3A_88, %dma_wait3A_89] : memref<4096x512xi32, #tpu.memory_space<hbm>> -> memref<4096x512xi32, #tpu.memory_space<hbm>>
    tpu.wait_indirect_dma semaphore(%arg15 : memref<!tpu.dma_semaphore, #tpu.memory_space<semaphore_mem>>) src(%dma_wait3A_90 : memref<4096x512xi32, #tpu.memory_space<hbm>>) dst(%arg12 : memref<64x512xi32, #tpu.memory_space<vmem>>)
    %dma_wait3A_91 = arith.constant 0 : i32
    %dma_wait3A_92 = tpu.memref_slice %arg5[%mul3A_2, %dma_wait3A_91] : memref<2048x512xi32, #tpu.memory_space<hbm>> -> memref<64x512xi32, #tpu.memory_space<hbm>>
    %dma_wait3A_93 = arith.constant 0 : i32
    %dma_wait3A_94 = tpu.memref_slice %arg5[%mul3A_2, %dma_wait3A_93] : memref<2048x512xi32, #tpu.memory_space<hbm>> -> memref<64x512xi32, #tpu.memory_space<hbm>>
    tpu.wait_dma2 semaphore(%arg16 : memref<!tpu.dma_semaphore, #tpu.memory_space<semaphore_mem>>) src(%dma_wait3A_94 : memref<64x512xi32, #tpu.memory_space<hbm>>) dst(%arg13 : memref<64x512xi32, #tpu.memory_space<vmem>>)
    %scan3A = arith.constant 0 : i32
    %scan3A_95 = arith.constant 0 : i32
    %scan3A_96 = arith.constant 64 : i32
    %scan3A_97 = arith.addi %scan3A_95, %scan3A_96 : i32
    %scan3A_98 = arith.constant 1 : i32
    scf.for %scan3A_100 = %scan3A_95 to %scan3A_97 step %scan3A_98  : i32 {
      %mul3A_101 = arith.constant 8 : i32
      %mul3A_102 = arith.muli %scan3A_100, %mul3A_101 : i32
      %broadcast_in_dim3A = vector.broadcast %mul3A_102 : i32 to vector<16xi32>
      %gather3A_103 = tpu.vector_load_idx %arg8[%broadcast_in_dim3A] : memref<512xf32, #tpu.memory_space<vmem>>[vector<16xi32>], vector<16xf32>,
      %add3A_104 = arith.constant 1 : i32
      %add3A_105 = vector.broadcast %add3A_104 : i32 to vector<16xi32>
      %add3A_106 = arith.addi %broadcast_in_dim3A, %add3A_105 : vector<16xi32>
      %gather3A_107 = tpu.vector_load_idx %arg8[%add3A_106] : memref<512xf32, #tpu.memory_space<vmem>>[vector<16xi32>], vector<16xf32>,
      %pack3A = tpu.pack_subelements %gather3A_103, %gather3A_103 {pack_format = #tpu.pack_format<interleaved>, positions = array<i32: 0, 1>} : vector<16xf32>, vector<16xf32> -> vector<32xbf16>
      %pack3A_108 = tpu.pack_subelements %gather3A_107, %gather3A_107 {pack_format = #tpu.pack_format<interleaved>, positions = array<i32: 0, 1>} : vector<16xf32>, vector<16xf32> -> vector<32xbf16>
      %get3A = arith.index_cast %scan3A_100 : i32 to index
      %get3A_109 = arith.constant 0 : index
      %get3A_110 = tpu.vector_load %arg11[%get3A, %get3A_109] {strides = array<i32>} : memref<64x512xi32, #tpu.memory_space<vmem>>, vector<16xi32>,
      %bitcast3A = vector.bitcast %get3A_110 : vector<16xi32> to vector<32xbf16>
      %get3A_111 = arith.index_cast %scan3A_100 : i32 to index
      %get3A_112 = arith.constant 0 : index
      %get3A_113 = tpu.vector_load %arg12[%get3A_111, %get3A_112] {strides = array<i32>} : memref<64x512xi32, #tpu.memory_space<vmem>>, vector<16xi32>,
      %bitcast3A_114 = vector.bitcast %get3A_113 : vector<16xi32> to vector<32xbf16>
      %get3A_115 = arith.index_cast %scan3A_100 : i32 to index
      %get3A_116 = arith.constant 0 : index
      %get3A_117 = tpu.vector_load %arg13[%get3A_115, %get3A_116] {strides = array<i32>} : memref<64x512xi32, #tpu.memory_space<vmem>>, vector<16xi32>,
      %bitcast3A_118 = vector.bitcast %get3A_117 : vector<16xi32> to vector<32xbf16>
      %mul3A_119 = arith.mulf %pack3A, %bitcast3A : vector<32xbf16>
      %add3A_120 = arith.addf %bitcast3A_118, %mul3A_119 : vector<32xbf16>
      %mul3A_121 = arith.mulf %pack3A_108, %bitcast3A_114 : vector<32xbf16>
      %add3A_122 = arith.addf %add3A_120, %mul3A_121 : vector<32xbf16>
      %bitcast3A_123 = vector.bitcast %add3A_122 : vector<32xbf16> to vector<16xi32>
      %swap3A_124 = arith.index_cast %scan3A_100 : i32 to index
      %swap3A_125 = arith.constant 0 : index
      %swap3A_126 = tpu.vector_load %arg13[%swap3A_124, %swap3A_125] {strides = array<i32>} : memref<64x512xi32, #tpu.memory_space<vmem>>, vector<16xi32>,
      tpu.vector_store %arg13[%swap3A_124, %swap3A_125], %bitcast3A_123 {strides = array<i32>} : memref<64x512xi32, #tpu.memory_space<vmem>>, vector<16xi32>,
      %get3A_127 = arith.index_cast %scan3A_100 : i32 to index
      %get3A_128 = arith.constant 16 : index
      %get3A_129 = tpu.vector_load %arg11[%get3A_127, %get3A_128] {strides = array<i32>} : memref<64x512xi32, #tpu.memory_space<vmem>>, vector<16xi32>,
      %bitcast3A_130 = vector.bitcast %get3A_129 : vector<16xi32> to vector<32xbf16>
      %get3A_131 = arith.index_cast %scan3A_100 : i32 to index
      %get3A_132 = arith.constant 16 : index
      %get3A_133 = tpu.vector_load %arg12[%get3A_131, %get3A_132] {strides = array<i32>} : memref<64x512xi32, #tpu.memory_space<vmem>>, vector<16xi32>,
      %bitcast3A_134 = vector.bitcast %get3A_133 : vector<16xi32> to vector<32xbf16>
      %get3A_135 = arith.index_cast %scan3A_100 : i32 to index
      %get3A_136 = arith.constant 16 : index
      %get3A_137 = tpu.vector_load %arg13[%get3A_135, %get3A_136] {strides = array<i32>} : memref<64x512xi32, #tpu.memory_space<vmem>>, vector<16xi32>,
      %bitcast3A_138 = vector.bitcast %get3A_137 : vector<16xi32> to vector<32xbf16>
      %mul3A_139 = arith.mulf %pack3A, %bitcast3A_130 : vector<32xbf16>
      %add3A_140 = arith.addf %bitcast3A_138, %mul3A_139 : vector<32xbf16>
      %mul3A_141 = arith.mulf %pack3A_108, %bitcast3A_134 : vector<32xbf16>
      %add3A_142 = arith.addf %add3A_140, %mul3A_141 : vector<32xbf16>
      %bitcast3A_143 = vector.bitcast %add3A_142 : vector<32xbf16> to vector<16xi32>
      %swap3A_144 = arith.index_cast %scan3A_100 : i32 to index
      %swap3A_145 = arith.constant 16 : index
      %swap3A_146 = tpu.vector_load %arg13[%swap3A_144, %swap3A_145] {strides = array<i32>} : memref<64x512xi32, #tpu.memory_space<vmem>>, vector<16xi32>,
      tpu.vector_store %arg13[%swap3A_144, %swap3A_145], %bitcast3A_143 {strides = array<i32>} : memref<64x512xi32, #tpu.memory_space<vmem>>, vector<16xi32>,
      %get3A_147 = arith.index_cast %scan3A_100 : i32 to index
      %get3A_148 = arith.constant 32 : index
      %get3A_149 = tpu.vector_load %arg11[%get3A_147, %get3A_148] {strides = array<i32>} : memref<64x512xi32, #tpu.memory_space<vmem>>, vector<16xi32>,
      %bitcast3A_150 = vector.bitcast %get3A_149 : vector<16xi32> to vector<32xbf16>
      %get3A_151 = arith.index_cast %scan3A_100 : i32 to index
      %get3A_152 = arith.constant 32 : index
      %get3A_153 = tpu.vector_load %arg12[%get3A_151, %get3A_152] {strides = array<i32>} : memref<64x512xi32, #tpu.memory_space<vmem>>, vector<16xi32>,
      %bitcast3A_154 = vector.bitcast %get3A_153 : vector<16xi32> to vector<32xbf16>
      %get3A_155 = arith.index_cast %scan3A_100 : i32 to index
      %get3A_156 = arith.constant 32 : index
      %get3A_157 = tpu.vector_load %arg13[%get3A_155, %get3A_156] {strides = array<i32>} : memref<64x512xi32, #tpu.memory_space<vmem>>, vector<16xi32>,
      %bitcast3A_158 = vector.bitcast %get3A_157 : vector<16xi32> to vector<32xbf16>
      %mul3A_159 = arith.mulf %pack3A, %bitcast3A_150 : vector<32xbf16>
      %add3A_160 = arith.addf %bitcast3A_158, %mul3A_159 : vector<32xbf16>
      %mul3A_161 = arith.mulf %pack3A_108, %bitcast3A_154 : vector<32xbf16>
      %add3A_162 = arith.addf %add3A_160, %mul3A_161 : vector<32xbf16>
      %bitcast3A_163 = vector.bitcast %add3A_162 : vector<32xbf16> to vector<16xi32>
      %swap3A_164 = arith.index_cast %scan3A_100 : i32 to index
      %swap3A_165 = arith.constant 32 : index
      %swap3A_166 = tpu.vector_load %arg13[%swap3A_164, %swap3A_165] {strides = array<i32>} : memref<64x512xi32, #tpu.memory_space<vmem>>, vector<16xi32>,
      tpu.vector_store %arg13[%swap3A_164, %swap3A_165], %bitcast3A_163 {strides = array<i32>} : memref<64x512xi32, #tpu.memory_space<vmem>>, vector<16xi32>,
      %get3A_167 = arith.index_cast %scan3A_100 : i32 to index
      %get3A_168 = arith.constant 48 : index
      %get3A_169 = tpu.vector_load %arg11[%get3A_167, %get3A_168] {strides = array<i32>} : memref<64x512xi32, #tpu.memory_space<vmem>>, vector<16xi32>,
      %bitcast3A_170 = vector.bitcast %get3A_169 : vector<16xi32> to vector<32xbf16>
      %get3A_171 = arith.index_cast %scan3A_100 : i32 to index
      %get3A_172 = arith.constant 48 : index
      %get3A_173 = tpu.vector_load %arg12[%get3A_171, %get3A_172] {strides = array<i32>} : memref<64x512xi32, #tpu.memory_space<vmem>>, vector<16xi32>,
      %bitcast3A_174 = vector.bitcast %get3A_173 : vector<16xi32> to vector<32xbf16>
      %get3A_175 = arith.index_cast %scan3A_100 : i32 to index
      %get3A_176 = arith.constant 48 : index
      %get3A_177 = tpu.vector_load %arg13[%get3A_175, %get3A_176] {strides = array<i32>} : memref<64x512xi32, #tpu.memory_space<vmem>>, vector<16xi32>,
      %bitcast3A_178 = vector.bitcast %get3A_177 : vector<16xi32> to vector<32xbf16>
      %mul3A_179 = arith.mulf %pack3A, %bitcast3A_170 : vector<32xbf16>
      %add3A_180 = arith.addf %bitcast3A_178, %mul3A_179 : vector<32xbf16>
      %mul3A_181 = arith.mulf %pack3A_108, %bitcast3A_174 : vector<32xbf16>
      %add3A_182 = arith.addf %add3A_180, %mul3A_181 : vector<32xbf16>
      %bitcast3A_183 = vector.bitcast %add3A_182 : vector<32xbf16> to vector<16xi32>
      %swap3A_184 = arith.index_cast %scan3A_100 : i32 to index
      %swap3A_185 = arith.constant 48 : index
      %swap3A_186 = tpu.vector_load %arg13[%swap3A_184, %swap3A_185] {strides = array<i32>} : memref<64x512xi32, #tpu.memory_space<vmem>>, vector<16xi32>,
      tpu.vector_store %arg13[%swap3A_184, %swap3A_185], %bitcast3A_183 {strides = array<i32>} : memref<64x512xi32, #tpu.memory_space<vmem>>, vector<16xi32>,
      %get3A_187 = arith.index_cast %scan3A_100 : i32 to index
      %get3A_188 = arith.constant 64 : index
      %get3A_189 = tpu.vector_load %arg11[%get3A_187, %get3A_188] {strides = array<i32>} : memref<64x512xi32, #tpu.memory_space<vmem>>, vector<16xi32>,
      %bitcast3A_190 = vector.bitcast %get3A_189 : vector<16xi32> to vector<32xbf16>
      %get3A_191 = arith.index_cast %scan3A_100 : i32 to index
      %get3A_192 = arith.constant 64 : index
      %get3A_193 = tpu.vector_load %arg12[%get3A_191, %get3A_192] {strides = array<i32>} : memref<64x512xi32, #tpu.memory_space<vmem>>, vector<16xi32>,
      %bitcast3A_194 = vector.bitcast %get3A_193 : vector<16xi32> to vector<32xbf16>
      %get3A_195 = arith.index_cast %scan3A_100 : i32 to index
      %get3A_196 = arith.constant 64 : index
      %get3A_197 = tpu.vector_load %arg13[%get3A_195, %get3A_196] {strides = array<i32>} : memref<64x512xi32, #tpu.memory_space<vmem>>, vector<16xi32>,
      %bitcast3A_198 = vector.bitcast %get3A_197 : vector<16xi32> to vector<32xbf16>
      %mul3A_199 = arith.mulf %pack3A, %bitcast3A_190 : vector<32xbf16>
      %add3A_200 = arith.addf %bitcast3A_198, %mul3A_199 : vector<32xbf16>
      %mul3A_201 = arith.mulf %pack3A_108, %bitcast3A_194 : vector<32xbf16>
      %add3A_202 = arith.addf %add3A_200, %mul3A_201 : vector<32xbf16>
      %bitcast3A_203 = vector.bitcast %add3A_202 : vector<32xbf16> to vector<16xi32>
      %swap3A_204 = arith.index_cast %scan3A_100 : i32 to index
      %swap3A_205 = arith.constant 64 : index
      %swap3A_206 = tpu.vector_load %arg13[%swap3A_204, %swap3A_205] {strides = array<i32>} : memref<64x512xi32, #tpu.memory_space<vmem>>, vector<16xi32>,
      tpu.vector_store %arg13[%swap3A_204, %swap3A_205], %bitcast3A_203 {strides = array<i32>} : memref<64x512xi32, #tpu.memory_space<vmem>>, vector<16xi32>,
      %get3A_207 = arith.index_cast %scan3A_100 : i32 to index
      %get3A_208 = arith.constant 80 : index
      %get3A_209 = tpu.vector_load %arg11[%get3A_207, %get3A_208] {strides = array<i32>} : memref<64x512xi32, #tpu.memory_space<vmem>>, vector<16xi32>,
      %bitcast3A_210 = vector.bitcast %get3A_209 : vector<16xi32> to vector<32xbf16>
      %get3A_211 = arith.index_cast %scan3A_100 : i32 to index
      %get3A_212 = arith.constant 80 : index
      %get3A_213 = tpu.vector_load %arg12[%get3A_211, %get3A_212] {strides = array<i32>} : memref<64x512xi32, #tpu.memory_space<vmem>>, vector<16xi32>,
      %bitcast3A_214 = vector.bitcast %get3A_213 : vector<16xi32> to vector<32xbf16>
      %get3A_215 = arith.index_cast %scan3A_100 : i32 to index
      %get3A_216 = arith.constant 80 : index
      %get3A_217 = tpu.vector_load %arg13[%get3A_215, %get3A_216] {strides = array<i32>} : memref<64x512xi32, #tpu.memory_space<vmem>>, vector<16xi32>,
      %bitcast3A_218 = vector.bitcast %get3A_217 : vector<16xi32> to vector<32xbf16>
      %mul3A_219 = arith.mulf %pack3A, %bitcast3A_210 : vector<32xbf16>
      %add3A_220 = arith.addf %bitcast3A_218, %mul3A_219 : vector<32xbf16>
      %mul3A_221 = arith.mulf %pack3A_108, %bitcast3A_214 : vector<32xbf16>
      %add3A_222 = arith.addf %add3A_220, %mul3A_221 : vector<32xbf16>
      %bitcast3A_223 = vector.bitcast %add3A_222 : vector<32xbf16> to vector<16xi32>
      %swap3A_224 = arith.index_cast %scan3A_100 : i32 to index
      %swap3A_225 = arith.constant 80 : index
      %swap3A_226 = tpu.vector_load %arg13[%swap3A_224, %swap3A_225] {strides = array<i32>} : memref<64x512xi32, #tpu.memory_space<vmem>>, vector<16xi32>,
      tpu.vector_store %arg13[%swap3A_224, %swap3A_225], %bitcast3A_223 {strides = array<i32>} : memref<64x512xi32, #tpu.memory_space<vmem>>, vector<16xi32>,
      %get3A_227 = arith.index_cast %scan3A_100 : i32 to index
      %get3A_228 = arith.constant 96 : index
      %get3A_229 = tpu.vector_load %arg11[%get3A_227, %get3A_228] {strides = array<i32>} : memref<64x512xi32, #tpu.memory_space<vmem>>, vector<16xi32>,
      %bitcast3A_230 = vector.bitcast %get3A_229 : vector<16xi32> to vector<32xbf16>
      %get3A_231 = arith.index_cast %scan3A_100 : i32 to index
      %get3A_232 = arith.constant 96 : index
      %get3A_233 = tpu.vector_load %arg12[%get3A_231, %get3A_232] {strides = array<i32>} : memref<64x512xi32, #tpu.memory_space<vmem>>, vector<16xi32>,
      %bitcast3A_234 = vector.bitcast %get3A_233 : vector<16xi32> to vector<32xbf16>
      %get3A_235 = arith.index_cast %scan3A_100 : i32 to index
      %get3A_236 = arith.constant 96 : index
      %get3A_237 = tpu.vector_load %arg13[%get3A_235, %get3A_236] {strides = array<i32>} : memref<64x512xi32, #tpu.memory_space<vmem>>, vector<16xi32>,
      %bitcast3A_238 = vector.bitcast %get3A_237 : vector<16xi32> to vector<32xbf16>
      %mul3A_239 = arith.mulf %pack3A, %bitcast3A_230 : vector<32xbf16>
      %add3A_240 = arith.addf %bitcast3A_238, %mul3A_239 : vector<32xbf16>
      %mul3A_241 = arith.mulf %pack3A_108, %bitcast3A_234 : vector<32xbf16>
      %add3A_242 = arith.addf %add3A_240, %mul3A_241 : vector<32xbf16>
      %bitcast3A_243 = vector.bitcast %add3A_242 : vector<32xbf16> to vector<16xi32>
      %swap3A_244 = arith.index_cast %scan3A_100 : i32 to index
      %swap3A_245 = arith.constant 96 : index
      %swap3A_246 = tpu.vector_load %arg13[%swap3A_244, %swap3A_245] {strides = array<i32>} : memref<64x512xi32, #tpu.memory_space<vmem>>, vector<16xi32>,
      tpu.vector_store %arg13[%swap3A_244, %swap3A_245], %bitcast3A_243 {strides = array<i32>} : memref<64x512xi32, #tpu.memory_space<vmem>>, vector<16xi32>,
      %get3A_247 = arith.index_cast %scan3A_100 : i32 to index
      %get3A_248 = arith.constant 112 : index
      %get3A_249 = tpu.vector_load %arg11[%get3A_247, %get3A_248] {strides = array<i32>} : memref<64x512xi32, #tpu.memory_space<vmem>>, vector<16xi32>,
      %bitcast3A_250 = vector.bitcast %get3A_249 : vector<16xi32> to vector<32xbf16>
      %get3A_251 = arith.index_cast %scan3A_100 : i32 to index
      %get3A_252 = arith.constant 112 : index
      %get3A_253 = tpu.vector_load %arg12[%get3A_251, %get3A_252] {strides = array<i32>} : memref<64x512xi32, #tpu.memory_space<vmem>>, vector<16xi32>,
      %bitcast3A_254 = vector.bitcast %get3A_253 : vector<16xi32> to vector<32xbf16>
      %get3A_255 = arith.index_cast %scan3A_100 : i32 to index
      %get3A_256 = arith.constant 112 : index
      %get3A_257 = tpu.vector_load %arg13[%get3A_255, %get3A_256] {strides = array<i32>} : memref<64x512xi32, #tpu.memory_space<vmem>>, vector<16xi32>,
      %bitcast3A_258 = vector.bitcast %get3A_257 : vector<16xi32> to vector<32xbf16>
      %mul3A_259 = arith.mulf %pack3A, %bitcast3A_250 : vector<32xbf16>
      %add3A_260 = arith.addf %bitcast3A_258, %mul3A_259 : vector<32xbf16>
      %mul3A_261 = arith.mulf %pack3A_108, %bitcast3A_254 : vector<32xbf16>
      %add3A_262 = arith.addf %add3A_260, %mul3A_261 : vector<32xbf16>
      %bitcast3A_263 = vector.bitcast %add3A_262 : vector<32xbf16> to vector<16xi32>
      %swap3A_264 = arith.index_cast %scan3A_100 : i32 to index
      %swap3A_265 = arith.constant 112 : index
      %swap3A_266 = tpu.vector_load %arg13[%swap3A_264, %swap3A_265] {strides = array<i32>} : memref<64x512xi32, #tpu.memory_space<vmem>>, vector<16xi32>,
      tpu.vector_store %arg13[%swap3A_264, %swap3A_265], %bitcast3A_263 {strides = array<i32>} : memref<64x512xi32, #tpu.memory_space<vmem>>, vector<16xi32>,
      %get3A_267 = arith.index_cast %scan3A_100 : i32 to index
      %get3A_268 = arith.constant 128 : index
      %get3A_269 = tpu.vector_load %arg11[%get3A_267, %get3A_268] {strides = array<i32>} : memref<64x512xi32, #tpu.memory_space<vmem>>, vector<16xi32>,
      %bitcast3A_270 = vector.bitcast %get3A_269 : vector<16xi32> to vector<32xbf16>
      %get3A_271 = arith.index_cast %scan3A_100 : i32 to index
      %get3A_272 = arith.constant 128 : index
      %get3A_273 = tpu.vector_load %arg12[%get3A_271, %get3A_272] {strides = array<i32>} : memref<64x512xi32, #tpu.memory_space<vmem>>, vector<16xi32>,
      %bitcast3A_274 = vector.bitcast %get3A_273 : vector<16xi32> to vector<32xbf16>
      %get3A_275 = arith.index_cast %scan3A_100 : i32 to index
      %get3A_276 = arith.constant 128 : index
      %get3A_277 = tpu.vector_load %arg13[%get3A_275, %get3A_276] {strides = array<i32>} : memref<64x512xi32, #tpu.memory_space<vmem>>, vector<16xi32>,
      %bitcast3A_278 = vector.bitcast %get3A_277 : vector<16xi32> to vector<32xbf16>
      %mul3A_279 = arith.mulf %pack3A, %bitcast3A_270 : vector<32xbf16>
      %add3A_280 = arith.addf %bitcast3A_278, %mul3A_279 : vector<32xbf16>
      %mul3A_281 = arith.mulf %pack3A_108, %bitcast3A_274 : vector<32xbf16>
      %add3A_282 = arith.addf %add3A_280, %mul3A_281 : vector<32xbf16>
      %bitcast3A_283 = vector.bitcast %add3A_282 : vector<32xbf16> to vector<16xi32>
      %swap3A_284 = arith.index_cast %scan3A_100 : i32 to index
      %swap3A_285 = arith.constant 128 : index
      %swap3A_286 = tpu.vector_load %arg13[%swap3A_284, %swap3A_285] {strides = array<i32>} : memref<64x512xi32, #tpu.memory_space<vmem>>, vector<16xi32>,
      tpu.vector_store %arg13[%swap3A_284, %swap3A_285], %bitcast3A_283 {strides = array<i32>} : memref<64x512xi32, #tpu.memory_space<vmem>>, vector<16xi32>,
      %get3A_287 = arith.index_cast %scan3A_100 : i32 to index
      %get3A_288 = arith.constant 144 : index
      %get3A_289 = tpu.vector_load %arg11[%get3A_287, %get3A_288] {strides = array<i32>} : memref<64x512xi32, #tpu.memory_space<vmem>>, vector<16xi32>,
      %bitcast3A_290 = vector.bitcast %get3A_289 : vector<16xi32> to vector<32xbf16>
      %get3A_291 = arith.index_cast %scan3A_100 : i32 to index
      %get3A_292 = arith.constant 144 : index
      %get3A_293 = tpu.vector_load %arg12[%get3A_291, %get3A_292] {strides = array<i32>} : memref<64x512xi32, #tpu.memory_space<vmem>>, vector<16xi32>,
      %bitcast3A_294 = vector.bitcast %get3A_293 : vector<16xi32> to vector<32xbf16>
      %get3A_295 = arith.index_cast %scan3A_100 : i32 to index
      %get3A_296 = arith.constant 144 : index
      %get3A_297 = tpu.vector_load %arg13[%get3A_295, %get3A_296] {strides = array<i32>} : memref<64x512xi32, #tpu.memory_space<vmem>>, vector<16xi32>,
      %bitcast3A_298 = vector.bitcast %get3A_297 : vector<16xi32> to vector<32xbf16>
      %mul3A_299 = arith.mulf %pack3A, %bitcast3A_290 : vector<32xbf16>
      %add3A_300 = arith.addf %bitcast3A_298, %mul3A_299 : vector<32xbf16>
      %mul3A_301 = arith.mulf %pack3A_108, %bitcast3A_294 : vector<32xbf16>
      %add3A_302 = arith.addf %add3A_300, %mul3A_301 : vector<32xbf16>
      %bitcast3A_303 = vector.bitcast %add3A_302 : vector<32xbf16> to vector<16xi32>
      %swap3A_304 = arith.index_cast %scan3A_100 : i32 to index
      %swap3A_305 = arith.constant 144 : index
      %swap3A_306 = tpu.vector_load %arg13[%swap3A_304, %swap3A_305] {strides = array<i32>} : memref<64x512xi32, #tpu.memory_space<vmem>>, vector<16xi32>,
      tpu.vector_store %arg13[%swap3A_304, %swap3A_305], %bitcast3A_303 {strides = array<i32>} : memref<64x512xi32, #tpu.memory_space<vmem>>, vector<16xi32>,
      %get3A_307 = arith.index_cast %scan3A_100 : i32 to index
      %get3A_308 = arith.constant 160 : index
      %get3A_309 = tpu.vector_load %arg11[%get3A_307, %get3A_308] {strides = array<i32>} : memref<64x512xi32, #tpu.memory_space<vmem>>, vector<16xi32>,
      %bitcast3A_310 = vector.bitcast %get3A_309 : vector<16xi32> to vector<32xbf16>
      %get3A_311 = arith.index_cast %scan3A_100 : i32 to index
      %get3A_312 = arith.constant 160 : index
      %get3A_313 = tpu.vector_load %arg12[%get3A_311, %get3A_312] {strides = array<i32>} : memref<64x512xi32, #tpu.memory_space<vmem>>, vector<16xi32>,
      %bitcast3A_314 = vector.bitcast %get3A_313 : vector<16xi32> to vector<32xbf16>
      %get3A_315 = arith.index_cast %scan3A_100 : i32 to index
      %get3A_316 = arith.constant 160 : index
      %get3A_317 = tpu.vector_load %arg13[%get3A_315, %get3A_316] {strides = array<i32>} : memref<64x512xi32, #tpu.memory_space<vmem>>, vector<16xi32>,
      %bitcast3A_318 = vector.bitcast %get3A_317 : vector<16xi32> to vector<32xbf16>
      %mul3A_319 = arith.mulf %pack3A, %bitcast3A_310 : vector<32xbf16>
      %add3A_320 = arith.addf %bitcast3A_318, %mul3A_319 : vector<32xbf16>
      %mul3A_321 = arith.mulf %pack3A_108, %bitcast3A_314 : vector<32xbf16>
      %add3A_322 = arith.addf %add3A_320, %mul3A_321 : vector<32xbf16>
      %bitcast3A_323 = vector.bitcast %add3A_322 : vector<32xbf16> to vector<16xi32>
      %swap3A_324 = arith.index_cast %scan3A_100 : i32 to index
      %swap3A_325 = arith.constant 160 : index
      %swap3A_326 = tpu.vector_load %arg13[%swap3A_324, %swap3A_325] {strides = array<i32>} : memref<64x512xi32, #tpu.memory_space<vmem>>, vector<16xi32>,
      tpu.vector_store %arg13[%swap3A_324, %swap3A_325], %bitcast3A_323 {strides = array<i32>} : memref<64x512xi32, #tpu.memory_space<vmem>>, vector<16xi32>,
      %get3A_327 = arith.index_cast %scan3A_100 : i32 to index
      %get3A_328 = arith.constant 176 : index
      %get3A_329 = tpu.vector_load %arg11[%get3A_327, %get3A_328] {strides = array<i32>} : memref<64x512xi32, #tpu.memory_space<vmem>>, vector<16xi32>,
      %bitcast3A_330 = vector.bitcast %get3A_329 : vector<16xi32> to vector<32xbf16>
      %get3A_331 = arith.index_cast %scan3A_100 : i32 to index
      %get3A_332 = arith.constant 176 : index
      %get3A_333 = tpu.vector_load %arg12[%get3A_331, %get3A_332] {strides = array<i32>} : memref<64x512xi32, #tpu.memory_space<vmem>>, vector<16xi32>,
      %bitcast3A_334 = vector.bitcast %get3A_333 : vector<16xi32> to vector<32xbf16>
      %get3A_335 = arith.index_cast %scan3A_100 : i32 to index
      %get3A_336 = arith.constant 176 : index
      %get3A_337 = tpu.vector_load %arg13[%get3A_335, %get3A_336] {strides = array<i32>} : memref<64x512xi32, #tpu.memory_space<vmem>>, vector<16xi32>,
      %bitcast3A_338 = vector.bitcast %get3A_337 : vector<16xi32> to vector<32xbf16>
      %mul3A_339 = arith.mulf %pack3A, %bitcast3A_330 : vector<32xbf16>
      %add3A_340 = arith.addf %bitcast3A_338, %mul3A_339 : vector<32xbf16>
      %mul3A_341 = arith.mulf %pack3A_108, %bitcast3A_334 : vector<32xbf16>
      %add3A_342 = arith.addf %add3A_340, %mul3A_341 : vector<32xbf16>
      %bitcast3A_343 = vector.bitcast %add3A_342 : vector<32xbf16> to vector<16xi32>
      %swap3A_344 = arith.index_cast %scan3A_100 : i32 to index
      %swap3A_345 = arith.constant 176 : index
      %swap3A_346 = tpu.vector_load %arg13[%swap3A_344, %swap3A_345] {strides = array<i32>} : memref<64x512xi32, #tpu.memory_space<vmem>>, vector<16xi32>,
      tpu.vector_store %arg13[%swap3A_344, %swap3A_345], %bitcast3A_343 {strides = array<i32>} : memref<64x512xi32, #tpu.memory_space<vmem>>, vector<16xi32>,
      %get3A_347 = arith.index_cast %scan3A_100 : i32 to index
      %get3A_348 = arith.constant 192 : index
      %get3A_349 = tpu.vector_load %arg11[%get3A_347, %get3A_348] {strides = array<i32>} : memref<64x512xi32, #tpu.memory_space<vmem>>, vector<16xi32>,
      %bitcast3A_350 = vector.bitcast %get3A_349 : vector<16xi32> to vector<32xbf16>
      %get3A_351 = arith.index_cast %scan3A_100 : i32 to index
      %get3A_352 = arith.constant 192 : index
      %get3A_353 = tpu.vector_load %arg12[%get3A_351, %get3A_352] {strides = array<i32>} : memref<64x512xi32, #tpu.memory_space<vmem>>, vector<16xi32>,
      %bitcast3A_354 = vector.bitcast %get3A_353 : vector<16xi32> to vector<32xbf16>
      %get3A_355 = arith.index_cast %scan3A_100 : i32 to index
      %get3A_356 = arith.constant 192 : index
      %get3A_357 = tpu.vector_load %arg13[%get3A_355, %get3A_356] {strides = array<i32>} : memref<64x512xi32, #tpu.memory_space<vmem>>, vector<16xi32>,
      %bitcast3A_358 = vector.bitcast %get3A_357 : vector<16xi32> to vector<32xbf16>
      %mul3A_359 = arith.mulf %pack3A, %bitcast3A_350 : vector<32xbf16>
      %add3A_360 = arith.addf %bitcast3A_358, %mul3A_359 : vector<32xbf16>
      %mul3A_361 = arith.mulf %pack3A_108, %bitcast3A_354 : vector<32xbf16>
      %add3A_362 = arith.addf %add3A_360, %mul3A_361 : vector<32xbf16>
      %bitcast3A_363 = vector.bitcast %add3A_362 : vector<32xbf16> to vector<16xi32>
      %swap3A_364 = arith.index_cast %scan3A_100 : i32 to index
      %swap3A_365 = arith.constant 192 : index
      %swap3A_366 = tpu.vector_load %arg13[%swap3A_364, %swap3A_365] {strides = array<i32>} : memref<64x512xi32, #tpu.memory_space<vmem>>, vector<16xi32>,
      tpu.vector_store %arg13[%swap3A_364, %swap3A_365], %bitcast3A_363 {strides = array<i32>} : memref<64x512xi32, #tpu.memory_space<vmem>>, vector<16xi32>,
      %get3A_367 = arith.index_cast %scan3A_100 : i32 to index
      %get3A_368 = arith.constant 208 : index
      %get3A_369 = tpu.vector_load %arg11[%get3A_367, %get3A_368] {strides = array<i32>} : memref<64x512xi32, #tpu.memory_space<vmem>>, vector<16xi32>,
      %bitcast3A_370 = vector.bitcast %get3A_369 : vector<16xi32> to vector<32xbf16>
      %get3A_371 = arith.index_cast %scan3A_100 : i32 to index
      %get3A_372 = arith.constant 208 : index
      %get3A_373 = tpu.vector_load %arg12[%get3A_371, %get3A_372] {strides = array<i32>} : memref<64x512xi32, #tpu.memory_space<vmem>>, vector<16xi32>,
      %bitcast3A_374 = vector.bitcast %get3A_373 : vector<16xi32> to vector<32xbf16>
      %get3A_375 = arith.index_cast %scan3A_100 : i32 to index
      %get3A_376 = arith.constant 208 : index
      %get3A_377 = tpu.vector_load %arg13[%get3A_375, %get3A_376] {strides = array<i32>} : memref<64x512xi32, #tpu.memory_space<vmem>>, vector<16xi32>,
      %bitcast3A_378 = vector.bitcast %get3A_377 : vector<16xi32> to vector<32xbf16>
      %mul3A_379 = arith.mulf %pack3A, %bitcast3A_370 : vector<32xbf16>
      %add3A_380 = arith.addf %bitcast3A_378, %mul3A_379 : vector<32xbf16>
      %mul3A_381 = arith.mulf %pack3A_108, %bitcast3A_374 : vector<32xbf16>
      %add3A_382 = arith.addf %add3A_380, %mul3A_381 : vector<32xbf16>
      %bitcast3A_383 = vector.bitcast %add3A_382 : vector<32xbf16> to vector<16xi32>
      %swap3A_384 = arith.index_cast %scan3A_100 : i32 to index
      %swap3A_385 = arith.constant 208 : index
      %swap3A_386 = tpu.vector_load %arg13[%swap3A_384, %swap3A_385] {strides = array<i32>} : memref<64x512xi32, #tpu.memory_space<vmem>>, vector<16xi32>,
      tpu.vector_store %arg13[%swap3A_384, %swap3A_385], %bitcast3A_383 {strides = array<i32>} : memref<64x512xi32, #tpu.memory_space<vmem>>, vector<16xi32>,
      %get3A_387 = arith.index_cast %scan3A_100 : i32 to index
      %get3A_388 = arith.constant 224 : index
      %get3A_389 = tpu.vector_load %arg11[%get3A_387, %get3A_388] {strides = array<i32>} : memref<64x512xi32, #tpu.memory_space<vmem>>, vector<16xi32>,
      %bitcast3A_390 = vector.bitcast %get3A_389 : vector<16xi32> to vector<32xbf16>
      %get3A_391 = arith.index_cast %scan3A_100 : i32 to index
      %get3A_392 = arith.constant 224 : index
      %get3A_393 = tpu.vector_load %arg12[%get3A_391, %get3A_392] {strides = array<i32>} : memref<64x512xi32, #tpu.memory_space<vmem>>, vector<16xi32>,
      %bitcast3A_394 = vector.bitcast %get3A_393 : vector<16xi32> to vector<32xbf16>
      %get3A_395 = arith.index_cast %scan3A_100 : i32 to index
      %get3A_396 = arith.constant 224 : index
      %get3A_397 = tpu.vector_load %arg13[%get3A_395, %get3A_396] {strides = array<i32>} : memref<64x512xi32, #tpu.memory_space<vmem>>, vector<16xi32>,
      %bitcast3A_398 = vector.bitcast %get3A_397 : vector<16xi32> to vector<32xbf16>
      %mul3A_399 = arith.mulf %pack3A, %bitcast3A_390 : vector<32xbf16>
      %add3A_400 = arith.addf %bitcast3A_398, %mul3A_399 : vector<32xbf16>
      %mul3A_401 = arith.mulf %pack3A_108, %bitcast3A_394 : vector<32xbf16>
      %add3A_402 = arith.addf %add3A_400, %mul3A_401 : vector<32xbf16>
      %bitcast3A_403 = vector.bitcast %add3A_402 : vector<32xbf16> to vector<16xi32>
      %swap3A_404 = arith.index_cast %scan3A_100 : i32 to index
      %swap3A_405 = arith.constant 224 : index
      %swap3A_406 = tpu.vector_load %arg13[%swap3A_404, %swap3A_405] {strides = array<i32>} : memref<64x512xi32, #tpu.memory_space<vmem>>, vector<16xi32>,
      tpu.vector_store %arg13[%swap3A_404, %swap3A_405], %bitcast3A_403 {strides = array<i32>} : memref<64x512xi32, #tpu.memory_space<vmem>>, vector<16xi32>,
      %get3A_407 = arith.index_cast %scan3A_100 : i32 to index
      %get3A_408 = arith.constant 240 : index
      %get3A_409 = tpu.vector_load %arg11[%get3A_407, %get3A_408] {strides = array<i32>} : memref<64x512xi32, #tpu.memory_space<vmem>>, vector<16xi32>,
      %bitcast3A_410 = vector.bitcast %get3A_409 : vector<16xi32> to vector<32xbf16>
      %get3A_411 = arith.index_cast %scan3A_100 : i32 to index
      %get3A_412 = arith.constant 240 : index
      %get3A_413 = tpu.vector_load %arg12[%get3A_411, %get3A_412] {strides = array<i32>} : memref<64x512xi32, #tpu.memory_space<vmem>>, vector<16xi32>,
      %bitcast3A_414 = vector.bitcast %get3A_413 : vector<16xi32> to vector<32xbf16>
      %get3A_415 = arith.index_cast %scan3A_100 : i32 to index
      %get3A_416 = arith.constant 240 : index
      %get3A_417 = tpu.vector_load %arg13[%get3A_415, %get3A_416] {strides = array<i32>} : memref<64x512xi32, #tpu.memory_space<vmem>>, vector<16xi32>,
      %bitcast3A_418 = vector.bitcast %get3A_417 : vector<16xi32> to vector<32xbf16>
      %mul3A_419 = arith.mulf %pack3A, %bitcast3A_410 : vector<32xbf16>
      %add3A_420 = arith.addf %bitcast3A_418, %mul3A_419 : vector<32xbf16>
      %mul3A_421 = arith.mulf %pack3A_108, %bitcast3A_414 : vector<32xbf16>
      %add3A_422 = arith.addf %add3A_420, %mul3A_421 : vector<32xbf16>
      %bitcast3A_423 = vector.bitcast %add3A_422 : vector<32xbf16> to vector<16xi32>
      %swap3A_424 = arith.index_cast %scan3A_100 : i32 to index
      %swap3A_425 = arith.constant 240 : index
      %swap3A_426 = tpu.vector_load %arg13[%swap3A_424, %swap3A_425] {strides = array<i32>} : memref<64x512xi32, #tpu.memory_space<vmem>>, vector<16xi32>,
      tpu.vector_store %arg13[%swap3A_424, %swap3A_425], %bitcast3A_423 {strides = array<i32>} : memref<64x512xi32, #tpu.memory_space<vmem>>, vector<16xi32>,
      %get3A_427 = arith.index_cast %scan3A_100 : i32 to index
      %get3A_428 = arith.constant 256 : index
      %get3A_429 = tpu.vector_load %arg11[%get3A_427, %get3A_428] {strides = array<i32>} : memref<64x512xi32, #tpu.memory_space<vmem>>, vector<16xi32>,
      %bitcast3A_430 = vector.bitcast %get3A_429 : vector<16xi32> to vector<32xbf16>
      %get3A_431 = arith.index_cast %scan3A_100 : i32 to index
      %get3A_432 = arith.constant 256 : index
      %get3A_433 = tpu.vector_load %arg12[%get3A_431, %get3A_432] {strides = array<i32>} : memref<64x512xi32, #tpu.memory_space<vmem>>, vector<16xi32>,
      %bitcast3A_434 = vector.bitcast %get3A_433 : vector<16xi32> to vector<32xbf16>
      %get3A_435 = arith.index_cast %scan3A_100 : i32 to index
      %get3A_436 = arith.constant 256 : index
      %get3A_437 = tpu.vector_load %arg13[%get3A_435, %get3A_436] {strides = array<i32>} : memref<64x512xi32, #tpu.memory_space<vmem>>, vector<16xi32>,
      %bitcast3A_438 = vector.bitcast %get3A_437 : vector<16xi32> to vector<32xbf16>
      %mul3A_439 = arith.mulf %pack3A, %bitcast3A_430 : vector<32xbf16>
      %add3A_440 = arith.addf %bitcast3A_438, %mul3A_439 : vector<32xbf16>
      %mul3A_441 = arith.mulf %pack3A_108, %bitcast3A_434 : vector<32xbf16>
      %add3A_442 = arith.addf %add3A_440, %mul3A_441 : vector<32xbf16>
      %bitcast3A_443 = vector.bitcast %add3A_442 : vector<32xbf16> to vector<16xi32>
      %swap3A_444 = arith.index_cast %scan3A_100 : i32 to index
      %swap3A_445 = arith.constant 256 : index
      %swap3A_446 = tpu.vector_load %arg13[%swap3A_444, %swap3A_445] {strides = array<i32>} : memref<64x512xi32, #tpu.memory_space<vmem>>, vector<16xi32>,
      tpu.vector_store %arg13[%swap3A_444, %swap3A_445], %bitcast3A_443 {strides = array<i32>} : memref<64x512xi32, #tpu.memory_space<vmem>>, vector<16xi32>,
      %get3A_447 = arith.index_cast %scan3A_100 : i32 to index
      %get3A_448 = arith.constant 272 : index
      %get3A_449 = tpu.vector_load %arg11[%get3A_447, %get3A_448] {strides = array<i32>} : memref<64x512xi32, #tpu.memory_space<vmem>>, vector<16xi32>,
      %bitcast3A_450 = vector.bitcast %get3A_449 : vector<16xi32> to vector<32xbf16>
      %get3A_451 = arith.index_cast %scan3A_100 : i32 to index
      %get3A_452 = arith.constant 272 : index
      %get3A_453 = tpu.vector_load %arg12[%get3A_451, %get3A_452] {strides = array<i32>} : memref<64x512xi32, #tpu.memory_space<vmem>>, vector<16xi32>,
      %bitcast3A_454 = vector.bitcast %get3A_453 : vector<16xi32> to vector<32xbf16>
      %get3A_455 = arith.index_cast %scan3A_100 : i32 to index
      %get3A_456 = arith.constant 272 : index
      %get3A_457 = tpu.vector_load %arg13[%get3A_455, %get3A_456] {strides = array<i32>} : memref<64x512xi32, #tpu.memory_space<vmem>>, vector<16xi32>,
      %bitcast3A_458 = vector.bitcast %get3A_457 : vector<16xi32> to vector<32xbf16>
      %mul3A_459 = arith.mulf %pack3A, %bitcast3A_450 : vector<32xbf16>
      %add3A_460 = arith.addf %bitcast3A_458, %mul3A_459 : vector<32xbf16>
      %mul3A_461 = arith.mulf %pack3A_108, %bitcast3A_454 : vector<32xbf16>
      %add3A_462 = arith.addf %add3A_460, %mul3A_461 : vector<32xbf16>
      %bitcast3A_463 = vector.bitcast %add3A_462 : vector<32xbf16> to vector<16xi32>
      %swap3A_464 = arith.index_cast %scan3A_100 : i32 to index
      %swap3A_465 = arith.constant 272 : index
      %swap3A_466 = tpu.vector_load %arg13[%swap3A_464, %swap3A_465] {strides = array<i32>} : memref<64x512xi32, #tpu.memory_space<vmem>>, vector<16xi32>,
      tpu.vector_store %arg13[%swap3A_464, %swap3A_465], %bitcast3A_463 {strides = array<i32>} : memref<64x512xi32, #tpu.memory_space<vmem>>, vector<16xi32>,
      %get3A_467 = arith.index_cast %scan3A_100 : i32 to index
      %get3A_468 = arith.constant 288 : index
      %get3A_469 = tpu.vector_load %arg11[%get3A_467, %get3A_468] {strides = array<i32>} : memref<64x512xi32, #tpu.memory_space<vmem>>, vector<16xi32>,
      %bitcast3A_470 = vector.bitcast %get3A_469 : vector<16xi32> to vector<32xbf16>
      %get3A_471 = arith.index_cast %scan3A_100 : i32 to index
      %get3A_472 = arith.constant 288 : index
      %get3A_473 = tpu.vector_load %arg12[%get3A_471, %get3A_472] {strides = array<i32>} : memref<64x512xi32, #tpu.memory_space<vmem>>, vector<16xi32>,
      %bitcast3A_474 = vector.bitcast %get3A_473 : vector<16xi32> to vector<32xbf16>
      %get3A_475 = arith.index_cast %scan3A_100 : i32 to index
      %get3A_476 = arith.constant 288 : index
      %get3A_477 = tpu.vector_load %arg13[%get3A_475, %get3A_476] {strides = array<i32>} : memref<64x512xi32, #tpu.memory_space<vmem>>, vector<16xi32>,
      %bitcast3A_478 = vector.bitcast %get3A_477 : vector<16xi32> to vector<32xbf16>
      %mul3A_479 = arith.mulf %pack3A, %bitcast3A_470 : vector<32xbf16>
      %add3A_480 = arith.addf %bitcast3A_478, %mul3A_479 : vector<32xbf16>
      %mul3A_481 = arith.mulf %pack3A_108, %bitcast3A_474 : vector<32xbf16>
      %add3A_482 = arith.addf %add3A_480, %mul3A_481 : vector<32xbf16>
      %bitcast3A_483 = vector.bitcast %add3A_482 : vector<32xbf16> to vector<16xi32>
      %swap3A_484 = arith.index_cast %scan3A_100 : i32 to index
      %swap3A_485 = arith.constant 288 : index
      %swap3A_486 = tpu.vector_load %arg13[%swap3A_484, %swap3A_485] {strides = array<i32>} : memref<64x512xi32, #tpu.memory_space<vmem>>, vector<16xi32>,
      tpu.vector_store %arg13[%swap3A_484, %swap3A_485], %bitcast3A_483 {strides = array<i32>} : memref<64x512xi32, #tpu.memory_space<vmem>>, vector<16xi32>,
      %get3A_487 = arith.index_cast %scan3A_100 : i32 to index
      %get3A_488 = arith.constant 304 : index
      %get3A_489 = tpu.vector_load %arg11[%get3A_487, %get3A_488] {strides = array<i32>} : memref<64x512xi32, #tpu.memory_space<vmem>>, vector<16xi32>,
      %bitcast3A_490 = vector.bitcast %get3A_489 : vector<16xi32> to vector<32xbf16>
      %get3A_491 = arith.index_cast %scan3A_100 : i32 to index
      %get3A_492 = arith.constant 304 : index
      %get3A_493 = tpu.vector_load %arg12[%get3A_491, %get3A_492] {strides = array<i32>} : memref<64x512xi32, #tpu.memory_space<vmem>>, vector<16xi32>,
      %bitcast3A_494 = vector.bitcast %get3A_493 : vector<16xi32> to vector<32xbf16>
      %get3A_495 = arith.index_cast %scan3A_100 : i32 to index
      %get3A_496 = arith.constant 304 : index
      %get3A_497 = tpu.vector_load %arg13[%get3A_495, %get3A_496] {strides = array<i32>} : memref<64x512xi32, #tpu.memory_space<vmem>>, vector<16xi32>,
      %bitcast3A_498 = vector.bitcast %get3A_497 : vector<16xi32> to vector<32xbf16>
      %mul3A_499 = arith.mulf %pack3A, %bitcast3A_490 : vector<32xbf16>
      %add3A_500 = arith.addf %bitcast3A_498, %mul3A_499 : vector<32xbf16>
      %mul3A_501 = arith.mulf %pack3A_108, %bitcast3A_494 : vector<32xbf16>
      %add3A_502 = arith.addf %add3A_500, %mul3A_501 : vector<32xbf16>
      %bitcast3A_503 = vector.bitcast %add3A_502 : vector<32xbf16> to vector<16xi32>
      %swap3A_504 = arith.index_cast %scan3A_100 : i32 to index
      %swap3A_505 = arith.constant 304 : index
      %swap3A_506 = tpu.vector_load %arg13[%swap3A_504, %swap3A_505] {strides = array<i32>} : memref<64x512xi32, #tpu.memory_space<vmem>>, vector<16xi32>,
      tpu.vector_store %arg13[%swap3A_504, %swap3A_505], %bitcast3A_503 {strides = array<i32>} : memref<64x512xi32, #tpu.memory_space<vmem>>, vector<16xi32>,
      %get3A_507 = arith.index_cast %scan3A_100 : i32 to index
      %get3A_508 = arith.constant 320 : index
      %get3A_509 = tpu.vector_load %arg11[%get3A_507, %get3A_508] {strides = array<i32>} : memref<64x512xi32, #tpu.memory_space<vmem>>, vector<16xi32>,
      %bitcast3A_510 = vector.bitcast %get3A_509 : vector<16xi32> to vector<32xbf16>
      %get3A_511 = arith.index_cast %scan3A_100 : i32 to index
      %get3A_512 = arith.constant 320 : index
      %get3A_513 = tpu.vector_load %arg12[%get3A_511, %get3A_512] {strides = array<i32>} : memref<64x512xi32, #tpu.memory_space<vmem>>, vector<16xi32>,
      %bitcast3A_514 = vector.bitcast %get3A_513 : vector<16xi32> to vector<32xbf16>
      %get3A_515 = arith.index_cast %scan3A_100 : i32 to index
      %get3A_516 = arith.constant 320 : index
      %get3A_517 = tpu.vector_load %arg13[%get3A_515, %get3A_516] {strides = array<i32>} : memref<64x512xi32, #tpu.memory_space<vmem>>, vector<16xi32>,
      %bitcast3A_518 = vector.bitcast %get3A_517 : vector<16xi32> to vector<32xbf16>
      %mul3A_519 = arith.mulf %pack3A, %bitcast3A_510 : vector<32xbf16>
      %add3A_520 = arith.addf %bitcast3A_518, %mul3A_519 : vector<32xbf16>
      %mul3A_521 = arith.mulf %pack3A_108, %bitcast3A_514 : vector<32xbf16>
      %add3A_522 = arith.addf %add3A_520, %mul3A_521 : vector<32xbf16>
      %bitcast3A_523 = vector.bitcast %add3A_522 : vector<32xbf16> to vector<16xi32>
      %swap3A_524 = arith.index_cast %scan3A_100 : i32 to index
      %swap3A_525 = arith.constant 320 : index
      %swap3A_526 = tpu.vector_load %arg13[%swap3A_524, %swap3A_525] {strides = array<i32>} : memref<64x512xi32, #tpu.memory_space<vmem>>, vector<16xi32>,
      tpu.vector_store %arg13[%swap3A_524, %swap3A_525], %bitcast3A_523 {strides = array<i32>} : memref<64x512xi32, #tpu.memory_space<vmem>>, vector<16xi32>,
      %get3A_527 = arith.index_cast %scan3A_100 : i32 to index
      %get3A_528 = arith.constant 336 : index
      %get3A_529 = tpu.vector_load %arg11[%get3A_527, %get3A_528] {strides = array<i32>} : memref<64x512xi32, #tpu.memory_space<vmem>>, vector<16xi32>,
      %bitcast3A_530 = vector.bitcast %get3A_529 : vector<16xi32> to vector<32xbf16>
      %get3A_531 = arith.index_cast %scan3A_100 : i32 to index
      %get3A_532 = arith.constant 336 : index
      %get3A_533 = tpu.vector_load %arg12[%get3A_531, %get3A_532] {strides = array<i32>} : memref<64x512xi32, #tpu.memory_space<vmem>>, vector<16xi32>,
      %bitcast3A_534 = vector.bitcast %get3A_533 : vector<16xi32> to vector<32xbf16>
      %get3A_535 = arith.index_cast %scan3A_100 : i32 to index
      %get3A_536 = arith.constant 336 : index
      %get3A_537 = tpu.vector_load %arg13[%get3A_535, %get3A_536] {strides = array<i32>} : memref<64x512xi32, #tpu.memory_space<vmem>>, vector<16xi32>,
      %bitcast3A_538 = vector.bitcast %get3A_537 : vector<16xi32> to vector<32xbf16>
      %mul3A_539 = arith.mulf %pack3A, %bitcast3A_530 : vector<32xbf16>
      %add3A_540 = arith.addf %bitcast3A_538, %mul3A_539 : vector<32xbf16>
      %mul3A_541 = arith.mulf %pack3A_108, %bitcast3A_534 : vector<32xbf16>
      %add3A_542 = arith.addf %add3A_540, %mul3A_541 : vector<32xbf16>
      %bitcast3A_543 = vector.bitcast %add3A_542 : vector<32xbf16> to vector<16xi32>
      %swap3A_544 = arith.index_cast %scan3A_100 : i32 to index
      %swap3A_545 = arith.constant 336 : index
      %swap3A_546 = tpu.vector_load %arg13[%swap3A_544, %swap3A_545] {strides = array<i32>} : memref<64x512xi32, #tpu.memory_space<vmem>>, vector<16xi32>,
      tpu.vector_store %arg13[%swap3A_544, %swap3A_545], %bitcast3A_543 {strides = array<i32>} : memref<64x512xi32, #tpu.memory_space<vmem>>, vector<16xi32>,
      %get3A_547 = arith.index_cast %scan3A_100 : i32 to index
      %get3A_548 = arith.constant 352 : index
      %get3A_549 = tpu.vector_load %arg11[%get3A_547, %get3A_548] {strides = array<i32>} : memref<64x512xi32, #tpu.memory_space<vmem>>, vector<16xi32>,
      %bitcast3A_550 = vector.bitcast %get3A_549 : vector<16xi32> to vector<32xbf16>
      %get3A_551 = arith.index_cast %scan3A_100 : i32 to index
      %get3A_552 = arith.constant 352 : index
      %get3A_553 = tpu.vector_load %arg12[%get3A_551, %get3A_552] {strides = array<i32>} : memref<64x512xi32, #tpu.memory_space<vmem>>, vector<16xi32>,
      %bitcast3A_554 = vector.bitcast %get3A_553 : vector<16xi32> to vector<32xbf16>
      %get3A_555 = arith.index_cast %scan3A_100 : i32 to index
      %get3A_556 = arith.constant 352 : index
      %get3A_557 = tpu.vector_load %arg13[%get3A_555, %get3A_556] {strides = array<i32>} : memref<64x512xi32, #tpu.memory_space<vmem>>, vector<16xi32>,
      %bitcast3A_558 = vector.bitcast %get3A_557 : vector<16xi32> to vector<32xbf16>
      %mul3A_559 = arith.mulf %pack3A, %bitcast3A_550 : vector<32xbf16>
      %add3A_560 = arith.addf %bitcast3A_558, %mul3A_559 : vector<32xbf16>
      %mul3A_561 = arith.mulf %pack3A_108, %bitcast3A_554 : vector<32xbf16>
      %add3A_562 = arith.addf %add3A_560, %mul3A_561 : vector<32xbf16>
      %bitcast3A_563 = vector.bitcast %add3A_562 : vector<32xbf16> to vector<16xi32>
      %swap3A_564 = arith.index_cast %scan3A_100 : i32 to index
      %swap3A_565 = arith.constant 352 : index
      %swap3A_566 = tpu.vector_load %arg13[%swap3A_564, %swap3A_565] {strides = array<i32>} : memref<64x512xi32, #tpu.memory_space<vmem>>, vector<16xi32>,
      tpu.vector_store %arg13[%swap3A_564, %swap3A_565], %bitcast3A_563 {strides = array<i32>} : memref<64x512xi32, #tpu.memory_space<vmem>>, vector<16xi32>,
      %get3A_567 = arith.index_cast %scan3A_100 : i32 to index
      %get3A_568 = arith.constant 368 : index
      %get3A_569 = tpu.vector_load %arg11[%get3A_567, %get3A_568] {strides = array<i32>} : memref<64x512xi32, #tpu.memory_space<vmem>>, vector<16xi32>,
      %bitcast3A_570 = vector.bitcast %get3A_569 : vector<16xi32> to vector<32xbf16>
      %get3A_571 = arith.index_cast %scan3A_100 : i32 to index
      %get3A_572 = arith.constant 368 : index
      %get3A_573 = tpu.vector_load %arg12[%get3A_571, %get3A_572] {strides = array<i32>} : memref<64x512xi32, #tpu.memory_space<vmem>>, vector<16xi32>,
      %bitcast3A_574 = vector.bitcast %get3A_573 : vector<16xi32> to vector<32xbf16>
      %get3A_575 = arith.index_cast %scan3A_100 : i32 to index
      %get3A_576 = arith.constant 368 : index
      %get3A_577 = tpu.vector_load %arg13[%get3A_575, %get3A_576] {strides = array<i32>} : memref<64x512xi32, #tpu.memory_space<vmem>>, vector<16xi32>,
      %bitcast3A_578 = vector.bitcast %get3A_577 : vector<16xi32> to vector<32xbf16>
      %mul3A_579 = arith.mulf %pack3A, %bitcast3A_570 : vector<32xbf16>
      %add3A_580 = arith.addf %bitcast3A_578, %mul3A_579 : vector<32xbf16>
      %mul3A_581 = arith.mulf %pack3A_108, %bitcast3A_574 : vector<32xbf16>
      %add3A_582 = arith.addf %add3A_580, %mul3A_581 : vector<32xbf16>
      %bitcast3A_583 = vector.bitcast %add3A_582 : vector<32xbf16> to vector<16xi32>
      %swap3A_584 = arith.index_cast %scan3A_100 : i32 to index
      %swap3A_585 = arith.constant 368 : index
      %swap3A_586 = tpu.vector_load %arg13[%swap3A_584, %swap3A_585] {strides = array<i32>} : memref<64x512xi32, #tpu.memory_space<vmem>>, vector<16xi32>,
      tpu.vector_store %arg13[%swap3A_584, %swap3A_585], %bitcast3A_583 {strides = array<i32>} : memref<64x512xi32, #tpu.memory_space<vmem>>, vector<16xi32>,
      %get3A_587 = arith.index_cast %scan3A_100 : i32 to index
      %get3A_588 = arith.constant 384 : index
      %get3A_589 = tpu.vector_load %arg11[%get3A_587, %get3A_588] {strides = array<i32>} : memref<64x512xi32, #tpu.memory_space<vmem>>, vector<16xi32>,
      %bitcast3A_590 = vector.bitcast %get3A_589 : vector<16xi32> to vector<32xbf16>
      %get3A_591 = arith.index_cast %scan3A_100 : i32 to index
      %get3A_592 = arith.constant 384 : index
      %get3A_593 = tpu.vector_load %arg12[%get3A_591, %get3A_592] {strides = array<i32>} : memref<64x512xi32, #tpu.memory_space<vmem>>, vector<16xi32>,
      %bitcast3A_594 = vector.bitcast %get3A_593 : vector<16xi32> to vector<32xbf16>
      %get3A_595 = arith.index_cast %scan3A_100 : i32 to index
      %get3A_596 = arith.constant 384 : index
      %get3A_597 = tpu.vector_load %arg13[%get3A_595, %get3A_596] {strides = array<i32>} : memref<64x512xi32, #tpu.memory_space<vmem>>, vector<16xi32>,
      %bitcast3A_598 = vector.bitcast %get3A_597 : vector<16xi32> to vector<32xbf16>
      %mul3A_599 = arith.mulf %pack3A, %bitcast3A_590 : vector<32xbf16>
      %add3A_600 = arith.addf %bitcast3A_598, %mul3A_599 : vector<32xbf16>
      %mul3A_601 = arith.mulf %pack3A_108, %bitcast3A_594 : vector<32xbf16>
      %add3A_602 = arith.addf %add3A_600, %mul3A_601 : vector<32xbf16>
      %bitcast3A_603 = vector.bitcast %add3A_602 : vector<32xbf16> to vector<16xi32>
      %swap3A_604 = arith.index_cast %scan3A_100 : i32 to index
      %swap3A_605 = arith.constant 384 : index
      %swap3A_606 = tpu.vector_load %arg13[%swap3A_604, %swap3A_605] {strides = array<i32>} : memref<64x512xi32, #tpu.memory_space<vmem>>, vector<16xi32>,
      tpu.vector_store %arg13[%swap3A_604, %swap3A_605], %bitcast3A_603 {strides = array<i32>} : memref<64x512xi32, #tpu.memory_space<vmem>>, vector<16xi32>,
      %get3A_607 = arith.index_cast %scan3A_100 : i32 to index
      %get3A_608 = arith.constant 400 : index
      %get3A_609 = tpu.vector_load %arg11[%get3A_607, %get3A_608] {strides = array<i32>} : memref<64x512xi32, #tpu.memory_space<vmem>>, vector<16xi32>,
      %bitcast3A_610 = vector.bitcast %get3A_609 : vector<16xi32> to vector<32xbf16>
      %get3A_611 = arith.index_cast %scan3A_100 : i32 to index
      %get3A_612 = arith.constant 400 : index
      %get3A_613 = tpu.vector_load %arg12[%get3A_611, %get3A_612] {strides = array<i32>} : memref<64x512xi32, #tpu.memory_space<vmem>>, vector<16xi32>,
      %bitcast3A_614 = vector.bitcast %get3A_613 : vector<16xi32> to vector<32xbf16>
      %get3A_615 = arith.index_cast %scan3A_100 : i32 to index
      %get3A_616 = arith.constant 400 : index
      %get3A_617 = tpu.vector_load %arg13[%get3A_615, %get3A_616] {strides = array<i32>} : memref<64x512xi32, #tpu.memory_space<vmem>>, vector<16xi32>,
      %bitcast3A_618 = vector.bitcast %get3A_617 : vector<16xi32> to vector<32xbf16>
      %mul3A_619 = arith.mulf %pack3A, %bitcast3A_610 : vector<32xbf16>
      %add3A_620 = arith.addf %bitcast3A_618, %mul3A_619 : vector<32xbf16>
      %mul3A_621 = arith.mulf %pack3A_108, %bitcast3A_614 : vector<32xbf16>
      %add3A_622 = arith.addf %add3A_620, %mul3A_621 : vector<32xbf16>
      %bitcast3A_623 = vector.bitcast %add3A_622 : vector<32xbf16> to vector<16xi32>
      %swap3A_624 = arith.index_cast %scan3A_100 : i32 to index
      %swap3A_625 = arith.constant 400 : index
      %swap3A_626 = tpu.vector_load %arg13[%swap3A_624, %swap3A_625] {strides = array<i32>} : memref<64x512xi32, #tpu.memory_space<vmem>>, vector<16xi32>,
      tpu.vector_store %arg13[%swap3A_624, %swap3A_625], %bitcast3A_623 {strides = array<i32>} : memref<64x512xi32, #tpu.memory_space<vmem>>, vector<16xi32>,
      %get3A_627 = arith.index_cast %scan3A_100 : i32 to index
      %get3A_628 = arith.constant 416 : index
      %get3A_629 = tpu.vector_load %arg11[%get3A_627, %get3A_628] {strides = array<i32>} : memref<64x512xi32, #tpu.memory_space<vmem>>, vector<16xi32>,
      %bitcast3A_630 = vector.bitcast %get3A_629 : vector<16xi32> to vector<32xbf16>
      %get3A_631 = arith.index_cast %scan3A_100 : i32 to index
      %get3A_632 = arith.constant 416 : index
      %get3A_633 = tpu.vector_load %arg12[%get3A_631, %get3A_632] {strides = array<i32>} : memref<64x512xi32, #tpu.memory_space<vmem>>, vector<16xi32>,
      %bitcast3A_634 = vector.bitcast %get3A_633 : vector<16xi32> to vector<32xbf16>
      %get3A_635 = arith.index_cast %scan3A_100 : i32 to index
      %get3A_636 = arith.constant 416 : index
      %get3A_637 = tpu.vector_load %arg13[%get3A_635, %get3A_636] {strides = array<i32>} : memref<64x512xi32, #tpu.memory_space<vmem>>, vector<16xi32>,
      %bitcast3A_638 = vector.bitcast %get3A_637 : vector<16xi32> to vector<32xbf16>
      %mul3A_639 = arith.mulf %pack3A, %bitcast3A_630 : vector<32xbf16>
      %add3A_640 = arith.addf %bitcast3A_638, %mul3A_639 : vector<32xbf16>
      %mul3A_641 = arith.mulf %pack3A_108, %bitcast3A_634 : vector<32xbf16>
      %add3A_642 = arith.addf %add3A_640, %mul3A_641 : vector<32xbf16>
      %bitcast3A_643 = vector.bitcast %add3A_642 : vector<32xbf16> to vector<16xi32>
      %swap3A_644 = arith.index_cast %scan3A_100 : i32 to index
      %swap3A_645 = arith.constant 416 : index
      %swap3A_646 = tpu.vector_load %arg13[%swap3A_644, %swap3A_645] {strides = array<i32>} : memref<64x512xi32, #tpu.memory_space<vmem>>, vector<16xi32>,
      tpu.vector_store %arg13[%swap3A_644, %swap3A_645], %bitcast3A_643 {strides = array<i32>} : memref<64x512xi32, #tpu.memory_space<vmem>>, vector<16xi32>,
      %get3A_647 = arith.index_cast %scan3A_100 : i32 to index
      %get3A_648 = arith.constant 432 : index
      %get3A_649 = tpu.vector_load %arg11[%get3A_647, %get3A_648] {strides = array<i32>} : memref<64x512xi32, #tpu.memory_space<vmem>>, vector<16xi32>,
      %bitcast3A_650 = vector.bitcast %get3A_649 : vector<16xi32> to vector<32xbf16>
      %get3A_651 = arith.index_cast %scan3A_100 : i32 to index
      %get3A_652 = arith.constant 432 : index
      %get3A_653 = tpu.vector_load %arg12[%get3A_651, %get3A_652] {strides = array<i32>} : memref<64x512xi32, #tpu.memory_space<vmem>>, vector<16xi32>,
      %bitcast3A_654 = vector.bitcast %get3A_653 : vector<16xi32> to vector<32xbf16>
      %get3A_655 = arith.index_cast %scan3A_100 : i32 to index
      %get3A_656 = arith.constant 432 : index
      %get3A_657 = tpu.vector_load %arg13[%get3A_655, %get3A_656] {strides = array<i32>} : memref<64x512xi32, #tpu.memory_space<vmem>>, vector<16xi32>,
      %bitcast3A_658 = vector.bitcast %get3A_657 : vector<16xi32> to vector<32xbf16>
      %mul3A_659 = arith.mulf %pack3A, %bitcast3A_650 : vector<32xbf16>
      %add3A_660 = arith.addf %bitcast3A_658, %mul3A_659 : vector<32xbf16>
      %mul3A_661 = arith.mulf %pack3A_108, %bitcast3A_654 : vector<32xbf16>
      %add3A_662 = arith.addf %add3A_660, %mul3A_661 : vector<32xbf16>
      %bitcast3A_663 = vector.bitcast %add3A_662 : vector<32xbf16> to vector<16xi32>
      %swap3A_664 = arith.index_cast %scan3A_100 : i32 to index
      %swap3A_665 = arith.constant 432 : index
      %swap3A_666 = tpu.vector_load %arg13[%swap3A_664, %swap3A_665] {strides = array<i32>} : memref<64x512xi32, #tpu.memory_space<vmem>>, vector<16xi32>,
      tpu.vector_store %arg13[%swap3A_664, %swap3A_665], %bitcast3A_663 {strides = array<i32>} : memref<64x512xi32, #tpu.memory_space<vmem>>, vector<16xi32>,
      %get3A_667 = arith.index_cast %scan3A_100 : i32 to index
      %get3A_668 = arith.constant 448 : index
      %get3A_669 = tpu.vector_load %arg11[%get3A_667, %get3A_668] {strides = array<i32>} : memref<64x512xi32, #tpu.memory_space<vmem>>, vector<16xi32>,
      %bitcast3A_670 = vector.bitcast %get3A_669 : vector<16xi32> to vector<32xbf16>
      %get3A_671 = arith.index_cast %scan3A_100 : i32 to index
      %get3A_672 = arith.constant 448 : index
      %get3A_673 = tpu.vector_load %arg12[%get3A_671, %get3A_672] {strides = array<i32>} : memref<64x512xi32, #tpu.memory_space<vmem>>, vector<16xi32>,
      %bitcast3A_674 = vector.bitcast %get3A_673 : vector<16xi32> to vector<32xbf16>
      %get3A_675 = arith.index_cast %scan3A_100 : i32 to index
      %get3A_676 = arith.constant 448 : index
      %get3A_677 = tpu.vector_load %arg13[%get3A_675, %get3A_676] {strides = array<i32>} : memref<64x512xi32, #tpu.memory_space<vmem>>, vector<16xi32>,
      %bitcast3A_678 = vector.bitcast %get3A_677 : vector<16xi32> to vector<32xbf16>
      %mul3A_679 = arith.mulf %pack3A, %bitcast3A_670 : vector<32xbf16>
      %add3A_680 = arith.addf %bitcast3A_678, %mul3A_679 : vector<32xbf16>
      %mul3A_681 = arith.mulf %pack3A_108, %bitcast3A_674 : vector<32xbf16>
      %add3A_682 = arith.addf %add3A_680, %mul3A_681 : vector<32xbf16>
      %bitcast3A_683 = vector.bitcast %add3A_682 : vector<32xbf16> to vector<16xi32>
      %swap3A_684 = arith.index_cast %scan3A_100 : i32 to index
      %swap3A_685 = arith.constant 448 : index
      %swap3A_686 = tpu.vector_load %arg13[%swap3A_684, %swap3A_685] {strides = array<i32>} : memref<64x512xi32, #tpu.memory_space<vmem>>, vector<16xi32>,
      tpu.vector_store %arg13[%swap3A_684, %swap3A_685], %bitcast3A_683 {strides = array<i32>} : memref<64x512xi32, #tpu.memory_space<vmem>>, vector<16xi32>,
      %get3A_687 = arith.index_cast %scan3A_100 : i32 to index
      %get3A_688 = arith.constant 464 : index
      %get3A_689 = tpu.vector_load %arg11[%get3A_687, %get3A_688] {strides = array<i32>} : memref<64x512xi32, #tpu.memory_space<vmem>>, vector<16xi32>,
      %bitcast3A_690 = vector.bitcast %get3A_689 : vector<16xi32> to vector<32xbf16>
      %get3A_691 = arith.index_cast %scan3A_100 : i32 to index
      %get3A_692 = arith.constant 464 : index
      %get3A_693 = tpu.vector_load %arg12[%get3A_691, %get3A_692] {strides = array<i32>} : memref<64x512xi32, #tpu.memory_space<vmem>>, vector<16xi32>,
      %bitcast3A_694 = vector.bitcast %get3A_693 : vector<16xi32> to vector<32xbf16>
      %get3A_695 = arith.index_cast %scan3A_100 : i32 to index
      %get3A_696 = arith.constant 464 : index
      %get3A_697 = tpu.vector_load %arg13[%get3A_695, %get3A_696] {strides = array<i32>} : memref<64x512xi32, #tpu.memory_space<vmem>>, vector<16xi32>,
      %bitcast3A_698 = vector.bitcast %get3A_697 : vector<16xi32> to vector<32xbf16>
      %mul3A_699 = arith.mulf %pack3A, %bitcast3A_690 : vector<32xbf16>
      %add3A_700 = arith.addf %bitcast3A_698, %mul3A_699 : vector<32xbf16>
      %mul3A_701 = arith.mulf %pack3A_108, %bitcast3A_694 : vector<32xbf16>
      %add3A_702 = arith.addf %add3A_700, %mul3A_701 : vector<32xbf16>
      %bitcast3A_703 = vector.bitcast %add3A_702 : vector<32xbf16> to vector<16xi32>
      %swap3A_704 = arith.index_cast %scan3A_100 : i32 to index
      %swap3A_705 = arith.constant 464 : index
      %swap3A_706 = tpu.vector_load %arg13[%swap3A_704, %swap3A_705] {strides = array<i32>} : memref<64x512xi32, #tpu.memory_space<vmem>>, vector<16xi32>,
      tpu.vector_store %arg13[%swap3A_704, %swap3A_705], %bitcast3A_703 {strides = array<i32>} : memref<64x512xi32, #tpu.memory_space<vmem>>, vector<16xi32>,
      %get3A_707 = arith.index_cast %scan3A_100 : i32 to index
      %get3A_708 = arith.constant 480 : index
      %get3A_709 = tpu.vector_load %arg11[%get3A_707, %get3A_708] {strides = array<i32>} : memref<64x512xi32, #tpu.memory_space<vmem>>, vector<16xi32>,
      %bitcast3A_710 = vector.bitcast %get3A_709 : vector<16xi32> to vector<32xbf16>
      %get3A_711 = arith.index_cast %scan3A_100 : i32 to index
      %get3A_712 = arith.constant 480 : index
      %get3A_713 = tpu.vector_load %arg12[%get3A_711, %get3A_712] {strides = array<i32>} : memref<64x512xi32, #tpu.memory_space<vmem>>, vector<16xi32>,
      %bitcast3A_714 = vector.bitcast %get3A_713 : vector<16xi32> to vector<32xbf16>
      %get3A_715 = arith.index_cast %scan3A_100 : i32 to index
      %get3A_716 = arith.constant 480 : index
      %get3A_717 = tpu.vector_load %arg13[%get3A_715, %get3A_716] {strides = array<i32>} : memref<64x512xi32, #tpu.memory_space<vmem>>, vector<16xi32>,
      %bitcast3A_718 = vector.bitcast %get3A_717 : vector<16xi32> to vector<32xbf16>
      %mul3A_719 = arith.mulf %pack3A, %bitcast3A_710 : vector<32xbf16>
      %add3A_720 = arith.addf %bitcast3A_718, %mul3A_719 : vector<32xbf16>
      %mul3A_721 = arith.mulf %pack3A_108, %bitcast3A_714 : vector<32xbf16>
      %add3A_722 = arith.addf %add3A_720, %mul3A_721 : vector<32xbf16>
      %bitcast3A_723 = vector.bitcast %add3A_722 : vector<32xbf16> to vector<16xi32>
      %swap3A_724 = arith.index_cast %scan3A_100 : i32 to index
      %swap3A_725 = arith.constant 480 : index
      %swap3A_726 = tpu.vector_load %arg13[%swap3A_724, %swap3A_725] {strides = array<i32>} : memref<64x512xi32, #tpu.memory_space<vmem>>, vector<16xi32>,
      tpu.vector_store %arg13[%swap3A_724, %swap3A_725], %bitcast3A_723 {strides = array<i32>} : memref<64x512xi32, #tpu.memory_space<vmem>>, vector<16xi32>,
      %get3A_727 = arith.index_cast %scan3A_100 : i32 to index
      %get3A_728 = arith.constant 496 : index
      %get3A_729 = tpu.vector_load %arg11[%get3A_727, %get3A_728] {strides = array<i32>} : memref<64x512xi32, #tpu.memory_space<vmem>>, vector<16xi32>,
      %bitcast3A_730 = vector.bitcast %get3A_729 : vector<16xi32> to vector<32xbf16>
      %get3A_731 = arith.index_cast %scan3A_100 : i32 to index
      %get3A_732 = arith.constant 496 : index
      %get3A_733 = tpu.vector_load %arg12[%get3A_731, %get3A_732] {strides = array<i32>} : memref<64x512xi32, #tpu.memory_space<vmem>>, vector<16xi32>,
      %bitcast3A_734 = vector.bitcast %get3A_733 : vector<16xi32> to vector<32xbf16>
      %get3A_735 = arith.index_cast %scan3A_100 : i32 to index
      %get3A_736 = arith.constant 496 : index
      %get3A_737 = tpu.vector_load %arg13[%get3A_735, %get3A_736] {strides = array<i32>} : memref<64x512xi32, #tpu.memory_space<vmem>>, vector<16xi32>,
      %bitcast3A_738 = vector.bitcast %get3A_737 : vector<16xi32> to vector<32xbf16>
      %mul3A_739 = arith.mulf %pack3A, %bitcast3A_730 : vector<32xbf16>
      %add3A_740 = arith.addf %bitcast3A_738, %mul3A_739 : vector<32xbf16>
      %mul3A_741 = arith.mulf %pack3A_108, %bitcast3A_734 : vector<32xbf16>
      %add3A_742 = arith.addf %add3A_740, %mul3A_741 : vector<32xbf16>
      %bitcast3A_743 = vector.bitcast %add3A_742 : vector<32xbf16> to vector<16xi32>
      %swap3A_744 = arith.index_cast %scan3A_100 : i32 to index
      %swap3A_745 = arith.constant 496 : index
      %swap3A_746 = tpu.vector_load %arg13[%swap3A_744, %swap3A_745] {strides = array<i32>} : memref<64x512xi32, #tpu.memory_space<vmem>>, vector<16xi32>,
      tpu.vector_store %arg13[%swap3A_744, %swap3A_745], %bitcast3A_743 {strides = array<i32>} : memref<64x512xi32, #tpu.memory_space<vmem>>, vector<16xi32>,
    }
    %scan3A_99 = arith.constant 64 : i32
    "tpu.region"() ({
      %run_scoped3A = tpu.sem_alloc : memref<!tpu.dma_semaphore, #tpu.memory_space<semaphore_mem>>
      %dma_start3A_100 = arith.constant 0 : i32
      %dma_start3A_101 = tpu.memref_slice %arg6[%mul3A_2, %dma_start3A_100] : memref<2048x512xi32, #tpu.memory_space<hbm>> -> memref<64x512xi32, #tpu.memory_space<hbm>>
      %dma_start3A_102 = arith.constant 0 : i32
      %dma_start3A_103 = tpu.memref_slice %arg6[%mul3A_2, %dma_start3A_102] : memref<2048x512xi32, #tpu.memory_space<hbm>> -> memref<64x512xi32, #tpu.memory_space<hbm>>
      tpu.enqueue_dma source(%arg13 : memref<64x512xi32, #tpu.memory_space<vmem>>) target(%dma_start3A_103 : memref<64x512xi32, #tpu.memory_space<hbm>>) target_semaphore(%run_scoped3A : memref<!tpu.dma_semaphore, #tpu.memory_space<semaphore_mem>>)
      %dma_wait3A_104 = arith.constant 0 : i32
      %dma_wait3A_105 = tpu.memref_slice %arg6[%mul3A_2, %dma_wait3A_104] : memref<2048x512xi32, #tpu.memory_space<hbm>> -> memref<64x512xi32, #tpu.memory_space<hbm>>
      %dma_wait3A_106 = arith.constant 0 : i32
      %dma_wait3A_107 = tpu.memref_slice %arg6[%mul3A_2, %dma_wait3A_106] : memref<2048x512xi32, #tpu.memory_space<hbm>> -> memref<64x512xi32, #tpu.memory_space<hbm>>
      tpu.wait_dma2 semaphore(%run_scoped3A : memref<!tpu.dma_semaphore, #tpu.memory_space<semaphore_mem>>) src(%arg13 : memref<64x512xi32, #tpu.memory_space<vmem>>) dst(%dma_wait3A_107 : memref<64x512xi32, #tpu.memory_space<hbm>>)
      tpu.yield
    }) : () -> ()
    return
  }
}

#map = affine_map<(d0, d1) -> (0)>
#map1 = affine_map<(d0, d1) -> (0, 0)>
module attributes {stable_mosaic.version = 14 : i64} {
  func.func @_dispatch_body(%arg0: i32, %arg1: i32, %arg2: memref<16384xi32, #tpu.memory_space<hbm>>, %arg3: memref<2048x512xi32, #tpu.memory_space<hbm>>, %arg4: memref<4096x512xi32, #tpu.memory_space<hbm>>, %arg5: memref<16384xi32, #tpu.memory_space<vmem>>, %arg6: memref<128xi32, #tpu.memory_space<vmem>>, %arg7: memref<64x512xi32, #tpu.memory_space<vmem>>, %arg8: memref<64x512xi32, #tpu.memory_space<vmem>>, %arg9: memref<!tpu.dma_semaphore, #tpu.memory_space<semaphore_mem>>, %arg10: memref<!tpu.dma_semaphore, #tpu.memory_space<semaphore_mem>>) attributes {dimension_semantics = [#tpu.dimension_semantics<core_parallel>, #tpu.dimension_semantics<subcore_parallel>], iteration_bounds = array<i64: 2, 16>, scalar_prefetch = 0 : i64, scratch_operands = 6 : i64, tpu.core_type = #tpu.core_type<sc_vector_subcore>, window_params = [{transform_indices = #map}, {transform_indices = #map1}, {transform_indices = #map1}]} {
    %mul3A = arith.constant 2 : i32
    %mul3A_0 = arith.muli %arg1, %mul3A : i32
    %add3A = arith.addi %mul3A_0, %arg0 : i32
    %mul3A_1 = arith.constant 128 : i32
    %mul3A_2 = arith.muli %add3A, %mul3A_1 : i32
    "tpu.region"() ({
      %run_scoped3A = tpu.sem_alloc : memref<!tpu.dma_semaphore, #tpu.memory_space<semaphore_mem>>
      tpu.enqueue_dma source(%arg2 : memref<16384xi32, #tpu.memory_space<hbm>>) target(%arg5 : memref<16384xi32, #tpu.memory_space<vmem>>) target_semaphore(%run_scoped3A : memref<!tpu.dma_semaphore, #tpu.memory_space<semaphore_mem>>)
      tpu.wait_dma2 semaphore(%run_scoped3A : memref<!tpu.dma_semaphore, #tpu.memory_space<semaphore_mem>>) src(%arg2 : memref<16384xi32, #tpu.memory_space<hbm>>) dst(%arg5 : memref<16384xi32, #tpu.memory_space<vmem>>)
      tpu.yield
    }) : () -> ()
    %broadcast_in_dim3A = arith.constant 0 : i32
    %broadcast_in_dim3A_3 = vector.broadcast %broadcast_in_dim3A : i32 to vector<16xi32>
    %swap3A = arith.constant 0 : index
    %swap3A_4 = tpu.vector_load %arg6[%swap3A] {strides = array<i32>} : memref<128xi32, #tpu.memory_space<vmem>>, vector<16xi32>,
    tpu.vector_store %arg6[%swap3A], %broadcast_in_dim3A_3 {strides = array<i32>} : memref<128xi32, #tpu.memory_space<vmem>>, vector<16xi32>,
    %broadcast_in_dim3A_5 = arith.constant 0 : i32
    %broadcast_in_dim3A_6 = vector.broadcast %broadcast_in_dim3A_5 : i32 to vector<16xi32>
    %swap3A_7 = arith.constant 16 : index
    %swap3A_8 = tpu.vector_load %arg6[%swap3A_7] {strides = array<i32>} : memref<128xi32, #tpu.memory_space<vmem>>, vector<16xi32>,
    tpu.vector_store %arg6[%swap3A_7], %broadcast_in_dim3A_6 {strides = array<i32>} : memref<128xi32, #tpu.memory_space<vmem>>, vector<16xi32>,
    %broadcast_in_dim3A_9 = arith.constant 0 : i32
    %broadcast_in_dim3A_10 = vector.broadcast %broadcast_in_dim3A_9 : i32 to vector<16xi32>
    %swap3A_11 = arith.constant 32 : index
    %swap3A_12 = tpu.vector_load %arg6[%swap3A_11] {strides = array<i32>} : memref<128xi32, #tpu.memory_space<vmem>>, vector<16xi32>,
    tpu.vector_store %arg6[%swap3A_11], %broadcast_in_dim3A_10 {strides = array<i32>} : memref<128xi32, #tpu.memory_space<vmem>>, vector<16xi32>,
    %broadcast_in_dim3A_13 = arith.constant 0 : i32
    %broadcast_in_dim3A_14 = vector.broadcast %broadcast_in_dim3A_13 : i32 to vector<16xi32>
    %swap3A_15 = arith.constant 48 : index
    %swap3A_16 = tpu.vector_load %arg6[%swap3A_15] {strides = array<i32>} : memref<128xi32, #tpu.memory_space<vmem>>, vector<16xi32>,
    tpu.vector_store %arg6[%swap3A_15], %broadcast_in_dim3A_14 {strides = array<i32>} : memref<128xi32, #tpu.memory_space<vmem>>, vector<16xi32>,
    %broadcast_in_dim3A_17 = arith.constant 0 : i32
    %broadcast_in_dim3A_18 = vector.broadcast %broadcast_in_dim3A_17 : i32 to vector<16xi32>
    %swap3A_19 = arith.constant 64 : index
    %swap3A_20 = tpu.vector_load %arg6[%swap3A_19] {strides = array<i32>} : memref<128xi32, #tpu.memory_space<vmem>>, vector<16xi32>,
    tpu.vector_store %arg6[%swap3A_19], %broadcast_in_dim3A_18 {strides = array<i32>} : memref<128xi32, #tpu.memory_space<vmem>>, vector<16xi32>,
    %broadcast_in_dim3A_21 = arith.constant 0 : i32
    %broadcast_in_dim3A_22 = vector.broadcast %broadcast_in_dim3A_21 : i32 to vector<16xi32>
    %swap3A_23 = arith.constant 80 : index
    %swap3A_24 = tpu.vector_load %arg6[%swap3A_23] {strides = array<i32>} : memref<128xi32, #tpu.memory_space<vmem>>, vector<16xi32>,
    tpu.vector_store %arg6[%swap3A_23], %broadcast_in_dim3A_22 {strides = array<i32>} : memref<128xi32, #tpu.memory_space<vmem>>, vector<16xi32>,
    %broadcast_in_dim3A_25 = arith.constant 0 : i32
    %broadcast_in_dim3A_26 = vector.broadcast %broadcast_in_dim3A_25 : i32 to vector<16xi32>
    %swap3A_27 = arith.constant 96 : index
    %swap3A_28 = tpu.vector_load %arg6[%swap3A_27] {strides = array<i32>} : memref<128xi32, #tpu.memory_space<vmem>>, vector<16xi32>,
    tpu.vector_store %arg6[%swap3A_27], %broadcast_in_dim3A_26 {strides = array<i32>} : memref<128xi32, #tpu.memory_space<vmem>>, vector<16xi32>,
    %broadcast_in_dim3A_29 = arith.constant 0 : i32
    %broadcast_in_dim3A_30 = vector.broadcast %broadcast_in_dim3A_29 : i32 to vector<16xi32>
    %swap3A_31 = arith.constant 112 : index
    %swap3A_32 = tpu.vector_load %arg6[%swap3A_31] {strides = array<i32>} : memref<128xi32, #tpu.memory_space<vmem>>, vector<16xi32>,
    tpu.vector_store %arg6[%swap3A_31], %broadcast_in_dim3A_30 {strides = array<i32>} : memref<128xi32, #tpu.memory_space<vmem>>, vector<16xi32>,
    %iota3A = tpu.iota {dimensions = array<i32: 0>} : vector<16xi32>
    %scan3A = arith.constant 0 : i32
    %scan3A_33 = arith.constant 0 : i32
    %scan3A_34 = arith.constant 128 : i32
    %scan3A_35 = arith.addi %scan3A_33, %scan3A_34 : i32
    %scan3A_36 = arith.constant 1 : i32
    scf.for %scan3A_58 = %scan3A_33 to %scan3A_35 step %scan3A_36  : i32 {
      %mul3A_59 = arith.constant 16 : i32
      %mul3A_60 = arith.muli %scan3A_58, %mul3A_59 : i32
      %add3A_61 = vector.broadcast %mul3A_60 : i32 to vector<16xi32>
      %add3A_62 = arith.addi %add3A_61, %iota3A : vector<16xi32>
      %mul3A_63 = arith.constant 8 : i32
      %mul3A_64 = vector.broadcast %mul3A_63 : i32 to vector<16xi32>
      %mul3A_65 = arith.muli %add3A_62, %mul3A_64 : vector<16xi32>
      %gather3A = tpu.vector_load_idx %arg5[%mul3A_65] : memref<16384xi32, #tpu.memory_space<vmem>>[vector<16xi32>], vector<16xi32>,
      %add3A_66 = arith.constant 1 : i32
      %add3A_67 = vector.broadcast %add3A_66 : i32 to vector<16xi32>
      %add3A_68 = arith.addi %mul3A_65, %add3A_67 : vector<16xi32>
      %gather3A_69 = tpu.vector_load_idx %arg5[%add3A_68] : memref<16384xi32, #tpu.memory_space<vmem>>[vector<16xi32>], vector<16xi32>,
      %ge3A = vector.broadcast %mul3A_2 : i32 to vector<16xi32>
      %ge3A_70 = arith.cmpi sge, %gather3A, %ge3A : vector<16xi32>
      %add3A_71 = arith.constant 128 : i32
      %add3A_72 = arith.addi %mul3A_2, %add3A_71 : i32
      %lt3A = vector.broadcast %add3A_72 : i32 to vector<16xi32>
      %lt3A_73 = arith.cmpi slt, %gather3A, %lt3A : vector<16xi32>
      %and3A = arith.andi %ge3A_70, %lt3A_73 : vector<16xi1>
      %sub3A = vector.broadcast %mul3A_2 : i32 to vector<16xi32>
      %sub3A_74 = arith.subi %gather3A, %sub3A : vector<16xi32>
      %jit3A = arith.constant 0 : i32
      %broadcast_in_dim3A_75 = vector.broadcast %jit3A : i32 to vector<16xi32>
      %select_n3A = arith.select %and3A, %sub3A_74, %broadcast_in_dim3A_75 : vector<16xi1>, vector<16xi32>
      tpu.vector_store_idx %arg6[%select_n3A], %add3A_62 masked %and3A : memref<128xi32, #tpu.memory_space<vmem>>[vector<16xi32>], vector<16xi32>, vector<16xi1>
      %ge3A_76 = vector.broadcast %mul3A_2 : i32 to vector<16xi32>
      %ge3A_77 = arith.cmpi sge, %gather3A_69, %ge3A_76 : vector<16xi32>
      %add3A_78 = arith.constant 128 : i32
      %add3A_79 = arith.addi %mul3A_2, %add3A_78 : i32
      %lt3A_80 = vector.broadcast %add3A_79 : i32 to vector<16xi32>
      %lt3A_81 = arith.cmpi slt, %gather3A_69, %lt3A_80 : vector<16xi32>
      %and3A_82 = arith.andi %ge3A_77, %lt3A_81 : vector<16xi1>
      %sub3A_83 = vector.broadcast %mul3A_2 : i32 to vector<16xi32>
      %sub3A_84 = arith.subi %gather3A_69, %sub3A_83 : vector<16xi32>
      %jit3A_85 = arith.constant 0 : i32
      %broadcast_in_dim3A_86 = vector.broadcast %jit3A_85 : i32 to vector<16xi32>
      %select_n3A_87 = arith.select %and3A_82, %sub3A_84, %broadcast_in_dim3A_86 : vector<16xi1>, vector<16xi32>
      tpu.vector_store_idx %arg6[%select_n3A_87], %add3A_62 masked %and3A_82 : memref<128xi32, #tpu.memory_space<vmem>>[vector<16xi32>], vector<16xi32>, vector<16xi1>
    }
    %scan3A_37 = arith.constant 128 : i32
    %dma_start3A = arith.constant 0 : i32
    %dma_start3A_38 = tpu.memref_slice %arg6[%dma_start3A] : memref<128xi32, #tpu.memory_space<vmem>> -> memref<64xi32, #tpu.memory_space<vmem>>
    %dma_start3A_39 = arith.constant 0 : i32
    %dma_start3A_40 = arith.constant 0 : i32
    %dma_start3A_41 = tpu.memref_slice %arg3[%dma_start3A_39, %dma_start3A_40] : memref<2048x512xi32, #tpu.memory_space<hbm>> -> memref<2048x512xi32, #tpu.memory_space<hbm>>
    tpu.enqueue_indirect_dma source(%dma_start3A_41 : memref<2048x512xi32, #tpu.memory_space<hbm>>) target(%arg7 : memref<64x512xi32, #tpu.memory_space<vmem>>) offsets(%dma_start3A_38 : memref<64xi32, #tpu.memory_space<vmem>>) semaphore(%arg9 : memref<!tpu.dma_semaphore, #tpu.memory_space<semaphore_mem>>)
    %dma_start3A_42 = arith.constant 64 : i32
    %dma_start3A_43 = tpu.memref_slice %arg6[%dma_start3A_42] : memref<128xi32, #tpu.memory_space<vmem>> -> memref<64xi32, #tpu.memory_space<vmem>>
    %dma_start3A_44 = arith.constant 0 : i32
    %dma_start3A_45 = arith.constant 0 : i32
    %dma_start3A_46 = tpu.memref_slice %arg3[%dma_start3A_44, %dma_start3A_45] : memref<2048x512xi32, #tpu.memory_space<hbm>> -> memref<2048x512xi32, #tpu.memory_space<hbm>>
    tpu.enqueue_indirect_dma source(%dma_start3A_46 : memref<2048x512xi32, #tpu.memory_space<hbm>>) target(%arg8 : memref<64x512xi32, #tpu.memory_space<vmem>>) offsets(%dma_start3A_43 : memref<64xi32, #tpu.memory_space<vmem>>) semaphore(%arg10 : memref<!tpu.dma_semaphore, #tpu.memory_space<semaphore_mem>>)
    %dma_wait3A = arith.constant 0 : i32
    %dma_wait3A_47 = tpu.memref_slice %arg6[%dma_wait3A] : memref<128xi32, #tpu.memory_space<vmem>> -> memref<64xi32, #tpu.memory_space<vmem>>
    %dma_wait3A_48 = arith.constant 0 : i32
    %dma_wait3A_49 = arith.constant 0 : i32
    %dma_wait3A_50 = tpu.memref_slice %arg3[%dma_wait3A_48, %dma_wait3A_49] : memref<2048x512xi32, #tpu.memory_space<hbm>> -> memref<2048x512xi32, #tpu.memory_space<hbm>>
    tpu.wait_indirect_dma semaphore(%arg9 : memref<!tpu.dma_semaphore, #tpu.memory_space<semaphore_mem>>) src(%dma_wait3A_50 : memref<2048x512xi32, #tpu.memory_space<hbm>>) dst(%arg7 : memref<64x512xi32, #tpu.memory_space<vmem>>)
    "tpu.region"() ({
      %run_scoped3A = tpu.sem_alloc : memref<!tpu.dma_semaphore, #tpu.memory_space<semaphore_mem>>
      %dma_start3A_58 = arith.constant 0 : i32
      %dma_start3A_59 = tpu.memref_slice %arg4[%mul3A_2, %dma_start3A_58] : memref<4096x512xi32, #tpu.memory_space<hbm>> -> memref<64x512xi32, #tpu.memory_space<hbm>>
      %dma_start3A_60 = arith.constant 0 : i32
      %dma_start3A_61 = tpu.memref_slice %arg4[%mul3A_2, %dma_start3A_60] : memref<4096x512xi32, #tpu.memory_space<hbm>> -> memref<64x512xi32, #tpu.memory_space<hbm>>
      tpu.enqueue_dma source(%arg7 : memref<64x512xi32, #tpu.memory_space<vmem>>) target(%dma_start3A_61 : memref<64x512xi32, #tpu.memory_space<hbm>>) target_semaphore(%run_scoped3A : memref<!tpu.dma_semaphore, #tpu.memory_space<semaphore_mem>>)
      %dma_wait3A_62 = arith.constant 0 : i32
      %dma_wait3A_63 = tpu.memref_slice %arg4[%mul3A_2, %dma_wait3A_62] : memref<4096x512xi32, #tpu.memory_space<hbm>> -> memref<64x512xi32, #tpu.memory_space<hbm>>
      %dma_wait3A_64 = arith.constant 0 : i32
      %dma_wait3A_65 = tpu.memref_slice %arg4[%mul3A_2, %dma_wait3A_64] : memref<4096x512xi32, #tpu.memory_space<hbm>> -> memref<64x512xi32, #tpu.memory_space<hbm>>
      tpu.wait_dma2 semaphore(%run_scoped3A : memref<!tpu.dma_semaphore, #tpu.memory_space<semaphore_mem>>) src(%arg7 : memref<64x512xi32, #tpu.memory_space<vmem>>) dst(%dma_wait3A_65 : memref<64x512xi32, #tpu.memory_space<hbm>>)
      tpu.yield
    }) : () -> ()
    %dma_wait3A_51 = arith.constant 64 : i32
    %dma_wait3A_52 = tpu.memref_slice %arg6[%dma_wait3A_51] : memref<128xi32, #tpu.memory_space<vmem>> -> memref<64xi32, #tpu.memory_space<vmem>>
    %dma_wait3A_53 = arith.constant 0 : i32
    %dma_wait3A_54 = arith.constant 0 : i32
    %dma_wait3A_55 = tpu.memref_slice %arg3[%dma_wait3A_53, %dma_wait3A_54] : memref<2048x512xi32, #tpu.memory_space<hbm>> -> memref<2048x512xi32, #tpu.memory_space<hbm>>
    tpu.wait_indirect_dma semaphore(%arg10 : memref<!tpu.dma_semaphore, #tpu.memory_space<semaphore_mem>>) src(%dma_wait3A_55 : memref<2048x512xi32, #tpu.memory_space<hbm>>) dst(%arg8 : memref<64x512xi32, #tpu.memory_space<vmem>>)
    %add3A_56 = arith.constant 64 : i32
    %add3A_57 = arith.addi %mul3A_2, %add3A_56 : i32
    "tpu.region"() ({
      %run_scoped3A = tpu.sem_alloc : memref<!tpu.dma_semaphore, #tpu.memory_space<semaphore_mem>>
      %dma_start3A_58 = arith.constant 0 : i32
      %dma_start3A_59 = tpu.memref_slice %arg4[%add3A_57, %dma_start3A_58] : memref<4096x512xi32, #tpu.memory_space<hbm>> -> memref<64x512xi32, #tpu.memory_space<hbm>>
      %dma_start3A_60 = arith.constant 0 : i32
      %dma_start3A_61 = tpu.memref_slice %arg4[%add3A_57, %dma_start3A_60] : memref<4096x512xi32, #tpu.memory_space<hbm>> -> memref<64x512xi32, #tpu.memory_space<hbm>>
      tpu.enqueue_dma source(%arg8 : memref<64x512xi32, #tpu.memory_space<vmem>>) target(%dma_start3A_61 : memref<64x512xi32, #tpu.memory_space<hbm>>) target_semaphore(%run_scoped3A : memref<!tpu.dma_semaphore, #tpu.memory_space<semaphore_mem>>)
      %dma_wait3A_62 = arith.constant 0 : i32
      %dma_wait3A_63 = tpu.memref_slice %arg4[%add3A_57, %dma_wait3A_62] : memref<4096x512xi32, #tpu.memory_space<hbm>> -> memref<64x512xi32, #tpu.memory_space<hbm>>
      %dma_wait3A_64 = arith.constant 0 : i32
      %dma_wait3A_65 = tpu.memref_slice %arg4[%add3A_57, %dma_wait3A_64] : memref<4096x512xi32, #tpu.memory_space<hbm>> -> memref<64x512xi32, #tpu.memory_space<hbm>>
      tpu.wait_dma2 semaphore(%run_scoped3A : memref<!tpu.dma_semaphore, #tpu.memory_space<semaphore_mem>>) src(%arg8 : memref<64x512xi32, #tpu.memory_space<vmem>>) dst(%dma_wait3A_65 : memref<64x512xi32, #tpu.memory_space<hbm>>)
      tpu.yield
    }) : () -> ()
    return
  }
}

module attributes {stable_mosaic.version = 14 : i64} {
  func.func @_shared_body(%arg0: i32, %arg1: memref<256x512xi32, #tpu.memory_space<vmem>>, %arg2: memref<1024x1024xf32, #tpu.memory_space<vmem>>, %arg3: memref<1024x1024xf32, #tpu.memory_space<vmem>>, %arg4: memref<1024x1024xf32, #tpu.memory_space<vmem>>, %arg5: memref<256x512xi32, #tpu.memory_space<vmem>>) attributes {dimension_semantics = [#tpu.dimension_semantics<arbitrary>], iteration_bounds = array<i64: 8>, scalar_prefetch = 0 : i64, scratch_operands = 0 : i64, tpu.core_type = #tpu.core_type<tc>, window_params = [{transform_indices = @transform_0, window_bounds = array<i64: 256, 512>}, {pipeline_mode = #tpu.pipeline_mode<synchronous>, transform_indices = @transform_1, window_bounds = array<i64: 1024, 1024>}, {pipeline_mode = #tpu.pipeline_mode<synchronous>, transform_indices = @transform_2, window_bounds = array<i64: 1024, 1024>}, {pipeline_mode = #tpu.pipeline_mode<synchronous>, transform_indices = @transform_3, window_bounds = array<i64: 1024, 1024>}, {transform_indices = @transform_4, window_bounds = array<i64: 256, 512>}]} {
    %get3A = arith.constant 0 : index
    %get3A_0 = arith.constant 0 : index
    %get3A_1 = vector.load %arg1[%get3A, %get3A_0] : memref<256x512xi32, #tpu.memory_space<vmem>>, vector<256x512xi32>
    %bitcast_convert_type3A = tpu.bitcast %get3A_1 : vector<256x512xi32> -> vector<256x512xi32>
    %shift_left3A = arith.constant 16 : i32
    %shift_left3A_2 = vector.broadcast %shift_left3A : i32 to vector<256x512xi32>
    %shift_left3A_3 = arith.shli %bitcast_convert_type3A, %shift_left3A_2 : vector<256x512xi32>
    %bitcast_convert_type3A_4 = tpu.bitcast %shift_left3A_3 : vector<256x512xi32> -> vector<256x512xf32>
    %and3A = arith.constant -65536 : i32
    %and3A_5 = vector.broadcast %and3A : i32 to vector<256x512xi32>
    %and3A_6 = arith.andi %bitcast_convert_type3A, %and3A_5 : vector<256x512xi32>
    %bitcast_convert_type3A_7 = tpu.bitcast %and3A_6 : vector<256x512xi32> -> vector<256x512xf32>
    %concatenate3A = tpu.concatenate %bitcast_convert_type3A_4, %bitcast_convert_type3A_7 in 1 : vector<256x512xf32>, vector<256x512xf32> -> vector<256x1024xf32>
    %convert_element_type3A = arith.truncf %concatenate3A : vector<256x1024xf32> to vector<256x1024xbf16>
    %get3A_8 = arith.constant 0 : index
    %get3A_9 = arith.constant 0 : index
    %get3A_10 = vector.load %arg2[%get3A_8, %get3A_9] : memref<1024x1024xf32, #tpu.memory_space<vmem>>, vector<1024x1024xf32>
    %convert_element_type3A_11 = arith.truncf %get3A_10 : vector<1024x1024xf32> to vector<1024x1024xbf16>
    %get3A_12 = arith.constant 0 : index
    %get3A_13 = arith.constant 0 : index
    %get3A_14 = vector.load %arg3[%get3A_12, %get3A_13] : memref<1024x1024xf32, #tpu.memory_space<vmem>>, vector<1024x1024xf32>
    %convert_element_type3A_15 = arith.truncf %get3A_14 : vector<1024x1024xf32> to vector<1024x1024xbf16>
    %get3A_16 = arith.constant 0 : index
    %get3A_17 = arith.constant 0 : index
    %get3A_18 = vector.load %arg4[%get3A_16, %get3A_17] : memref<1024x1024xf32, #tpu.memory_space<vmem>>, vector<1024x1024xf32>
    %convert_element_type3A_19 = arith.truncf %get3A_18 : vector<1024x1024xf32> to vector<1024x1024xbf16>
    %dot_general3A = arith.constant dense<0.000000e+00> : vector<256x1024xf32>
    %dot_general3A_20 = tpu.matmul %convert_element_type3A, %convert_element_type3A_11, %dot_general3A {dimension_numbers = #tpu.dot_dimension_numbers<[1], [1], [0], [0], [0, 0, 1, 0], [], []>, transpose_lhs_hint = false} : vector<256x1024xbf16>, vector<1024x1024xbf16>, vector<256x1024xf32> -> vector<256x1024xf32>
    %dot_general3A_21 = arith.constant dense<0.000000e+00> : vector<256x1024xf32>
    %dot_general3A_22 = tpu.matmul %convert_element_type3A, %convert_element_type3A_15, %dot_general3A_21 {dimension_numbers = #tpu.dot_dimension_numbers<[1], [1], [0], [0], [0, 0, 1, 0], [], []>, transpose_lhs_hint = false} : vector<256x1024xbf16>, vector<1024x1024xbf16>, vector<256x1024xf32> -> vector<256x1024xf32>
    %neg3A = arith.constant 0.000000e+00 : f32
    %neg3A_23 = vector.broadcast %neg3A : f32 to vector<256x1024xf32>
    %neg3A_24 = arith.subf %neg3A_23, %dot_general3A_20 : vector<256x1024xf32>
    %exp3A = math.exp %neg3A_24 : vector<256x1024xf32>
    %add3A = arith.constant 1.000000e+00 : f32
    %add3A_25 = vector.broadcast %add3A : f32 to vector<256x1024xf32>
    %add3A_26 = arith.addf %add3A_25, %exp3A : vector<256x1024xf32>
    %div3A = arith.divf %dot_general3A_20, %add3A_26 : vector<256x1024xf32>
    %mul3A = arith.mulf %div3A, %dot_general3A_22 : vector<256x1024xf32>
    %convert_element_type3A_27 = arith.truncf %mul3A : vector<256x1024xf32> to vector<256x1024xbf16>
    %dot_general3A_28 = arith.constant dense<0.000000e+00> : vector<256x1024xf32>
    %dot_general3A_29 = tpu.matmul %convert_element_type3A_27, %convert_element_type3A_19, %dot_general3A_28 {dimension_numbers = #tpu.dot_dimension_numbers<[1], [1], [0], [0], [0, 0, 1, 0], [], []>, transpose_lhs_hint = false} : vector<256x1024xbf16>, vector<1024x1024xbf16>, vector<256x1024xf32> -> vector<256x1024xf32>
    %convert_element_type3A_30 = arith.truncf %dot_general3A_29 : vector<256x1024xf32> to vector<256x1024xbf16>
    %convert_element_type3A_31 = arith.extf %convert_element_type3A_30 : vector<256x1024xbf16> to vector<256x1024xf32>
    %bitcast_convert_type3A_32 = tpu.bitcast %convert_element_type3A_31 : vector<256x1024xf32> -> vector<256x1024xi32>
    %slice3A = vector.extract_strided_slice %bitcast_convert_type3A_32 {offsets = [0, 0], sizes = [256, 512], strides = [1, 1]} : vector<256x1024xi32> to vector<256x512xi32>
    %shift_right_logical3A = arith.constant 16 : i32
    %shift_right_logical3A_33 = vector.broadcast %shift_right_logical3A : i32 to vector<256x512xi32>
    %shift_right_logical3A_34 = arith.shrui %slice3A, %shift_right_logical3A_33 : vector<256x512xi32>
    %slice3A_35 = vector.extract_strided_slice %bitcast_convert_type3A_32 {offsets = [0, 512], sizes = [256, 512], strides = [1, 1]} : vector<256x1024xi32> to vector<256x512xi32>
    %and3A_36 = arith.constant -65536 : i32
    %and3A_37 = vector.broadcast %and3A_36 : i32 to vector<256x512xi32>
    %and3A_38 = arith.andi %slice3A_35, %and3A_37 : vector<256x512xi32>
    %or3A = arith.ori %and3A_38, %shift_right_logical3A_34 : vector<256x512xi32>
    %bitcast_convert_type3A_39 = tpu.bitcast %or3A : vector<256x512xi32> -> vector<256x512xi32>
    %swap3A = arith.constant 0 : index
    %swap3A_40 = arith.constant 0 : index
    %swap3A_41 = vector.load %arg5[%swap3A, %swap3A_40] : memref<256x512xi32, #tpu.memory_space<vmem>>, vector<256x512xi32>
    tpu.vector_store %arg5[%swap3A, %swap3A_40], %bitcast_convert_type3A_39 {strides = array<i32>} : memref<256x512xi32, #tpu.memory_space<vmem>>, vector<256x512xi32>,
    return
  }
  func.func @transform_0(%arg0: i32) -> (i32, i32) {
    %c0_i32 = arith.constant 0 : i32
    %c0_i32_0 = arith.constant 0 : i32
    return %arg0, %c0_i32 : i32, i32
  }
  func.func @transform_1(%arg0: i32) -> (i32, i32) {
    %c0_i32 = arith.constant 0 : i32
    %c0_i32_0 = arith.constant 0 : i32
    %c0_i32_1 = arith.constant 0 : i32
    return %c0_i32, %c0_i32_0 : i32, i32
  }
  func.func @transform_2(%arg0: i32) -> (i32, i32) {
    %c0_i32 = arith.constant 0 : i32
    %c0_i32_0 = arith.constant 0 : i32
    %c0_i32_1 = arith.constant 0 : i32
    return %c0_i32, %c0_i32_0 : i32, i32
  }
  func.func @transform_3(%arg0: i32) -> (i32, i32) {
    %c0_i32 = arith.constant 0 : i32
    %c0_i32_0 = arith.constant 0 : i32
    %c0_i32_1 = arith.constant 0 : i32
    return %c0_i32, %c0_i32_0 : i32, i32
  }
  func.func @transform_4(%arg0: i32) -> (i32, i32) {
    %c0_i32 = arith.constant 0 : i32
    %c0_i32_0 = arith.constant 0 : i32
    return %arg0, %c0_i32 : i32, i32
  }
}

module attributes {stable_mosaic.version = 14 : i64} {
  func.func @_routing_body(%arg0: memref<2048x1024xf32, #tpu.memory_space<vmem>>, %arg1: memref<8x1024xf32, #tpu.memory_space<vmem>>, %arg2: memref<2048x8xi32, #tpu.memory_space<vmem>>, %arg3: memref<2048x8xf32, #tpu.memory_space<vmem>>, %arg4: memref<2048x512xi32, #tpu.memory_space<vmem>>) attributes {dimension_semantics = [], scalar_prefetch = 0 : i64, scratch_operands = 0 : i64, tpu.core_type = #tpu.core_type<tc>} {
    %get3A = arith.constant 0 : index
    %get3A_0 = arith.constant 0 : index
    %get3A_1 = vector.load %arg0[%get3A, %get3A_0] : memref<2048x1024xf32, #tpu.memory_space<vmem>>, vector<2048x1024xf32>
    %get3A_2 = arith.constant 0 : index
    %get3A_3 = arith.constant 0 : index
    %get3A_4 = vector.load %arg1[%get3A_2, %get3A_3] : memref<8x1024xf32, #tpu.memory_space<vmem>>, vector<8x1024xf32>
    %convert_element_type3A = arith.truncf %get3A_1 : vector<2048x1024xf32> to vector<2048x1024xbf16>
    %convert_element_type3A_5 = arith.extf %convert_element_type3A : vector<2048x1024xbf16> to vector<2048x1024xf32>
    %bitcast_convert_type3A = tpu.bitcast %convert_element_type3A_5 : vector<2048x1024xf32> -> vector<2048x1024xi32>
    %slice3A = vector.extract_strided_slice %bitcast_convert_type3A {offsets = [0, 0], sizes = [2048, 512], strides = [1, 1]} : vector<2048x1024xi32> to vector<2048x512xi32>
    %shift_right_logical3A = arith.constant 16 : i32
    %shift_right_logical3A_6 = vector.broadcast %shift_right_logical3A : i32 to vector<2048x512xi32>
    %shift_right_logical3A_7 = arith.shrui %slice3A, %shift_right_logical3A_6 : vector<2048x512xi32>
    %slice3A_8 = vector.extract_strided_slice %bitcast_convert_type3A {offsets = [0, 512], sizes = [2048, 512], strides = [1, 1]} : vector<2048x1024xi32> to vector<2048x512xi32>
    %and3A = arith.constant -65536 : i32
    %and3A_9 = vector.broadcast %and3A : i32 to vector<2048x512xi32>
    %and3A_10 = arith.andi %slice3A_8, %and3A_9 : vector<2048x512xi32>
    %or3A = arith.ori %and3A_10, %shift_right_logical3A_7 : vector<2048x512xi32>
    %bitcast_convert_type3A_11 = tpu.bitcast %or3A : vector<2048x512xi32> -> vector<2048x512xi32>
    %swap3A = arith.constant 0 : index
    %swap3A_12 = arith.constant 0 : index
    %swap3A_13 = vector.load %arg4[%swap3A, %swap3A_12] : memref<2048x512xi32, #tpu.memory_space<vmem>>, vector<2048x512xi32>
    tpu.vector_store %arg4[%swap3A, %swap3A_12], %bitcast_convert_type3A_11 {strides = array<i32>} : memref<2048x512xi32, #tpu.memory_space<vmem>>, vector<2048x512xi32>,
    %dot_general3A = arith.constant dense<0.000000e+00> : vector<2048x8xf32>
    %dot_general3A_14 = tpu.matmul %get3A_1, %get3A_4, %dot_general3A {dimension_numbers = #tpu.dot_dimension_numbers<[1], [1], [0], [0], [0, 0, 1, 0], [], []>, transpose_lhs_hint = false} : vector<2048x1024xf32>, vector<8x1024xf32>, vector<2048x8xf32> -> vector<2048x8xf32>
    %reduce_max3A = arith.constant dense<0xFF800000> : vector<2048xf32>
    %reduce_max3A_15 = vector.multi_reduction <maximumf>, %dot_general3A_14, %reduce_max3A [1] : vector<2048x8xf32> to vector<2048xf32>
    %broadcast_in_dim3A = vector.shape_cast %reduce_max3A_15 : vector<2048xf32> to vector<2048x1xf32>
    %sub3A = vector.broadcast %broadcast_in_dim3A : vector<2048x1xf32> to vector<2048x8xf32>
    %sub3A_16 = arith.subf %dot_general3A_14, %sub3A : vector<2048x8xf32>
    %exp3A = math.exp %sub3A_16 : vector<2048x8xf32>
    %reduce_sum3A = arith.constant dense<0.000000e+00> : vector<2048xf32>
    %reduce_sum3A_17 = vector.multi_reduction <add>, %exp3A, %reduce_sum3A [1] : vector<2048x8xf32> to vector<2048xf32>
    %broadcast_in_dim3A_18 = vector.shape_cast %reduce_sum3A_17 : vector<2048xf32> to vector<2048x1xf32>
    %div3A = vector.broadcast %broadcast_in_dim3A_18 : vector<2048x1xf32> to vector<2048x8xf32>
    %div3A_19 = arith.divf %exp3A, %div3A : vector<2048x8xf32>
    %iota3A = tpu.iota {dimensions = array<i32: 1>} : vector<2048x8xi32>
    %reduce_max3A_20 = arith.constant dense<0xFF800000> : vector<2048xf32>
    %reduce_max3A_21 = vector.multi_reduction <maximumf>, %div3A_19, %reduce_max3A_20 [1] : vector<2048x8xf32> to vector<2048xf32>
    %broadcast_in_dim3A_22 = vector.shape_cast %reduce_max3A_21 : vector<2048xf32> to vector<2048x1xf32>
    %ge3A = vector.broadcast %broadcast_in_dim3A_22 : vector<2048x1xf32> to vector<2048x8xf32>
    %ge3A_23 = arith.cmpf oge, %div3A_19, %ge3A : vector<2048x8xf32>
    %jit3A = arith.constant 8 : i32
    %broadcast_in_dim3A_24 = vector.broadcast %jit3A : i32 to vector<2048x8xi32>
    %select_n3A = arith.select %ge3A_23, %iota3A, %broadcast_in_dim3A_24 : vector<2048x8xi1>, vector<2048x8xi32>
    %reduce_min3A = arith.constant dense<2147483647> : vector<2048xi32>
    %reduce_min3A_25 = vector.multi_reduction <minsi>, %select_n3A, %reduce_min3A [1] : vector<2048x8xi32> to vector<2048xi32>
    %broadcast_in_dim3A_26 = vector.shape_cast %reduce_min3A_25 : vector<2048xi32> to vector<2048x1xi32>
    %eq3A = vector.broadcast %broadcast_in_dim3A_26 : vector<2048x1xi32> to vector<2048x8xi32>
    %eq3A_27 = arith.cmpi eq, %iota3A, %eq3A : vector<2048x8xi32>
    %jit3A_28 = arith.constant -1.000000e+30 : f32
    %broadcast_in_dim3A_29 = vector.broadcast %jit3A_28 : f32 to vector<2048x8xf32>
    %select_n3A_30 = arith.select %eq3A_27, %broadcast_in_dim3A_29, %div3A_19 : vector<2048x8xi1>, vector<2048x8xf32>
    %reduce_max3A_31 = arith.constant dense<0xFF800000> : vector<2048xf32>
    %reduce_max3A_32 = vector.multi_reduction <maximumf>, %select_n3A_30, %reduce_max3A_31 [1] : vector<2048x8xf32> to vector<2048xf32>
    %broadcast_in_dim3A_33 = vector.shape_cast %reduce_max3A_32 : vector<2048xf32> to vector<2048x1xf32>
    %ge3A_34 = vector.broadcast %broadcast_in_dim3A_33 : vector<2048x1xf32> to vector<2048x8xf32>
    %ge3A_35 = arith.cmpf oge, %select_n3A_30, %ge3A_34 : vector<2048x8xf32>
    %jit3A_36 = arith.constant 8 : i32
    %broadcast_in_dim3A_37 = vector.broadcast %jit3A_36 : i32 to vector<2048x8xi32>
    %select_n3A_38 = arith.select %ge3A_35, %iota3A, %broadcast_in_dim3A_37 : vector<2048x8xi1>, vector<2048x8xi32>
    %reduce_min3A_39 = arith.constant dense<2147483647> : vector<2048xi32>
    %reduce_min3A_40 = vector.multi_reduction <minsi>, %select_n3A_38, %reduce_min3A_39 [1] : vector<2048x8xi32> to vector<2048xi32>
    %broadcast_in_dim3A_41 = vector.shape_cast %reduce_min3A_40 : vector<2048xi32> to vector<2048x1xi32>
    %eq3A_42 = vector.broadcast %broadcast_in_dim3A_41 : vector<2048x1xi32> to vector<2048x8xi32>
    %eq3A_43 = arith.cmpi eq, %iota3A, %eq3A_42 : vector<2048x8xi32>
    %convert_element_type3A_44 = arith.extui %eq3A_27 : vector<2048x8xi1> to vector<2048x8xi32>
    %convert_element_type3A_45 = arith.sitofp %convert_element_type3A_44 : vector<2048x8xi32> to vector<2048x8xf32>
    %convert_element_type3A_46 = arith.truncf %convert_element_type3A_45 : vector<2048x8xf32> to vector<2048x8xbf16>
    %convert_element_type3A_47 = arith.extui %eq3A_43 : vector<2048x8xi1> to vector<2048x8xi32>
    %convert_element_type3A_48 = arith.sitofp %convert_element_type3A_47 : vector<2048x8xi32> to vector<2048x8xf32>
    %convert_element_type3A_49 = arith.truncf %convert_element_type3A_48 : vector<2048x8xf32> to vector<2048x8xbf16>
    %add3A = arith.addf %convert_element_type3A_46, %convert_element_type3A_49 : vector<2048x8xbf16>
    %iota3A_50 = tpu.iota {dimensions = array<i32: 0>} : vector<256x256xi32>
    %iota3A_51 = tpu.iota {dimensions = array<i32: 1>} : vector<256x256xi32>
    %lt3A = arith.cmpi slt, %iota3A_51, %iota3A_50 : vector<256x256xi32>
    %convert_element_type3A_52 = arith.extui %lt3A : vector<256x256xi1> to vector<256x256xi32>
    %convert_element_type3A_53 = arith.sitofp %convert_element_type3A_52 : vector<256x256xi32> to vector<256x256xf32>
    %convert_element_type3A_54 = arith.truncf %convert_element_type3A_53 : vector<256x256xf32> to vector<256x256xbf16>
    %broadcast_in_dim3A_55 = arith.constant 1.000000e+00 : bf16
    %broadcast_in_dim3A_56 = vector.broadcast %broadcast_in_dim3A_55 : bf16 to vector<1x256xbf16>
    %broadcast_in_dim3A_57 = arith.constant 0.000000e+00 : f32
    %broadcast_in_dim3A_58 = vector.broadcast %broadcast_in_dim3A_57 : f32 to vector<1x8xf32>
    %slice3A_59 = vector.extract_strided_slice %add3A {offsets = [0, 0], sizes = [256, 8], strides = [1, 1]} : vector<2048x8xbf16> to vector<256x8xbf16>
    %dot_general3A_60 = arith.constant dense<0.000000e+00> : vector<256x8xf32>
    %dot_general3A_61 = tpu.matmul %convert_element_type3A_54, %slice3A_59, %dot_general3A_60 {dimension_numbers = #tpu.dot_dimension_numbers<[1], [0], [0], [1], [0, 0, 1, 1], [], []>, transpose_lhs_hint = false} : vector<256x256xbf16>, vector<256x8xbf16>, vector<256x8xf32> -> vector<256x8xf32>
    %add3A_62 = vector.broadcast %broadcast_in_dim3A_58 : vector<1x8xf32> to vector<256x8xf32>
    %add3A_63 = arith.addf %dot_general3A_61, %add3A_62 : vector<256x8xf32>
    %dot_general3A_64 = arith.constant dense<0.000000e+00> : vector<1x8xf32>
    %dot_general3A_65 = tpu.matmul %broadcast_in_dim3A_56, %slice3A_59, %dot_general3A_64 {dimension_numbers = #tpu.dot_dimension_numbers<[1], [0], [0], [1], [0, 0, 1, 1], [], []>, transpose_lhs_hint = false} : vector<1x256xbf16>, vector<256x8xbf16>, vector<1x8xf32> -> vector<1x8xf32>
    %add3A_66 = arith.addf %broadcast_in_dim3A_58, %dot_general3A_65 : vector<1x8xf32>
    %slice3A_67 = vector.extract_strided_slice %add3A {offsets = [256, 0], sizes = [256, 8], strides = [1, 1]} : vector<2048x8xbf16> to vector<256x8xbf16>
    %dot_general3A_68 = arith.constant dense<0.000000e+00> : vector<256x8xf32>
    %dot_general3A_69 = tpu.matmul %convert_element_type3A_54, %slice3A_67, %dot_general3A_68 {dimension_numbers = #tpu.dot_dimension_numbers<[1], [0], [0], [1], [0, 0, 1, 1], [], []>, transpose_lhs_hint = false} : vector<256x256xbf16>, vector<256x8xbf16>, vector<256x8xf32> -> vector<256x8xf32>
    %add3A_70 = vector.broadcast %add3A_66 : vector<1x8xf32> to vector<256x8xf32>
    %add3A_71 = arith.addf %dot_general3A_69, %add3A_70 : vector<256x8xf32>
    %dot_general3A_72 = arith.constant dense<0.000000e+00> : vector<1x8xf32>
    %dot_general3A_73 = tpu.matmul %broadcast_in_dim3A_56, %slice3A_67, %dot_general3A_72 {dimension_numbers = #tpu.dot_dimension_numbers<[1], [0], [0], [1], [0, 0, 1, 1], [], []>, transpose_lhs_hint = false} : vector<1x256xbf16>, vector<256x8xbf16>, vector<1x8xf32> -> vector<1x8xf32>
    %add3A_74 = arith.addf %add3A_66, %dot_general3A_73 : vector<1x8xf32>
    %slice3A_75 = vector.extract_strided_slice %add3A {offsets = [512, 0], sizes = [256, 8], strides = [1, 1]} : vector<2048x8xbf16> to vector<256x8xbf16>
    %dot_general3A_76 = arith.constant dense<0.000000e+00> : vector<256x8xf32>
    %dot_general3A_77 = tpu.matmul %convert_element_type3A_54, %slice3A_75, %dot_general3A_76 {dimension_numbers = #tpu.dot_dimension_numbers<[1], [0], [0], [1], [0, 0, 1, 1], [], []>, transpose_lhs_hint = false} : vector<256x256xbf16>, vector<256x8xbf16>, vector<256x8xf32> -> vector<256x8xf32>
    %add3A_78 = vector.broadcast %add3A_74 : vector<1x8xf32> to vector<256x8xf32>
    %add3A_79 = arith.addf %dot_general3A_77, %add3A_78 : vector<256x8xf32>
    %dot_general3A_80 = arith.constant dense<0.000000e+00> : vector<1x8xf32>
    %dot_general3A_81 = tpu.matmul %broadcast_in_dim3A_56, %slice3A_75, %dot_general3A_80 {dimension_numbers = #tpu.dot_dimension_numbers<[1], [0], [0], [1], [0, 0, 1, 1], [], []>, transpose_lhs_hint = false} : vector<1x256xbf16>, vector<256x8xbf16>, vector<1x8xf32> -> vector<1x8xf32>
    %add3A_82 = arith.addf %add3A_74, %dot_general3A_81 : vector<1x8xf32>
    %slice3A_83 = vector.extract_strided_slice %add3A {offsets = [768, 0], sizes = [256, 8], strides = [1, 1]} : vector<2048x8xbf16> to vector<256x8xbf16>
    %dot_general3A_84 = arith.constant dense<0.000000e+00> : vector<256x8xf32>
    %dot_general3A_85 = tpu.matmul %convert_element_type3A_54, %slice3A_83, %dot_general3A_84 {dimension_numbers = #tpu.dot_dimension_numbers<[1], [0], [0], [1], [0, 0, 1, 1], [], []>, transpose_lhs_hint = false} : vector<256x256xbf16>, vector<256x8xbf16>, vector<256x8xf32> -> vector<256x8xf32>
    %add3A_86 = vector.broadcast %add3A_82 : vector<1x8xf32> to vector<256x8xf32>
    %add3A_87 = arith.addf %dot_general3A_85, %add3A_86 : vector<256x8xf32>
    %dot_general3A_88 = arith.constant dense<0.000000e+00> : vector<1x8xf32>
    %dot_general3A_89 = tpu.matmul %broadcast_in_dim3A_56, %slice3A_83, %dot_general3A_88 {dimension_numbers = #tpu.dot_dimension_numbers<[1], [0], [0], [1], [0, 0, 1, 1], [], []>, transpose_lhs_hint = false} : vector<1x256xbf16>, vector<256x8xbf16>, vector<1x8xf32> -> vector<1x8xf32>
    %add3A_90 = arith.addf %add3A_82, %dot_general3A_89 : vector<1x8xf32>
    %slice3A_91 = vector.extract_strided_slice %add3A {offsets = [1024, 0], sizes = [256, 8], strides = [1, 1]} : vector<2048x8xbf16> to vector<256x8xbf16>
    %dot_general3A_92 = arith.constant dense<0.000000e+00> : vector<256x8xf32>
    %dot_general3A_93 = tpu.matmul %convert_element_type3A_54, %slice3A_91, %dot_general3A_92 {dimension_numbers = #tpu.dot_dimension_numbers<[1], [0], [0], [1], [0, 0, 1, 1], [], []>, transpose_lhs_hint = false} : vector<256x256xbf16>, vector<256x8xbf16>, vector<256x8xf32> -> vector<256x8xf32>
    %add3A_94 = vector.broadcast %add3A_90 : vector<1x8xf32> to vector<256x8xf32>
    %add3A_95 = arith.addf %dot_general3A_93, %add3A_94 : vector<256x8xf32>
    %dot_general3A_96 = arith.constant dense<0.000000e+00> : vector<1x8xf32>
    %dot_general3A_97 = tpu.matmul %broadcast_in_dim3A_56, %slice3A_91, %dot_general3A_96 {dimension_numbers = #tpu.dot_dimension_numbers<[1], [0], [0], [1], [0, 0, 1, 1], [], []>, transpose_lhs_hint = false} : vector<1x256xbf16>, vector<256x8xbf16>, vector<1x8xf32> -> vector<1x8xf32>
    %add3A_98 = arith.addf %add3A_90, %dot_general3A_97 : vector<1x8xf32>
    %slice3A_99 = vector.extract_strided_slice %add3A {offsets = [1280, 0], sizes = [256, 8], strides = [1, 1]} : vector<2048x8xbf16> to vector<256x8xbf16>
    %dot_general3A_100 = arith.constant dense<0.000000e+00> : vector<256x8xf32>
    %dot_general3A_101 = tpu.matmul %convert_element_type3A_54, %slice3A_99, %dot_general3A_100 {dimension_numbers = #tpu.dot_dimension_numbers<[1], [0], [0], [1], [0, 0, 1, 1], [], []>, transpose_lhs_hint = false} : vector<256x256xbf16>, vector<256x8xbf16>, vector<256x8xf32> -> vector<256x8xf32>
    %add3A_102 = vector.broadcast %add3A_98 : vector<1x8xf32> to vector<256x8xf32>
    %add3A_103 = arith.addf %dot_general3A_101, %add3A_102 : vector<256x8xf32>
    %dot_general3A_104 = arith.constant dense<0.000000e+00> : vector<1x8xf32>
    %dot_general3A_105 = tpu.matmul %broadcast_in_dim3A_56, %slice3A_99, %dot_general3A_104 {dimension_numbers = #tpu.dot_dimension_numbers<[1], [0], [0], [1], [0, 0, 1, 1], [], []>, transpose_lhs_hint = false} : vector<1x256xbf16>, vector<256x8xbf16>, vector<1x8xf32> -> vector<1x8xf32>
    %add3A_106 = arith.addf %add3A_98, %dot_general3A_105 : vector<1x8xf32>
    %slice3A_107 = vector.extract_strided_slice %add3A {offsets = [1536, 0], sizes = [256, 8], strides = [1, 1]} : vector<2048x8xbf16> to vector<256x8xbf16>
    %dot_general3A_108 = arith.constant dense<0.000000e+00> : vector<256x8xf32>
    %dot_general3A_109 = tpu.matmul %convert_element_type3A_54, %slice3A_107, %dot_general3A_108 {dimension_numbers = #tpu.dot_dimension_numbers<[1], [0], [0], [1], [0, 0, 1, 1], [], []>, transpose_lhs_hint = false} : vector<256x256xbf16>, vector<256x8xbf16>, vector<256x8xf32> -> vector<256x8xf32>
    %add3A_110 = vector.broadcast %add3A_106 : vector<1x8xf32> to vector<256x8xf32>
    %add3A_111 = arith.addf %dot_general3A_109, %add3A_110 : vector<256x8xf32>
    %dot_general3A_112 = arith.constant dense<0.000000e+00> : vector<1x8xf32>
    %dot_general3A_113 = tpu.matmul %broadcast_in_dim3A_56, %slice3A_107, %dot_general3A_112 {dimension_numbers = #tpu.dot_dimension_numbers<[1], [0], [0], [1], [0, 0, 1, 1], [], []>, transpose_lhs_hint = false} : vector<1x256xbf16>, vector<256x8xbf16>, vector<1x8xf32> -> vector<1x8xf32>
    %add3A_114 = arith.addf %add3A_106, %dot_general3A_113 : vector<1x8xf32>
    %slice3A_115 = vector.extract_strided_slice %add3A {offsets = [1792, 0], sizes = [256, 8], strides = [1, 1]} : vector<2048x8xbf16> to vector<256x8xbf16>
    %dot_general3A_116 = arith.constant dense<0.000000e+00> : vector<256x8xf32>
    %dot_general3A_117 = tpu.matmul %convert_element_type3A_54, %slice3A_115, %dot_general3A_116 {dimension_numbers = #tpu.dot_dimension_numbers<[1], [0], [0], [1], [0, 0, 1, 1], [], []>, transpose_lhs_hint = false} : vector<256x256xbf16>, vector<256x8xbf16>, vector<256x8xf32> -> vector<256x8xf32>
    %add3A_118 = vector.broadcast %add3A_114 : vector<1x8xf32> to vector<256x8xf32>
    %add3A_119 = arith.addf %dot_general3A_117, %add3A_118 : vector<256x8xf32>
    %concatenate3A = tpu.concatenate %add3A_63, %add3A_71, %add3A_79, %add3A_87, %add3A_95, %add3A_103, %add3A_111, %add3A_119 in 0 : vector<256x8xf32>, vector<256x8xf32>, vector<256x8xf32>, vector<256x8xf32>, vector<256x8xf32>, vector<256x8xf32>, vector<256x8xf32>, vector<256x8xf32> -> vector<2048x8xf32>
    %jit3A_120 = arith.constant 0.000000e+00 : f32
    %broadcast_in_dim3A_121 = vector.broadcast %jit3A_120 : f32 to vector<2048x8xf32>
    %select_n3A_122 = arith.select %eq3A_27, %concatenate3A, %broadcast_in_dim3A_121 : vector<2048x8xi1>, vector<2048x8xf32>
    %reduce_sum3A_123 = arith.constant dense<0.000000e+00> : vector<2048xf32>
    %reduce_sum3A_124 = vector.multi_reduction <add>, %select_n3A_122, %reduce_sum3A_123 [1] : vector<2048x8xf32> to vector<2048xf32>
    %broadcast_in_dim3A_125 = vector.shape_cast %reduce_sum3A_124 : vector<2048xf32> to vector<2048x1xf32>
    %convert_element_type3A_126 = arith.fptosi %broadcast_in_dim3A_125 : vector<2048x1xf32> to vector<2048x1xi32>
    %jit3A_127 = arith.constant 0.000000e+00 : f32
    %broadcast_in_dim3A_128 = vector.broadcast %jit3A_127 : f32 to vector<2048x8xf32>
    %select_n3A_129 = arith.select %eq3A_43, %concatenate3A, %broadcast_in_dim3A_128 : vector<2048x8xi1>, vector<2048x8xf32>
    %reduce_sum3A_130 = arith.constant dense<0.000000e+00> : vector<2048xf32>
    %reduce_sum3A_131 = vector.multi_reduction <add>, %select_n3A_129, %reduce_sum3A_130 [1] : vector<2048x8xf32> to vector<2048xf32>
    %broadcast_in_dim3A_132 = vector.shape_cast %reduce_sum3A_131 : vector<2048xf32> to vector<2048x1xf32>
    %convert_element_type3A_133 = arith.fptosi %broadcast_in_dim3A_132 : vector<2048x1xf32> to vector<2048x1xi32>
    %lt3A_134 = arith.constant 512 : i32
    %lt3A_135 = vector.broadcast %lt3A_134 : i32 to vector<2048x1xi32>
    %lt3A_136 = arith.cmpi slt, %convert_element_type3A_126, %lt3A_135 : vector<2048x1xi32>
    %lt3A_137 = arith.constant 512 : i32
    %lt3A_138 = vector.broadcast %lt3A_137 : i32 to vector<2048x1xi32>
    %lt3A_139 = arith.cmpi slt, %convert_element_type3A_133, %lt3A_138 : vector<2048x1xi32>
    %add3A_140 = arith.addf %broadcast_in_dim3A_22, %broadcast_in_dim3A_33 : vector<2048x1xf32>
    %add3A_141 = arith.constant 9.99999968E-21 : f32
    %add3A_142 = vector.broadcast %add3A_141 : f32 to vector<2048x1xf32>
    %add3A_143 = arith.addf %add3A_140, %add3A_142 : vector<2048x1xf32>
    %div3A_144 = arith.divf %broadcast_in_dim3A_22, %add3A_143 : vector<2048x1xf32>
    %jit3A_145 = arith.constant 0.000000e+00 : f32
    %broadcast_in_dim3A_146 = vector.broadcast %jit3A_145 : f32 to vector<2048x1xf32>
    %select_n3A_147 = arith.select %lt3A_136, %div3A_144, %broadcast_in_dim3A_146 : vector<2048x1xi1>, vector<2048x1xf32>
    %div3A_148 = arith.divf %broadcast_in_dim3A_33, %add3A_143 : vector<2048x1xf32>
    %jit3A_149 = arith.constant 0.000000e+00 : f32
    %broadcast_in_dim3A_150 = vector.broadcast %jit3A_149 : f32 to vector<2048x1xf32>
    %select_n3A_151 = arith.select %lt3A_139, %div3A_148, %broadcast_in_dim3A_150 : vector<2048x1xi1>, vector<2048x1xf32>
    %mul3A = arith.constant 512 : i32
    %mul3A_152 = vector.broadcast %mul3A : i32 to vector<2048x1xi32>
    %mul3A_153 = arith.muli %broadcast_in_dim3A_26, %mul3A_152 : vector<2048x1xi32>
    %add3A_154 = arith.addi %mul3A_153, %convert_element_type3A_126 : vector<2048x1xi32>
    %mul3A_155 = arith.constant 512 : i32
    %mul3A_156 = vector.broadcast %mul3A_155 : i32 to vector<2048x1xi32>
    %mul3A_157 = arith.muli %broadcast_in_dim3A_41, %mul3A_156 : vector<2048x1xi32>
    %add3A_158 = arith.addi %mul3A_157, %convert_element_type3A_133 : vector<2048x1xi32>
    %jit3A_159 = arith.constant -1 : i32
    %broadcast_in_dim3A_160 = vector.broadcast %jit3A_159 : i32 to vector<2048x1xi32>
    %select_n3A_161 = arith.select %lt3A_136, %add3A_154, %broadcast_in_dim3A_160 : vector<2048x1xi1>, vector<2048x1xi32>
    %jit3A_162 = arith.constant -1 : i32
    %broadcast_in_dim3A_163 = vector.broadcast %jit3A_162 : i32 to vector<2048x1xi32>
    %select_n3A_164 = arith.select %lt3A_139, %add3A_158, %broadcast_in_dim3A_163 : vector<2048x1xi1>, vector<2048x1xi32>
    %jit3A_165 = arith.constant 0 : i32
    %broadcast_in_dim3A_166 = vector.broadcast %jit3A_165 : i32 to vector<2048x1xi32>
    %select_n3A_167 = arith.select %lt3A_136, %add3A_154, %broadcast_in_dim3A_166 : vector<2048x1xi1>, vector<2048x1xi32>
    %jit3A_168 = arith.constant 0 : i32
    %broadcast_in_dim3A_169 = vector.broadcast %jit3A_168 : i32 to vector<2048x1xi32>
    %select_n3A_170 = arith.select %lt3A_139, %add3A_158, %broadcast_in_dim3A_169 : vector<2048x1xi1>, vector<2048x1xi32>
    %broadcast_in_dim3A_171 = arith.constant 0 : i32
    %broadcast_in_dim3A_172 = vector.broadcast %broadcast_in_dim3A_171 : i32 to vector<2048x1xi32>
    %concatenate3A_173 = tpu.concatenate %select_n3A_161, %select_n3A_164, %select_n3A_167, %select_n3A_170, %broadcast_in_dim3A_172, %broadcast_in_dim3A_172, %broadcast_in_dim3A_172, %broadcast_in_dim3A_172 in 1 : vector<2048x1xi32>, vector<2048x1xi32>, vector<2048x1xi32>, vector<2048x1xi32>, vector<2048x1xi32>, vector<2048x1xi32>, vector<2048x1xi32>, vector<2048x1xi32> -> vector<2048x8xi32>
    %broadcast_in_dim3A_174 = arith.constant 0.000000e+00 : f32
    %broadcast_in_dim3A_175 = vector.broadcast %broadcast_in_dim3A_174 : f32 to vector<2048x1xf32>
    %concatenate3A_176 = tpu.concatenate %select_n3A_147, %select_n3A_151, %broadcast_in_dim3A_175, %broadcast_in_dim3A_175, %broadcast_in_dim3A_175, %broadcast_in_dim3A_175, %broadcast_in_dim3A_175, %broadcast_in_dim3A_175 in 1 : vector<2048x1xf32>, vector<2048x1xf32>, vector<2048x1xf32>, vector<2048x1xf32>, vector<2048x1xf32>, vector<2048x1xf32>, vector<2048x1xf32>, vector<2048x1xf32> -> vector<2048x8xf32>
    %swap3A_177 = arith.constant 0 : index
    %swap3A_178 = arith.constant 0 : index
    %swap3A_179 = vector.load %arg2[%swap3A_177, %swap3A_178] : memref<2048x8xi32, #tpu.memory_space<vmem>>, vector<2048x8xi32>
    tpu.vector_store %arg2[%swap3A_177, %swap3A_178], %concatenate3A_173 {strides = array<i32>} : memref<2048x8xi32, #tpu.memory_space<vmem>>, vector<2048x8xi32>,
    %swap3A_180 = arith.constant 0 : index
    %swap3A_181 = arith.constant 0 : index
    %swap3A_182 = vector.load %arg3[%swap3A_180, %swap3A_181] : memref<2048x8xf32, #tpu.memory_space<vmem>>, vector<2048x8xf32>
    tpu.vector_store %arg3[%swap3A_180, %swap3A_181], %concatenate3A_176 {strides = array<i32>} : memref<2048x8xf32, #tpu.memory_space<vmem>>, vector<2048x8xf32>,
    return
  }
}

module attributes {stable_mosaic.version = 14 : i64} {
  func.func @_experts_body(%arg0: i32, %arg1: memref<1x512x512xi32, #tpu.memory_space<vmem>>, %arg2: memref<1x512x1024xf32, #tpu.memory_space<vmem>>, %arg3: memref<1x512x1024xf32, #tpu.memory_space<vmem>>, %arg4: memref<1x1024x512xf32, #tpu.memory_space<vmem>>, %arg5: memref<1x512x512xi32, #tpu.memory_space<vmem>>) attributes {dimension_semantics = [#tpu.dimension_semantics<arbitrary>], iteration_bounds = array<i64: 8>, scalar_prefetch = 0 : i64, scratch_operands = 0 : i64, tpu.core_type = #tpu.core_type<tc>, window_params = [{transform_indices = @transform_0, window_bounds = array<i64: 1, 512, 512>}, {transform_indices = @transform_1, window_bounds = array<i64: 1, 512, 1024>}, {transform_indices = @transform_2, window_bounds = array<i64: 1, 512, 1024>}, {transform_indices = @transform_3, window_bounds = array<i64: 1, 1024, 512>}, {transform_indices = @transform_4, window_bounds = array<i64: 1, 512, 512>}]} {
    %get3A = arith.constant 0 : index
    %get3A_0 = arith.constant 0 : index
    %get3A_1 = arith.constant 0 : index
    %get3A_2 = vector.load %arg1[%get3A, %get3A_0, %get3A_1] : memref<1x512x512xi32, #tpu.memory_space<vmem>>, vector<1x512x512xi32>
    %get3A_3 = vector.shape_cast %get3A_2 : vector<1x512x512xi32> to vector<512x512xi32>
    %bitcast_convert_type3A = tpu.bitcast %get3A_3 : vector<512x512xi32> -> vector<512x512xi32>
    %shift_left3A = arith.constant 16 : i32
    %shift_left3A_4 = vector.broadcast %shift_left3A : i32 to vector<512x512xi32>
    %shift_left3A_5 = arith.shli %bitcast_convert_type3A, %shift_left3A_4 : vector<512x512xi32>
    %bitcast_convert_type3A_6 = tpu.bitcast %shift_left3A_5 : vector<512x512xi32> -> vector<512x512xf32>
    %and3A = arith.constant -65536 : i32
    %and3A_7 = vector.broadcast %and3A : i32 to vector<512x512xi32>
    %and3A_8 = arith.andi %bitcast_convert_type3A, %and3A_7 : vector<512x512xi32>
    %bitcast_convert_type3A_9 = tpu.bitcast %and3A_8 : vector<512x512xi32> -> vector<512x512xf32>
    %concatenate3A = tpu.concatenate %bitcast_convert_type3A_6, %bitcast_convert_type3A_9 in 1 : vector<512x512xf32>, vector<512x512xf32> -> vector<512x1024xf32>
    %convert_element_type3A = arith.truncf %concatenate3A : vector<512x1024xf32> to vector<512x1024xbf16>
    %get3A_10 = arith.constant 0 : index
    %get3A_11 = arith.constant 0 : index
    %get3A_12 = arith.constant 0 : index
    %get3A_13 = vector.load %arg2[%get3A_10, %get3A_11, %get3A_12] : memref<1x512x1024xf32, #tpu.memory_space<vmem>>, vector<1x512x1024xf32>
    %get3A_14 = vector.shape_cast %get3A_13 : vector<1x512x1024xf32> to vector<512x1024xf32>
    %convert_element_type3A_15 = arith.truncf %get3A_14 : vector<512x1024xf32> to vector<512x1024xbf16>
    %get3A_16 = arith.constant 0 : index
    %get3A_17 = arith.constant 0 : index
    %get3A_18 = arith.constant 0 : index
    %get3A_19 = vector.load %arg3[%get3A_16, %get3A_17, %get3A_18] : memref<1x512x1024xf32, #tpu.memory_space<vmem>>, vector<1x512x1024xf32>
    %get3A_20 = vector.shape_cast %get3A_19 : vector<1x512x1024xf32> to vector<512x1024xf32>
    %convert_element_type3A_21 = arith.truncf %get3A_20 : vector<512x1024xf32> to vector<512x1024xbf16>
    %get3A_22 = arith.constant 0 : index
    %get3A_23 = arith.constant 0 : index
    %get3A_24 = arith.constant 0 : index
    %get3A_25 = vector.load %arg4[%get3A_22, %get3A_23, %get3A_24] : memref<1x1024x512xf32, #tpu.memory_space<vmem>>, vector<1x1024x512xf32>
    %get3A_26 = vector.shape_cast %get3A_25 : vector<1x1024x512xf32> to vector<1024x512xf32>
    %convert_element_type3A_27 = arith.truncf %get3A_26 : vector<1024x512xf32> to vector<1024x512xbf16>
    %dot_general3A = arith.constant dense<0.000000e+00> : vector<512x512xf32>
    %dot_general3A_28 = tpu.matmul %convert_element_type3A, %convert_element_type3A_15, %dot_general3A {dimension_numbers = #tpu.dot_dimension_numbers<[1], [1], [0], [0], [0, 0, 1, 0], [], []>, transpose_lhs_hint = false} : vector<512x1024xbf16>, vector<512x1024xbf16>, vector<512x512xf32> -> vector<512x512xf32>
    %dot_general3A_29 = arith.constant dense<0.000000e+00> : vector<512x512xf32>
    %dot_general3A_30 = tpu.matmul %convert_element_type3A, %convert_element_type3A_21, %dot_general3A_29 {dimension_numbers = #tpu.dot_dimension_numbers<[1], [1], [0], [0], [0, 0, 1, 0], [], []>, transpose_lhs_hint = false} : vector<512x1024xbf16>, vector<512x1024xbf16>, vector<512x512xf32> -> vector<512x512xf32>
    %neg3A = arith.constant 0.000000e+00 : f32
    %neg3A_31 = vector.broadcast %neg3A : f32 to vector<512x512xf32>
    %neg3A_32 = arith.subf %neg3A_31, %dot_general3A_28 : vector<512x512xf32>
    %exp3A = math.exp %neg3A_32 : vector<512x512xf32>
    %add3A = arith.constant 1.000000e+00 : f32
    %add3A_33 = vector.broadcast %add3A : f32 to vector<512x512xf32>
    %add3A_34 = arith.addf %add3A_33, %exp3A : vector<512x512xf32>
    %div3A = arith.divf %dot_general3A_28, %add3A_34 : vector<512x512xf32>
    %mul3A = arith.mulf %div3A, %dot_general3A_30 : vector<512x512xf32>
    %convert_element_type3A_35 = arith.truncf %mul3A : vector<512x512xf32> to vector<512x512xbf16>
    %dot_general3A_36 = arith.constant dense<0.000000e+00> : vector<512x1024xf32>
    %dot_general3A_37 = tpu.matmul %convert_element_type3A_35, %convert_element_type3A_27, %dot_general3A_36 {dimension_numbers = #tpu.dot_dimension_numbers<[1], [1], [0], [0], [0, 0, 1, 0], [], []>, transpose_lhs_hint = false} : vector<512x512xbf16>, vector<1024x512xbf16>, vector<512x1024xf32> -> vector<512x1024xf32>
    %convert_element_type3A_38 = arith.truncf %dot_general3A_37 : vector<512x1024xf32> to vector<512x1024xbf16>
    %convert_element_type3A_39 = arith.extf %convert_element_type3A_38 : vector<512x1024xbf16> to vector<512x1024xf32>
    %bitcast_convert_type3A_40 = tpu.bitcast %convert_element_type3A_39 : vector<512x1024xf32> -> vector<512x1024xi32>
    %slice3A = vector.extract_strided_slice %bitcast_convert_type3A_40 {offsets = [0, 0], sizes = [512, 512], strides = [1, 1]} : vector<512x1024xi32> to vector<512x512xi32>
    %shift_right_logical3A = arith.constant 16 : i32
    %shift_right_logical3A_41 = vector.broadcast %shift_right_logical3A : i32 to vector<512x512xi32>
    %shift_right_logical3A_42 = arith.shrui %slice3A, %shift_right_logical3A_41 : vector<512x512xi32>
    %slice3A_43 = vector.extract_strided_slice %bitcast_convert_type3A_40 {offsets = [0, 512], sizes = [512, 512], strides = [1, 1]} : vector<512x1024xi32> to vector<512x512xi32>
    %and3A_44 = arith.constant -65536 : i32
    %and3A_45 = vector.broadcast %and3A_44 : i32 to vector<512x512xi32>
    %and3A_46 = arith.andi %slice3A_43, %and3A_45 : vector<512x512xi32>
    %or3A = arith.ori %and3A_46, %shift_right_logical3A_42 : vector<512x512xi32>
    %bitcast_convert_type3A_47 = tpu.bitcast %or3A : vector<512x512xi32> -> vector<512x512xi32>
    %swap3A = arith.constant 0 : index
    %swap3A_48 = arith.constant 0 : index
    %swap3A_49 = arith.constant 0 : index
    %swap3A_50 = vector.load %arg5[%swap3A, %swap3A_48, %swap3A_49] : memref<1x512x512xi32, #tpu.memory_space<vmem>>, vector<1x512x512xi32>
    %swap3A_51 = vector.shape_cast %swap3A_50 : vector<1x512x512xi32> to vector<512x512xi32>
    %swap3A_52 = vector.shape_cast %bitcast_convert_type3A_47 : vector<512x512xi32> to vector<1x512x512xi32>
    tpu.vector_store %arg5[%swap3A, %swap3A_48, %swap3A_49], %swap3A_52 {strides = array<i32>} : memref<1x512x512xi32, #tpu.memory_space<vmem>>, vector<1x512x512xi32>,
    return
  }
  func.func @transform_0(%arg0: i32) -> (i32, i32, i32) {
    %c0_i32 = arith.constant 0 : i32
    %c0_i32_0 = arith.constant 0 : i32
    %c0_i32_1 = arith.constant 0 : i32
    return %arg0, %c0_i32, %c0_i32_0 : i32, i32, i32
  }
  func.func @transform_1(%arg0: i32) -> (i32, i32, i32) {
    %c0_i32 = arith.constant 0 : i32
    %c0_i32_0 = arith.constant 0 : i32
    %c0_i32_1 = arith.constant 0 : i32
    return %arg0, %c0_i32, %c0_i32_0 : i32, i32, i32
  }
  func.func @transform_2(%arg0: i32) -> (i32, i32, i32) {
    %c0_i32 = arith.constant 0 : i32
    %c0_i32_0 = arith.constant 0 : i32
    %c0_i32_1 = arith.constant 0 : i32
    return %arg0, %c0_i32, %c0_i32_0 : i32, i32, i32
  }
  func.func @transform_3(%arg0: i32) -> (i32, i32, i32) {
    %c0_i32 = arith.constant 0 : i32
    %c0_i32_0 = arith.constant 0 : i32
    %c0_i32_1 = arith.constant 0 : i32
    return %arg0, %c0_i32, %c0_i32_0 : i32, i32, i32
  }
  func.func @transform_4(%arg0: i32) -> (i32, i32, i32) {
    %c0_i32 = arith.constant 0 : i32
    %c0_i32_0 = arith.constant 0 : i32
    %c0_i32_1 = arith.constant 0 : i32
    return %arg0, %c0_i32, %c0_i32_0 : i32, i32, i32
  }
}

</mosaic_0001>

<sc_bundles>
// kernel: kernel.10.cloned.1.call-start
scs
__scs_entry_jumppad:
0x0: {  	(pc) =	sbr.rel $0x88, $3  }
0x1: {  	(tag) =	ssettag $0x0;
	lr =	simm.s32 $0x1  }
0x2: {  	[smem:$0x3F99] =	sst lr;
	_ =	strace $0xD0000000  }
0x3: {  	_ = 	snop  }
0x4: {  	_ = 	snop  }
0x5: {  	_ = 	snop  }
0x6: {  	_ = 	snop  }
0x7: {  	_ = 	snop  }
__scs_overlays_trampoline_lowered:
0x8: {  	[smem:$0x3FA8] =	sst s0  }
0x9: {  	[smem:$0x3FA9] =	sst s1  }
0xa: {  	[smem:$0x3FAA] =	sst s2  }
0xb: {  	[smem:$0x3FAB] =	sst s3  }
0xc: {  	[smem:$0x3FAC] =	sst s4  }
0xd: {  	[smem:$0x3FAD] =	sst s5  }
0xe: {  	[smem:$0x3FAE] =	sst s6  }
0xf: {  	[smem:$0x3FAF] =	sst s7  }
0x10: {  	[smem:$0x3FB0] =	sst s8  }
0x11: {  	[smem:$0x3FB1] =	sst s9;
	s0 =	simm.s32 @!p0 $0x0  }
0x12: {  	s1 =	sld [smem:$0x3F97];
	s0 =	simm.s32 @p0 $0x1  }
0x13: {  	[smem:$0x3FB2] =	sst s0;
	s0 =	simm.s32 @!p1 $0x0  }
0x14: {  	s2 =	sld [smem:$0x3F96];
	s0 =	simm.s32 @p1 $0x1  }
0x15: {  	[smem:$0x3FB3] =	sst s0;
	s0 =	simm.s32 @!p2 $0x0  }
0x16: {  	s3 =	sld [smem:$0x3FDB];
	s0 =	simm.s32 @p2 $0x1  }
0x17: {  	s4 =	simm.s32 $0x1BF5;
	[smem:$0x3FB5] =	sst s0  }
0x18: {  	s0 =	sld [smem:$0x3F98];
	_ =	swait.ge [sflag:s4], $0x0  }
0x19: {  	s7 =	sld [smem:$0x3F99]  }
0x1a: {  	s8 =	sadd.s32 $0xFFFFE003, lr  }
0x1b: {  	s9 =	sadd.s32 $0xFFFFFEF7, lr;
	s5 =	simm.s32 $0xFFFFFFFF;
	p2 =	slt.u32 s8, $0xFFFFF086  }
0x1c: {  	p1 =	slt.u32 s9, $0xF7A;
	s5 =	simm.s32 @!p2 $0x0  }
0x1d: {  	s5 =	simm.s32 @p1 $0x1;
	p0 =	seq.s32 s7, s2  }
0x1e: {  	s7 =	smul.u32 @!p0 $0xF7A, s2;
	p2 =	seq.s32 @!p0 s5, $0x0  }
0x1f: {  	s9 =	smul.u32 $0xF7A, s1;
	s8 =	simm.s32 @!p0 $0x1BF5;
	p2 =	por !p2, p0  }
0x20: {  	[sflag:s8] =	ssyncset.s32 @!p0 $0xFFFFF086;
	s6 =	sadd.s32 @!p0 s3, s7;
	s7 =	simm.s32 @!p0 $0x108  }
0x21: {  	s3 =	sadd.s32 s3, s9;
	s6 =	sadd.s32 @!p0 $0x88, s6;
	s7 =	simm.s32 @p2 $0x1082  }
0x22: {  	[simem:s7], [sflag:s8] =	dma.local @!p0 [hbm:s6], $0xF7A  }
0x23: {  	s9 =	sor.u32 $0xD0000000, s2;
	s6 =	simm.s32 $0x108;
	_ =	swait.ge @!p0 [sflag:s8], $0x0  }
0x24: {  	s3 =	sadd.s32 $0x88, s3;
	s6 =	simm.s32 @!p1 $0x1082;
	[sflag:s4] =	ssyncset.s32 $0xFFFFF086  }
0x25: {  	[simem:s6], [sflag:s4] =	dma.local [hbm:s3], $0xF7A  }
0x26: {  	[smem:$0x3F99] =	sst s1;
	(tag) =	ssettag s2;
	_ =	strace s9  }
0x27: {  	s1 =	sld [smem:$0x3FA9]  }
0x28: {  	s2 =	sld [smem:$0x3FAA]  }
0x29: {  	s4 =	sld [smem:$0x3FAC]  }
0x2a: {  	p0 =	seq.s32 s5, $0x0;
	s5 =	sld [smem:$0x3FAD]  }
0x2b: {  	s6 =	sld [smem:$0x3FAE]  }
0x2c: {  	s7 =	sld [smem:$0x3FAF]  }
0x2d: {  	s3 =	simm.s32 $0x108;
	s8 =	sld [smem:$0x3FB0]  }
0x2e: {  	s3 =	simm.s32 @!p0 $0x1082;
	s9 =	sld [smem:$0x3FB1]  }
0x2f: {  	lr =	sadd.s32 s0, s3;
	s0 =	sld [smem:$0x3FA8]  }
0x30: {  	s3 =	sld [smem:$0x3FAB]  }
0x31: {  	[smem:$0x3FB4] =	sst s10  }
0x32: {  	s10 =	sld [smem:$0x3FB2];
	_ =	sdelay $0x3  }
0x33: {  	p0 =	seq.s32 s10, $0x1;
	s10 =	sld [smem:$0x3FB4];
	_ =	sdelay $0x3  }
0x34: {  	[smem:$0x3FB4] =	sst s10  }
0x35: {  	s10 =	sld [smem:$0x3FB3];
	_ =	sdelay $0x3  }
0x36: {  	p1 =	seq.s32 s10, $0x1;
	s10 =	sld [smem:$0x3FB4];
	_ =	sdelay $0x3  }
0x37: {  	[smem:$0x3FB4] =	sst s10  }
0x38: {  	s10 =	sld [smem:$0x3FB5]  }
0x39: {  	_ = 	snop;
	(pc) =	sbr.ind lr, $3  }
0x3a: {  	_ = 	snop  }
0x3b: {  	_ = 	snop  }
0x3c: {  	p2 =	seq.s32 s10, $0x1;
	s10 =	sld [smem:$0x3FB4]  }
0x3d: {  	_ =	shalt  }
0x3e: {  	_ =	shalt  }
0x3f: {  	_ =	shalt  }
0x40: {  	_ =	shalt  }
0x41: {  	_ =	shalt  }
0x42: {  	_ =	shalt  }
0x43: {  	_ =	shalt  }
0x44: {  	_ =	shalt  }
0x45: {  	_ =	shalt  }
0x46: {  	_ =	shalt  }
0x47: {  	_ =	shalt  }
0x48: {  	_ =	shalt  }
0x49: {  	_ =	shalt  }
0x4a: {  	_ =	shalt  }
0x4b: {  	_ =	shalt  }
0x4c: {  	_ =	shalt  }
0x4d: {  	_ =	shalt  }
0x4e: {  	_ =	shalt  }
0x4f: {  	_ =	shalt  }
0x50: {  	_ =	shalt  }
0x51: {  	_ =	shalt  }
0x52: {  	_ =	shalt  }
0x53: {  	_ =	shalt  }
0x54: {  	_ =	shalt  }
0x55: {  	_ =	shalt  }
0x56: {  	_ =	shalt  }
0x57: {  	_ =	shalt  }
0x58: {  	_ =	shalt  }
0x59: {  	_ =	shalt  }
0x5a: {  	_ =	shalt  }
0x5b: {  	_ =	shalt  }
0x5c: {  	_ =	shalt  }
0x5d: {  	_ =	shalt  }
0x5e: {  	_ =	shalt  }
0x5f: {  	_ =	shalt  }
0x60: {  	_ =	shalt  }
0x61: {  	_ =	shalt  }
0x62: {  	_ =	shalt  }
0x63: {  	_ =	shalt  }
0x64: {  	_ =	shalt  }
0x65: {  	_ =	shalt  }
0x66: {  	_ =	shalt  }
0x67: {  	_ =	shalt  }
0x68: {  	_ =	shalt  }
0x69: {  	_ =	shalt  }
0x6a: {  	_ =	shalt  }
0x6b: {  	_ =	shalt  }
0x6c: {  	_ =	shalt  }
0x6d: {  	_ =	shalt  }
0x6e: {  	_ =	shalt  }
0x6f: {  	_ =	shalt  }
0x70: {  	_ =	shalt  }
0x71: {  	_ =	shalt  }
0x72: {  	_ =	shalt  }
0x73: {  	_ =	shalt  }
0x74: {  	_ =	shalt  }
0x75: {  	_ =	shalt  }
0x76: {  	_ =	shalt  }
0x77: {  	_ =	shalt  }
0x78: {  	_ =	shalt  }
0x79: {  	_ =	shalt  }
0x7a: {  	_ =	shalt  }
0x7b: {  	_ =	shalt  }
0x7c: {  	_ =	shalt  }
0x7d: {  	_ =	shalt  }
0x7e: {  	_ =	shalt  }
0x7f: {  	_ =	shalt  }
0x80: {  	_ =	shalt  }
0x81: {  	_ =	shalt  }
0x82: {  	_ =	shalt  }
0x83: {  	_ =	shalt  }
0x84: {  	_ =	shalt  }
0x85: {  	_ =	shalt  }
0x86: {  	_ =	shalt  }
0x87: {  	_ =	shalt  }
.Lfunc_end0:
.L_simem_size_0:
called_computation.1_lowered:
.L_overlay_start_0:
0x88: {  	s2 =	sld [smem:$0x3FD9]  }
0x89: {  	s3 =	sld [smem:$0x3FFE];
	_ =	sdelay $0x1  }
0x8a: {  	s1 =	srdreg.scid  }
0x8b: {  	s0 =	sand.u32 $0x1, s1  }
0x8c: {  	s17 =	sshll.u32 s0, $0xA;
	s2 =	sadd.s32 s3, s2  }
0x8d: {  	s2 =	sadd.s32 s2, s17  }
0x8e: {  	[smem:$0x3FC0] =	sst s2  }
0x8f: {  	_ = 	snop  }
0x90: {  	s2 =	sld [smem:$0x3FD0];
	(tm) =	ssettm $0x1  }
0x91: {  	s18 =	sld [smem:$0x3FFB];
	_ =	sdelay $0x3  }
0x92: {  	_ =	strace s18  }
0x93: {  	s3 =	sld [smem:$0x3FFC];
	_ =	sdelay $0x3  }
0x94: {  	_ =	strace s3  }
0x95: {  	s3 =	sld [smem:$0x3FFD];
	_ =	sdelay $0x3  }
0x96: {  	_ =	strace s3  }
0x97: {  	_ =	strace $0x8FFFFFFF  }
0x98: {  	s19 =	sld [smem:$0x3FDB];
	_ =	sdelay $0x1  }
0x99: {  	s4 =	simm.s32 $_scs_section_size  }
0x9a: {  	s5 =	simm.s32 $_size__tile_overlayer_lowered;
	s6 =	simm.s32 $_tile_overlayer_lowered  }
0x9b: {  	s22 =	simm.s32 $0x1BFF;
	s21 =	sshll.u32 s6, $0x1;
	s3 =	sadd.s32 s4, s19  }
0x9c: {  	s7 =	simm.s32 $0x0;
	s20 =	sshll.u32 s5, $0x1;
	s5 =	sadd.s32 s21, s3  }
0x9d: {  	[timem:s7], [sflag:s22] =	dma.local [hbm:s5], s20  }
0x9e: {  	_ =	swait.ge [sflag:s22], s20  }
0x9f: {  	s4 =	ssub.s32 $0x0, s20;
	[sflag:s22] =	ssyncset.done $0x0  }
0xa0: {  	[sflag:s22] =	ssyncadd.s32 s4;
	_ =	sdelay $0x1  }
0xa1: {  	s23 =	simm.s32 $0x1B8B  }
0xa2: {  	_ =	swait.ge [sflag:s23], $0x1  }
0xa3: {  	[sflag:s23] =	ssyncset.done $0x0  }
0xa4: {  	s25 =	simm.s32 $0x1B8E;
	s24 =	sld [smem:$0x3FFE];
	[sflag:s23] =	ssyncadd.s32 $0xFFFFFFFF  }
0xa5: {  	s26 =	simm.s32 $execute0_lowered;
	[smem:$0x3FD2] =	sst s25  }
0xa6: {  	s5 =	sshll.u32 s26, $0x1;
	_ =	strace $0x80000049;
	[dreg:$0x1] =	wrdreg $0xFFFFFFFF  }
0xa7: {  	s28 =	simm.s32 $_size_execute0_lowered;
	s3 =	sadd.s32 s3, s5;
	[dreg:$0x0] =	wrdreg $0x0  }
0xa8: {  	s5 =	sshll.u32 s28, $0x1;
	[dreg:$0x2] =	wrdreg s3  }
0xa9: {  	[dreg:$0x3] =	wrdreg s5  }
0xaa: {  	[dreg:$0x4] =	wrdreg $0xC0  }
0xab: {  	_ =	task [dreg:s7], $0x5FFFF  }
0xac: {  	[dreg:$0x1] =	wrdreg $0xFFFFFFFF  }
0xad: {  	[dreg:$0x0] =	wrdreg $0x60  }
0xae: {  	[dreg:$0x2] =	wrdreg s24  }
0xaf: {  	[dreg:$0x3] =	wrdreg s2  }
0xb0: {  	[dreg:$0x4] =	wrdreg $0x9  }
0xb1: {  	_ =	task.clear_ibuf [dreg:s7], $0x5FFFF;
	_ =	strace $0x90000049  }
0xb2: {  	s29 =	simm.s32 $0x9;
	_ =	strace $0x8000004B  }
0xb3: {  	_ =	swait.ge [sflag:s29], $0x1  }
0xb4: {  	[sflag:s29] =	ssyncadd.s32 $0xFFFFFFFF  }
0xb5: {  	_ =	strace $0x9000004B  }
0xb6: {  	_ =	sfence  }
0xb7: {  	s30 =	sld [smem:$0x0];
	_ =	sdelay $0x2  }
0xb8: {  	s31 =	sshll.u32 s1, $0xD;
	s1 =	sshrl.u32 s1, $0x2  }
0xb9: {  	s3 =	sand.u32 $0x4000, s31;
	s1 =	sadd.s32 s1, s30  }
0xba: {  	s0 =	sor.u32 s3, s0;
	s1 =	sshll.u32 s1, $0x11  }
0xbb: {  	s0 =	sor.u32 s1, s0  }
0xbc: {  	s0 =	sadd.s32 $0x8F2B, s0  }
0xbd: {  	[sflag:s0] =	ssyncadd.remote.s32 $0x1  }
0xbe: {  	_ =	sfence.sel $0xFFFF  }
0xbf: {  	[dreg:$0x0] =	wrdreg $0xFFFFFFFF;
	(pc) =	sbr.abs _section_cstart, $3  }
0xc0: {  	[dreg:$0x1] =	wrdreg $0xFFFFFFFF  }
0xc1: {  	_ =	task.clear_ibuf [dreg:s7], $0x2FFFF;
	_ =	strace $0x9FFFFFFF  }
0xc2: {  	(tm) =	ssettm $0x7FFFFFFF  }
0xc3: {  	_ =	shalt  }
tec
execute0_lowered:
.L_overlay_start_1:
0x0: {  	(tag) =	ssettag $0x1  }
0x1: {  	s0 =	rddreg [dreg:$0x0]  }
0x2: {  	s2 =	rddreg [dreg:$0x1];
	s3 =	simm.s32 $0x0;
	s1 =	srdreg.scid  }
0x3: {  	s4 =	stileid.u32;
	s10 =	simm.s32 $0x4;
	s11 =	simm.s32 $0x200;
	v0 =	vlaneseq.u32  }
0x4: {  	s13 =	simm.s32 $0xB500;
	s14 =	simm.s32 $0xBD00;
	[smem:$0x7FF] =	sst s3;
	v7 =	vmul.u32 $0x8, v0;
	v63 =	vand.u32 $0x7, v0  }
0x5: {  	s15 =	simm.s32 $0xC500;
	s16 =	simm.s32 $0xCD00;
	v9 =	vshrl.u32 v0, $0x3;
	v0 =	vor.u32 $0x8, v0;
	_ =	strace $0x8000004A;
	[tilespmem:$0x1FFE0] =	vst v63  }
0x6: {  	s17 =	simm.s32 $0xD500;
	s18 =	simm.s32 $0xDD00;
	s19 =	simm.s32 $0xE500;
	[tilespmem:$0x1FFF0] =	vst v0;
	v1 =	vor.u32 $0x2, v7  }
0x7: {  	s20 =	simm.s32 $0xED00;
	s21 =	simm.s32 $0xF500;
	s22 =	simm.s32 $0xFD00;
	v56 =	vor.u32 $0x3, v7;
	[tilespmem:$0x1FF60] =	vst v1  }
0x8: {  	s23 =	simm.s32 $0x10500;
	s24 =	simm.s32 $0x1;
	s25 =	simm.s32 $0x2;
	v57 =	vor.u32 $0x82, v7;
	[tilespmem:$0x1FF70] =	vst v56  }
0x9: {  	s26 =	simm.s32 $0x3;
	s1 =	sand.u32 $0x1, s1;
	s4 =	sshll.u32 s4, $0x1;
	v58 =	vor.u32 $0x83, v7;
	[tilespmem:$0x1FF80] =	vst v57  }
0xa: {  	s28 =	simm.s32 $0x0;
	s4 =	sor.u32 s1, s4;
	s1 =	ssub.s32 $0x2, s1;
	v59 =	vor.u32 $0x102, v7;
	[tilespmem:$0x1FF90] =	vst v58  }
0xb: {  	s5 =	sshll.u32 s4, $0x6;
	s4 =	sshll.u32 s4, $0xC;
	s6 =	sshrl.u32 s1, $0x1;
	v60 =	vor.u32 $0x103, v7;
	[tilespmem:$0x1FFA0] =	vst v59  }
0xc: {  	v61 =	vor.u32 $0x182, v7;
	s5 =	sadd.s32 s5, s0;
	s0 =	sadd.s32 s4, s0;
	s1 =	ssub.s32 s1, s6;
	[tilespmem:$0x1FFB0] =	vst v60  }
0xd: {  	v62 =	vor.u32 $0x183, v7;
	s6 =	sadd.s32 $0x100, s2;
	[tilespmem:$0x1FFC0] =	vst v61;
	s4 =	sadd.s32 $0x22000, s5;
	s5 =	sadd.s32 $0x22800, s5  }
0xe: {  	vm0 =	vmmov $0xffff;
	v9 =	vmul.u32 $0x8, v9;
	[tilespmem:$0x1FFD0] =	vst v62;
	s7 =	sadd.s32 $0x23000, s0;
	s8 =	sadd.s32 $0x2000, s0;
	s9 =	smax.u32 s1, $0x1  }
.LBB2_1:
0xf: {  	[tilespmem:s3], [sflag:$0x4] =	stream.linear.gather [hbm4b:s4+s3], $0x200, $0x38;
	[tilespmem:$0x18500] =	vst v63  }
0x10: {  	_ =	swait.ge [sflag:s10], $0x200  }
0x11: {  	[sflag:s10] =	ssyncset.done $0x0  }
0x12: {  	[sflag:s10] =	ssyncadd.s32 $0xFFFFFE00  }
0x13: {  	[tilespmem:s11], [sflag:$0x4] =	stream.linear.gather [hbm4b:s5+s3], $0x200, $0x38;
	[tilespmem:$0x18500] =	vst v63  }
0x14: {  	_ =	swait.ge [sflag:s10], $0x200  }
0x15: {  	v0 =	vld [tilespmem:$0x1FF60];
	_ =	sdelay $0x5  }
0x16: {  	[sflag:s10] =	ssyncset.done $0x0  }
0x17: {  	[sflag:s10] =	ssyncadd.s32 $0xFFFFFE00  }
0x18: {  	v0 =	vld.idx.msk [tilespmem:v0+s3+$0x0], $0xffff;
	_ =	sdelay $0x4  }
0x19: {  	[tilespmem:$0x400] =	vst v0;
	v0 =	vld [tilespmem:$0x1FF70];
	_ =	sdelay $0x7  }
0x1a: {  	v0 =	vld.idx.msk [tilespmem:v0+s3+$0x0], $0xffff;
	_ =	sdelay $0x4  }
0x1b: {  	[tilespmem:$0x480] =	vst v0;
	v0 =	vld [tilespmem:$0x1FF80];
	_ =	sdelay $0x7  }
0x1c: {  	v0 =	vld.idx.msk [tilespmem:v0+s3+$0x0], $0xffff;
	_ =	sdelay $0x4  }
0x1d: {  	[tilespmem:$0x410] =	vst v0;
	v0 =	vld [tilespmem:$0x1FF90];
	_ =	sdelay $0x7  }
0x1e: {  	v0 =	vld.idx.msk [tilespmem:v0+s3+$0x0], $0xffff;
	_ =	sdelay $0x4  }
0x1f: {  	[tilespmem:$0x490] =	vst v0;
	v0 =	vld [tilespmem:$0x1FFA0];
	_ =	sdelay $0x7  }
0x20: {  	v0 =	vld.idx.msk [tilespmem:v0+s3+$0x0], $0xffff;
	_ =	sdelay $0x4  }
0x21: {  	[tilespmem:$0x420] =	vst v0;
	v0 =	vld [tilespmem:$0x1FFB0];
	_ =	sdelay $0x7  }
0x22: {  	v0 =	vld.idx.msk [tilespmem:v0+s3+$0x0], $0xffff;
	_ =	sdelay $0x4  }
0x23: {  	[tilespmem:$0x4A0] =	vst v0;
	v0 =	vld [tilespmem:$0x1FFC0];
	_ =	sdelay $0x5  }
0x24: {  	v1 =	vld [tilespmem:$0x1FFD0]  }
0x25: {  	v11 =	vld [tilespmem:$0x400]  }
0x26: {  	v0 =	vld.idx.msk [tilespmem:v0+s3+$0x0], $0xffff;
	_ =	sdelay $0x2  }
0x27: {  	v2 =	vld [tilespmem:$0x1FFE0]  }
0x28: {  	v12 =	vshll.u32 v11, $0x2  }
0x29: {  	v11 =	vand.u32 $0x7, v11;
	v12 =	vand.u32 $0xFFFFFFE0, v12;
	[tilespmem:$0x430] =	vst v0  }
0x2a: {  	v11 =	vor.u32 v11, v12;
	v12 =	vld.idx.msk [tilespmem:v1+s3+$0x0], $0xffff  }
0x2b: {  	v1 =	vld [tilespmem:$0x1FFF0]  }
0x2c: {  	v0 =	vperm.xlane v11, v2;
	_ =	sdelay $0x1  }
0x2d: {  	v0 =	vadd.s32 v9, v0;
	_ =	sdelay $0x1  }
0x2e: {  	v11 =	vperm.xlane v11, v1;
	_ =	sdelay $0x1  }
0x2f: {  	s0 =	simm.s32 $0x500;
	[tilespmem:$0x4B0] =	vst v12;
	v11 =	vadd.s32 v9, v11  }
0x30: {  	[tilespmem:s0], [sflag:$0x1] =	stream.indirect_vreg.gather [hbm4b:s2+s3], $0x80, v0, vm0, $0xb8;
	[tilespmem:$0x18500] =	vst v63  }
0x31: {  	s1 =	simm.s32 $0xD00  }
0x32: {  	[tilespmem:s1], [sflag:$0x1] =	stream.indirect_vreg.gather [hbm4b:s6+s3], $0x80, v0, vm0, $0xb8;
	[tilespmem:$0x18500] =	vst v63  }
0x33: {  	s12 =	simm.s32 $0x1500  }
0x34: {  	[tilespmem:s12], [sflag:$0x1] =	stream.indirect_vreg.gather [hbm4b:s2+s3], $0x80, v11, vm0, $0xb8;
	[tilespmem:$0x18500] =	vst v63  }
0x35: {  	s1 =	simm.s32 $0x1D00  }
0x36: {  	[tilespmem:s1], [sflag:$0x1] =	stream.indirect_vreg.gather [hbm4b:s6+s3], $0x80, v11, vm0, $0xb8;
	[tilespmem:$0x18500] =	vst v63  }
0x37: {  	v0 =	vld [tilespmem:$0x410];
	_ =	sdelay $0x4  }
0x38: {  	v11 =	vshll.u32 v0, $0x2  }
0x39: {  	v0 =	vand.u32 $0x7, v0;
	v11 =	vand.u32 $0xFFFFFFE0, v11  }
0x3a: {  	v0 =	vor.u32 v0, v11  }
0x3b: {  	v11 =	vperm.xlane v0, v2;
	_ =	sdelay $0x1  }
0x3c: {  	v11 =	vadd.s32 v9, v11;
	_ =	sdelay $0x1  }
0x3d: {  	v0 =	vperm.xlane v0, v1;
	_ =	sdelay $0x1  }
0x3e: {  	s12 =	simm.s32 $0x2500;
	v0 =	vadd.s32 v9, v0  }
0x3f: {  	[tilespmem:s12], [sflag:$0x1] =	stream.indirect_vreg.gather [hbm4b:s2+s3], $0x80, v11, vm0, $0xb8;
	[tilespmem:$0x18500] =	vst v63  }
0x40: {  	s1 =	simm.s32 $0x2D00  }
0x41: {  	[tilespmem:s1], [sflag:$0x1] =	stream.indirect_vreg.gather [hbm4b:s6+s3], $0x80, v11, vm0, $0xb8;
	[tilespmem:$0x18500] =	vst v63  }
0x42: {  	s12 =	simm.s32 $0x3500  }
0x43: {  	[tilespmem:s12], [sflag:$0x1] =	stream.indirect_vreg.gather [hbm4b:s2+s3], $0x80, v0, vm0, $0xb8;
	[tilespmem:$0x18500] =	vst v63  }
0x44: {  	s1 =	simm.s32 $0x3D00  }
0x45: {  	[tilespmem:s1], [sflag:$0x1] =	stream.indirect_vreg.gather [hbm4b:s6+s3], $0x80, v0, vm0, $0xb8;
	[tilespmem:$0x18500] =	vst v63  }
0x46: {  	v0 =	vld [tilespmem:$0x420];
	_ =	sdelay $0x4  }
0x47: {  	v11 =	vshll.u32 v0, $0x2  }
0x48: {  	v0 =	vand.u32 $0x7, v0;
	v11 =	vand.u32 $0xFFFFFFE0, v11  }
0x49: {  	v0 =	vor.u32 v0, v11  }
0x4a: {  	v11 =	vperm.xlane v0, v2;
	_ =	sdelay $0x1  }
0x4b: {  	v11 =	vadd.s32 v9, v11;
	_ =	sdelay $0x1  }
0x4c: {  	v0 =	vperm.xlane v0, v1;
	_ =	sdelay $0x1  }
0x4d: {  	s12 =	simm.s32 $0x4500;
	v0 =	vadd.s32 v9, v0  }
0x4e: {  	[tilespmem:s12], [sflag:$0x1] =	stream.indirect_vreg.gather [hbm4b:s2+s3], $0x80, v11, vm0, $0xb8;
	[tilespmem:$0x18500] =	vst v63  }
0x4f: {  	s1 =	simm.s32 $0x4D00  }
0x50: {  	[tilespmem:s1], [sflag:$0x1] =	stream.indirect_vreg.gather [hbm4b:s6+s3], $0x80, v11, vm0, $0xb8;
	[tilespmem:$0x18500] =	vst v63  }
0x51: {  	s12 =	simm.s32 $0x5500  }
0x52: {  	[tilespmem:s12], [sflag:$0x1] =	stream.indirect_vreg.gather [hbm4b:s2+s3], $0x80, v0, vm0, $0xb8;
	[tilespmem:$0x18500] =	vst v63  }
0x53: {  	s1 =	simm.s32 $0x5D00  }
0x54: {  	[tilespmem:s1], [sflag:$0x1] =	stream.indirect_vreg.gather [hbm4b:s6+s3], $0x80, v0, vm0, $0xb8;
	[tilespmem:$0x18500] =	vst v63  }
0x55: {  	v0 =	vld [tilespmem:$0x430];
	_ =	sdelay $0x4  }
0x56: {  	v11 =	vshll.u32 v0, $0x2  }
0x57: {  	v0 =	vand.u32 $0x7, v0;
	v11 =	vand.u32 $0xFFFFFFE0, v11  }
0x58: {  	v0 =	vor.u32 v0, v11  }
0x59: {  	v11 =	vperm.xlane v0, v2;
	_ =	sdelay $0x1  }
0x5a: {  	v11 =	vadd.s32 v9, v11;
	_ =	sdelay $0x1  }
0x5b: {  	v0 =	vperm.xlane v0, v1;
	_ =	sdelay $0x1  }
0x5c: {  	s12 =	simm.s32 $0x6500;
	v0 =	vadd.s32 v9, v0  }
0x5d: {  	[tilespmem:s12], [sflag:$0x1] =	stream.indirect_vreg.gather [hbm4b:s2+s3], $0x80, v11, vm0, $0xb8;
	[tilespmem:$0x18500] =	vst v63  }
0x5e: {  	s1 =	simm.s32 $0x6D00  }
0x5f: {  	[tilespmem:s1], [sflag:$0x1] =	stream.indirect_vreg.gather [hbm4b:s6+s3], $0x80, v11, vm0, $0xb8;
	[tilespmem:$0x18500] =	vst v63  }
0x60: {  	s12 =	simm.s32 $0x7500  }
0x61: {  	[tilespmem:s12], [sflag:$0x1] =	stream.indirect_vreg.gather [hbm4b:s2+s3], $0x80, v0, vm0, $0xb8;
	[tilespmem:$0x18500] =	vst v63  }
0x62: {  	s1 =	simm.s32 $0x7D00  }
0x63: {  	[tilespmem:s1], [sflag:$0x1] =	stream.indirect_vreg.gather [hbm4b:s6+s3], $0x80, v0, vm0, $0xb8;
	[tilespmem:$0x18500] =	vst v63  }
0x64: {  	v0 =	vld [tilespmem:$0x480];
	_ =	sdelay $0x4  }
0x65: {  	v11 =	vshll.u32 v0, $0x2  }
0x66: {  	v0 =	vand.u32 $0x7, v0;
	v11 =	vand.u32 $0xFFFFFFE0, v11  }
0x67: {  	v0 =	vor.u32 v0, v11  }
0x68: {  	v11 =	vperm.xlane v0, v2;
	_ =	sdelay $0x1  }
0x69: {  	v11 =	vadd.s32 v9, v11;
	_ =	sdelay $0x1  }
0x6a: {  	v0 =	vperm.xlane v0, v1;
	_ =	sdelay $0x1  }
0x6b: {  	s12 =	simm.s32 $0x8500;
	v0 =	vadd.s32 v9, v0  }
0x6c: {  	[tilespmem:s12], [sflag:$0x2] =	stream.indirect_vreg.gather [hbm4b:s2+s3], $0x80, v11, vm0, $0xb8;
	[tilespmem:$0x18500] =	vst v63  }
0x6d: {  	s1 =	simm.s32 $0x8D00  }
0x6e: {  	[tilespmem:s1], [sflag:$0x2] =	stream.indirect_vreg.gather [hbm4b:s6+s3], $0x80, v11, vm0, $0xb8;
	[tilespmem:$0x18500] =	vst v63  }
0x6f: {  	s12 =	simm.s32 $0x9500  }
0x70: {  	[tilespmem:s12], [sflag:$0x2] =	stream.indirect_vreg.gather [hbm4b:s2+s3], $0x80, v0, vm0, $0xb8;
	[tilespmem:$0x18500] =	vst v63  }
0x71: {  	s1 =	simm.s32 $0x9D00  }
0x72: {  	[tilespmem:s1], [sflag:$0x2] =	stream.indirect_vreg.gather [hbm4b:s6+s3], $0x80, v0, vm0, $0xb8;
	[tilespmem:$0x18500] =	vst v63  }
0x73: {  	v0 =	vld [tilespmem:$0x490];
	_ =	sdelay $0x4  }
0x74: {  	v11 =	vshll.u32 v0, $0x2  }
0x75: {  	v0 =	vand.u32 $0x7, v0;
	v11 =	vand.u32 $0xFFFFFFE0, v11  }
0x76: {  	v0 =	vor.u32 v0, v11  }
0x77: {  	v11 =	vperm.xlane v0, v2;
	_ =	sdelay $0x1  }
0x78: {  	v11 =	vadd.s32 v9, v11;
	_ =	sdelay $0x1  }
0x79: {  	v0 =	vperm.xlane v0, v1;
	_ =	sdelay $0x1  }
0x7a: {  	s12 =	simm.s32 $0xA500;
	v0 =	vadd.s32 v9, v0  }
0x7b: {  	[tilespmem:s12], [sflag:$0x2] =	stream.indirect_vreg.gather [hbm4b:s2+s3], $0x80, v11, vm0, $0xb8;
	[tilespmem:$0x18500] =	vst v63  }
0x7c: {  	s1 =	simm.s32 $0xAD00  }
0x7d: {  	[tilespmem:s1], [sflag:$0x2] =	stream.indirect_vreg.gather [hbm4b:s6+s3], $0x80, v11, vm0, $0xb8;
	[tilespmem:$0x18500] =	vst v63  }
0x7e: {  	_ = 	snop  }
0x7f: {  	[tilespmem:s13], [sflag:$0x2] =	stream.indirect_vreg.gather [hbm4b:s2+s3], $0x80, v0, vm0, $0xb8;
	[tilespmem:$0x18500] =	vst v63  }
0x80: {  	_ = 	snop  }
0x81: {  	[tilespmem:s14], [sflag:$0x2] =	stream.indirect_vreg.gather [hbm4b:s6+s3], $0x80, v0, vm0, $0xb8;
	[tilespmem:$0x18500] =	vst v63  }
0x82: {  	v0 =	vld [tilespmem:$0x4A0];
	_ =	sdelay $0x4  }
0x83: {  	v11 =	vshll.u32 v0, $0x2  }
0x84: {  	v0 =	vand.u32 $0x7, v0;
	v11 =	vand.u32 $0xFFFFFFE0, v11  }
0x85: {  	v0 =	vor.u32 v0, v11  }
0x86: {  	v11 =	vperm.xlane v0, v2;
	_ =	sdelay $0x1  }
0x87: {  	v11 =	vadd.s32 v9, v11;
	_ =	sdelay $0x1  }
0x88: {  	v0 =	vperm.xlane v0, v1;
	_ =	sdelay $0x1  }
0x89: {  	v0 =	vadd.s32 v9, v0  }
0x8a: {  	[tilespmem:s15], [sflag:$0x2] =	stream.indirect_vreg.gather [hbm4b:s2+s3], $0x80, v11, vm0, $0xb8;
	[tilespmem:$0x18500] =	vst v63  }
0x8b: {  	_ = 	snop  }
0x8c: {  	[tilespmem:s16], [sflag:$0x2] =	stream.indirect_vreg.gather [hbm4b:s6+s3], $0x80, v11, vm0, $0xb8;
	[tilespmem:$0x18500] =	vst v63  }
0x8d: {  	_ = 	snop  }
0x8e: {  	[tilespmem:s17], [sflag:$0x2] =	stream.indirect_vreg.gather [hbm4b:s2+s3], $0x80, v0, vm0, $0xb8;
	[tilespmem:$0x18500] =	vst v63  }
0x8f: {  	_ = 	snop  }
0x90: {  	[tilespmem:s18], [sflag:$0x2] =	stream.indirect_vreg.gather [hbm4b:s6+s3], $0x80, v0, vm0, $0xb8;
	[tilespmem:$0x18500] =	vst v63  }
0x91: {  	v0 =	vld [tilespmem:$0x4B0];
	_ =	sdelay $0x4  }
0x92: {  	v11 =	vshll.u32 v0, $0x2  }
0x93: {  	v0 =	vand.u32 $0x7, v0;
	v11 =	vand.u32 $0xFFFFFFE0, v11  }
0x94: {  	v0 =	vor.u32 v0, v11  }
0x95: {  	v11 =	vperm.xlane v0, v2;
	_ =	sdelay $0x1  }
0x96: {  	v11 =	vadd.s32 v9, v11;
	_ =	sdelay $0x1  }
0x97: {  	v0 =	vperm.xlane v0, v1;
	_ =	sdelay $0x1  }
0x98: {  	v0 =	vadd.s32 v9, v0  }
0x99: {  	[tilespmem:s19], [sflag:$0x2] =	stream.indirect_vreg.gather [hbm4b:s2+s3], $0x80, v11, vm0, $0xb8;
	[tilespmem:$0x18500] =	vst v63  }
0x9a: {  	_ = 	snop  }
0x9b: {  	[tilespmem:s20], [sflag:$0x2] =	stream.indirect_vreg.gather [hbm4b:s6+s3], $0x80, v11, vm0, $0xb8;
	[tilespmem:$0x18500] =	vst v63  }
0x9c: {  	_ = 	snop  }
0x9d: {  	[tilespmem:s21], [sflag:$0x2] =	stream.indirect_vreg.gather [hbm4b:s2+s3], $0x80, v0, vm0, $0xb8;
	[tilespmem:$0x18500] =	vst v63  }
0x9e: {  	_ = 	snop  }
0x9f: {  	[tilespmem:s22], [sflag:$0x2] =	stream.indirect_vreg.gather [hbm4b:s6+s3], $0x80, v0, vm0, $0xb8;
	[tilespmem:$0x18500] =	vst v63  }
0xa0: {  	_ = 	snop  }
0xa1: {  	[tilespmem:s23], [sflag:$0x3] =	stream.linear.gather [hbm4b:s7+s3], $0x8000, $0x38;
	[tilespmem:$0x18500] =	vst v63  }
0xa2: {  	_ =	swait.ge [sflag:s24], $0x8000  }
0xa3: {  	[sflag:s24] =	ssyncset.done $0x0  }
0xa4: {  	[sflag:s24] =	ssyncadd.s32 $0xFFFF8000  }
0xa5: {  	_ =	swait.ge [sflag:s25], $0x8000  }
0xa6: {  	[sflag:s25] =	ssyncset.done $0x0  }
0xa7: {  	[sflag:s25] =	ssyncadd.s32 $0xFFFF8000  }
0xa8: {  	_ =	swait.ge [sflag:s26], $0x8000  }
0xa9: {  	s29 =	sand.u32 $0x380, s3;
	s12 =	sand.u32 $0x7000, s3;
	[sflag:s26] =	ssyncset.done $0x0  }
0xaa: {  	s29 =	sor.u32 s29, s12;
	[sflag:s26] =	ssyncadd.s32 $0xFFFF8000  }
0xab: {  	v11 =	vld [tilespmem:s29+$0x8500]  }
0xac: {  	v13 =	vld [tilespmem:s29+$0x8510]  }
0xad: {  	v12 =	vld [tilespmem:s29+$0x10510]  }
0xae: {  	v15 =	vld [tilespmem:s29+$0x8520]  }
0xaf: {  	v14 =	vld [tilespmem:s29+$0x10520]  }
0xb0: {  	v17 =	vld [tilespmem:s29+$0x8530]  }
0xb1: {  	v16 =	vld [tilespmem:s29+$0x10530]  }
0xb2: {  	v19 =	vld [tilespmem:s29+$0x8540]  }
0xb3: {  	v18 =	vld [tilespmem:s29+$0x10540]  }
0xb4: {  	v21 =	vld [tilespmem:s29+$0x8550]  }
0xb5: {  	v20 =	vld [tilespmem:s29+$0x10550]  }
0xb6: {  	v23 =	vld [tilespmem:s29+$0x8560]  }
0xb7: {  	v22 =	vld [tilespmem:s29+$0x10560]  }
0xb8: {  	v26 =	vld [tilespmem:s29+$0x8570]  }
0xb9: {  	v24 =	vld [tilespmem:s29+$0x10570]  }
0xba: {  	v29 =	vld [tilespmem:s29+$0x8900]  }
0xbb: {  	v28 =	vld [tilespmem:s29+$0x10900]  }
0xbc: {  	v31 =	vld [tilespmem:s29+$0x8910]  }
0xbd: {  	v30 =	vld [tilespmem:s29+$0x10910]  }
0xbe: {  	v33 =	vld [tilespmem:s29+$0x8920]  }
0xbf: {  	v32 =	vld [tilespmem:s29+$0x10920]  }
0xc0: {  	v35 =	vld [tilespmem:s29+$0x8930]  }
0xc1: {  	v34 =	vld [tilespmem:s29+$0x10930]  }
0xc2: {  	v37 =	vld [tilespmem:s29+$0x8940]  }
0xc3: {  	v36 =	vld [tilespmem:s29+$0x10940]  }
0xc4: {  	v39 =	vld [tilespmem:s29+$0x8950]  }
0xc5: {  	v38 =	vld [tilespmem:s29+$0x10950]  }
0xc6: {  	v41 =	vld [tilespmem:s29+$0x8960]  }
0xc7: {  	v40 =	vld [tilespmem:s29+$0x10960]  }
0xc8: {  	v45 =	vld [tilespmem:s29+$0x8970]  }
0xc9: {  	v42 =	vld [tilespmem:s29+$0x10970]  }
0xca: {  	v49 =	vld [tilespmem:s29+$0x8D00]  }
0xcb: {  	v47 =	vld [tilespmem:s29+$0x10D00]  }
0xcc: {  	v54 =	vld [tilespmem:s29+$0x8D10]  }
0xcd: {  	v52 =	vld [tilespmem:s29+$0x10D10]  }
0xce: {  	v56 =	vld [tilespmem:s29+$0x8D20]  }
0xcf: {  	v55 =	vld [tilespmem:s29+$0x10D20]  }
0xd0: {  	v58 =	vld [tilespmem:s29+$0x8D30]  }
0xd1: {  	v57 =	vld [tilespmem:s29+$0x10D30]  }
0xd2: {  	v60 =	vld [tilespmem:s29+$0x8D40]  }
0xd3: {  	v59 =	vld [tilespmem:s29+$0x10D40]  }
0xd4: {  	v53 =	vld [tilespmem:s29+$0x8D50]  }
0xd5: {  	v61 =	vld [tilespmem:s29+$0x10D50]  }
0xd6: {  	v62 =	vld [tilespmem:s29+$0x8D60]  }
0xd7: {  	v63 =	vld [tilespmem:s29+$0x10D60]  }
0xd8: {  	v51 =	vld [tilespmem:s29+$0x8D70]  }
0xd9: {  	v0 =	vld [tilespmem:s29+$0x9100]  }
0xda: {  	v27 =	vld [tilespmem:s29+$0x9110]  }
0xdb: {  	v43 =	vmov s3;
	s30 =	simm.s32 $0x8;
	s31 =	simm.s32 $0x0;
	s0 =	simm.s32 $0x0;
	v25 =	vld [tilespmem:s29+$0x9120]  }
.LBB2_2:
0xdc: {  	p0 =	sne.s32 s30, $0x1F8;
	v46 =	vld [tilespmem:s29+$0x9130]  }
0xdd: {  	v44 =	vor.u32 $0x1, v43;
	v1 =	vld [tilespmem:s29+$0xD50]  }
0xde: {  	v2 =	vld [tilespmem:s29+$0xD60]  }
0xdf: {  	v3 =	vld [tilespmem:s29+$0xD70]  }
0xe0: {  	v43 =	vld.idx.msk [tilespmem:v43+s11+$0x0], $0xffff  }
0xe1: {  	v4 =	vld [tilespmem:s29+$0x1100]  }
0xe2: {  	v44 =	vld.idx.msk [tilespmem:v44+s11+$0x0], $0xffff  }
0xe3: {  	v5 =	vld [tilespmem:s29+$0x11100]  }
0xe4: {  	v6 =	vld [tilespmem:s29+$0x10D70]  }
0xe5: {  	v50 =	vld [tilespmem:s29+$0x9140]  }
0xe6: {  	v43 =	vpack.i.f32.bf16 v43, v43;
	v48 =	vld [tilespmem:s29+$0x9150]  }
0xe7: {  	v3 =	vmul.bf16 v3, v43;
	v4 =	vmul.bf16 v4, v43;
	v7 =	vld [tilespmem:s29+$0xD40]  }
0xe8: {  	v1 =	vmul.bf16 v1, v43;
	v2 =	vmul.bf16 v2, v43;
	v44 =	vpack.i.f32.bf16 v44, v44;
	v8 =	vld [tilespmem:s29+$0xD30]  }
0xe9: {  	v4 =	vadd.bf16 v5, v4;
	v0 =	vmul.bf16 v0, v44;
	v10 =	vld [tilespmem:s29+$0xD20];
	v3 =	vadd.bf16 v6, v3  }
0xea: {  	v2 =	vadd.bf16 v63, v2;
	v6 =	vmul.bf16 v62, v44;
	v62 =	vmul.bf16 v51, v44;
	v5 =	vld [tilespmem:s29+$0xD10]  }
0xeb: {  	v1 =	vadd.bf16 v61, v1;
	v53 =	vmul.bf16 v53, v44;
	v0 =	vadd.bf16 v4, v0;
	v51 =	vld [tilespmem:s29+$0x9160]  }
0xec: {  	v2 =	vadd.bf16 v2, v6;
	v3 =	vadd.bf16 v3, v62;
	v4 =	vld [tilespmem:s29+$0xD00];
	v7 =	vmul.bf16 v7, v43  }
0xed: {  	v60 =	vmul.bf16 v60, v44;
	v1 =	vadd.bf16 v1, v53;
	v6 =	vld [tilespmem:s29+$0x970];
	v8 =	vmul.bf16 v8, v43;
	[tilespmem:s29+$0x11100] =	vst v0  }
0xee: {  	v0 =	vmul.bf16 v10, v43;
	v10 =	vmul.bf16 v58, v44;
	v7 =	vadd.bf16 v59, v7;
	[tilespmem:s29+$0x10D70] =	vst v3;
	v53 =	vld [tilespmem:s29+$0x9170]  }
0xef: {  	v56 =	vmul.bf16 v56, v44;
	v3 =	vld [tilespmem:s29+$0x960];
	v5 =	vmul.bf16 v5, v43;
	v8 =	vadd.bf16 v57, v8;
	[tilespmem:s29+$0x10D60] =	vst v2  }
0xf0: {  	v54 =	vmul.bf16 v54, v44;
	v2 =	vld [tilespmem:s29+$0x950];
	v0 =	vadd.bf16 v55, v0;
	v7 =	vadd.bf16 v7, v60;
	[tilespmem:s29+$0x10D50] =	vst v1  }
0xf1: {  	v1 =	vld [tilespmem:s29+$0x940];
	v4 =	vmul.bf16 v4, v43;
	v5 =	vadd.bf16 v52, v5;
	v8 =	vadd.bf16 v8, v10  }
0xf2: {  	v52 =	vmul.bf16 v49, v44;
	v10 =	vld [tilespmem:s29+$0x930];
	v6 =	vmul.bf16 v6, v43;
	v0 =	vadd.bf16 v0, v56;
	[tilespmem:s29+$0x10D40] =	vst v7  }
0xf3: {  	v7 =	vmul.bf16 v45, v44;
	v49 =	vld [tilespmem:s29+$0x500];
	v4 =	vadd.bf16 v47, v4;
	v5 =	vadd.bf16 v5, v54;
	[tilespmem:s29+$0x10D30] =	vst v8  }
0xf4: {  	v41 =	vmul.bf16 v41, v44;
	v8 =	vld [tilespmem:s29+$0x920];
	v3 =	vmul.bf16 v3, v43;
	v6 =	vadd.bf16 v42, v6;
	[tilespmem:s29+$0x10D20] =	vst v0  }
0xf5: {  	v39 =	vmul.bf16 v39, v44;
	v0 =	vld [tilespmem:s29+$0x910];
	v2 =	vmul.bf16 v2, v43;
	v4 =	vadd.bf16 v4, v52;
	[tilespmem:s29+$0x10D10] =	vst v5  }
0xf6: {  	v5 =	vld [tilespmem:s29+$0x510];
	v1 =	vmul.bf16 v1, v43;
	v3 =	vadd.bf16 v40, v3;
	v6 =	vadd.bf16 v6, v7  }
0xf7: {  	v37 =	vmul.bf16 v37, v44;
	v7 =	vld [tilespmem:s29+$0x900];
	v10 =	vmul.bf16 v10, v43;
	v2 =	vadd.bf16 v38, v2;
	[tilespmem:s29+$0x10D00] =	vst v4  }
0xf8: {  	v35 =	vmul.bf16 v35, v44;
	v4 =	vld [tilespmem:s29+$0x570];
	v1 =	vadd.bf16 v36, v1;
	v3 =	vadd.bf16 v3, v41;
	[tilespmem:s29+$0x10970] =	vst v6  }
0xf9: {  	v6 =	vld [tilespmem:s29+$0x560];
	v8 =	vmul.bf16 v8, v43;
	v10 =	vadd.bf16 v34, v10;
	v2 =	vadd.bf16 v2, v39  }
0xfa: {  	v33 =	vmul.bf16 v33, v44;
	v34 =	vld [tilespmem:s29+$0x550];
	v0 =	vmul.bf16 v0, v43;
	v1 =	vadd.bf16 v1, v37;
	[tilespmem:s29+$0x10960] =	vst v3  }
0xfb: {  	v31 =	vmul.bf16 v31, v44;
	v3 =	vld [tilespmem:s29+$0x520];
	v8 =	vadd.bf16 v32, v8;
	v10 =	vadd.bf16 v10, v35;
	[tilespmem:s29+$0x10950] =	vst v2  }
0xfc: {  	v29 =	vmul.bf16 v29, v44;
	v2 =	vld [tilespmem:s29+$0x540];
	v7 =	vmul.bf16 v7, v43;
	v0 =	vadd.bf16 v30, v0;
	[tilespmem:s29+$0x10940] =	vst v1  }
0xfd: {  	v26 =	vmul.bf16 v26, v44;
	v1 =	vld [tilespmem:s29+$0x530];
	v4 =	vmul.bf16 v4, v43;
	v8 =	vadd.bf16 v8, v33;
	[tilespmem:s29+$0x10930] =	vst v10  }
0xfe: {  	v6 =	vmul.bf16 v6, v43;
	v7 =	vadd.bf16 v28, v7;
	v0 =	vadd.bf16 v0, v31;
	v10 =	vld [tilespmem:s29+$0x1110]  }
0xff: {  	v23 =	vmul.bf16 v23, v44;
	v28 =	vmul.bf16 v34, v43;
	v4 =	vadd.bf16 v24, v4;
	[tilespmem:s29+$0x10920] =	vst v8;
	v8 =	vld [tilespmem:s29+$0x1120]  }
0x100: {  	v21 =	vmul.bf16 v21, v44;
	v6 =	vadd.bf16 v22, v6;
	v7 =	vadd.bf16 v7, v29;
	[tilespmem:s29+$0x10910] =	vst v0;
	v0 =	vld [tilespmem:s29+$0x1130]  }
0x101: {  	v2 =	vmul.bf16 v2, v43;
	v20 =	vadd.bf16 v20, v28;
	v4 =	vadd.bf16 v4, v26;
	v22 =	vld [tilespmem:s29+$0x1140]  }
0x102: {  	v19 =	vmul.bf16 v19, v44;
	v1 =	vmul.bf16 v1, v43;
	v6 =	vadd.bf16 v6, v23;
	[tilespmem:s29+$0x10900] =	vst v7;
	v7 =	vld [tilespmem:s29+$0x1150]  }
0x103: {  	v17 =	vmul.bf16 v17, v44;
	v2 =	vadd.bf16 v18, v2;
	v18 =	vadd.bf16 v20, v21;
	[tilespmem:s29+$0x10570] =	vst v4;
	v4 =	vld [tilespmem:s29+$0x11110]  }
0x104: {  	v15 =	vmul.bf16 v15, v44;
	v3 =	vmul.bf16 v3, v43;
	v1 =	vadd.bf16 v16, v1;
	[tilespmem:s29+$0x10560] =	vst v6;
	v6 =	vld [tilespmem:s29+$0x11120]  }
0x105: {  	v13 =	vmul.bf16 v13, v44;
	v5 =	vmul.bf16 v5, v43;
	v2 =	vadd.bf16 v2, v19;
	[tilespmem:s29+$0x10550] =	vst v18;
	v16 =	vld [tilespmem:s29+$0x1160]  }
0x106: {  	v3 =	vadd.bf16 v14, v3;
	v10 =	vmul.bf16 v10, v43;
	v1 =	vadd.bf16 v1, v17;
	v14 =	vld [tilespmem:s29+$0x11130]  }
0x107: {  	v5 =	vadd.bf16 v12, v5;
	v8 =	vmul.bf16 v8, v43;
	[tilespmem:s29+$0x10540] =	vst v2;
	v2 =	vmul.bf16 v27, v44;
	v12 =	vld [tilespmem:s29+$0x11140]  }
0x108: {  	v3 =	vadd.bf16 v3, v15;
	[tilespmem:s29+$0x10530] =	vst v1;
	v1 =	vadd.bf16 v4, v10;
	v4 =	vmul.bf16 v25, v44;
	v10 =	vld [tilespmem:s29+$0x1170]  }
0x109: {  	v5 =	vadd.bf16 v5, v13;
	v0 =	vmul.bf16 v0, v43;
	v6 =	vadd.bf16 v6, v8;
	v8 =	vld [tilespmem:s29+$0x11150]  }
0x10a: {  	s31 =	sadd.s32 $0x80, s31;
	s0 =	sadd.s32 $0x200, s0;
	[tilespmem:s29+$0x10520] =	vst v3;
	v1 =	vadd.bf16 v1, v2;
	v2 =	vmul.bf16 v46, v44;
	v3 =	vmul.bf16 v22, v43;
	v15 =	vld [tilespmem:s29+$0x11160]  }
0x10b: {  	s1 =	sand.u32 $0x7000, s0;
	s12 =	sand.u32 $0x380, s31;
	[tilespmem:s29+$0x10510] =	vst v5;
	v4 =	vadd.bf16 v6, v4;
	v0 =	vadd.bf16 v14, v0;
	v5 =	vmul.bf16 v50, v44;
	v6 =	vld [tilespmem:s29+$0x11170]  }
0x10c: {  	s1 =	sor.u32 s12, s1;
	v17 =	vld [tilespmem:s29+$0x10500];
	[tilespmem:s29+$0x11110] =	vst v1;
	v1 =	vadd.bf16 v12, v3;
	v3 =	vmul.bf16 v7, v43;
	v7 =	vmul.bf16 v48, v44  }
0x10d: {  	v18 =	vld [tilespmem:s1+$0x8500];
	[tilespmem:s29+$0x11120] =	vst v4;
	v0 =	vadd.bf16 v0, v2;
	v2 =	vmul.bf16 v16, v43;
	v4 =	vmul.bf16 v51, v44  }
0x10e: {  	v13 =	vld [tilespmem:s1+$0x8510];
	v1 =	vadd.bf16 v1, v5;
	v3 =	vadd.bf16 v8, v3;
	v5 =	vmul.bf16 v10, v43  }
0x10f: {  	v8 =	vmul.bf16 v49, v43;
	v12 =	vld [tilespmem:s1+$0x10510];
	[tilespmem:s29+$0x11130] =	vst v0;
	v0 =	vadd.bf16 v15, v2;
	v2 =	vmul.bf16 v53, v44  }
0x110: {  	v10 =	vmul.bf16 v11, v44;
	v15 =	vld [tilespmem:s1+$0x8520];
	[tilespmem:s29+$0x11140] =	vst v1;
	v1 =	vadd.bf16 v3, v7;
	v3 =	vadd.bf16 v6, v5  }
0x111: {  	v14 =	vld [tilespmem:s1+$0x10520];
	v5 =	vadd.bf16 v17, v8;
	v0 =	vadd.bf16 v0, v4  }
0x112: {  	v17 =	vld [tilespmem:s1+$0x8530];
	[tilespmem:s29+$0x11150] =	vst v1;
	v1 =	vadd.bf16 v3, v2;
	v11 =	vmov v18  }
0x113: {  	v16 =	vld [tilespmem:s1+$0x10530];
	v2 =	vadd.bf16 v5, v10;
	[tilespmem:s29+$0x11160] =	vst v0  }
0x114: {  	v19 =	vld [tilespmem:s1+$0x8540];
	[tilespmem:s29+$0x11170] =	vst v1  }
0x115: {  	v18 =	vld [tilespmem:s1+$0x10540];
	[tilespmem:s29+$0x10500] =	vst v2;
	s29 =	smov.u32 s1  }
0x116: {  	v21 =	vld [tilespmem:s29+$0x8550]  }
0x117: {  	v20 =	vld [tilespmem:s29+$0x10550]  }
0x118: {  	v23 =	vld [tilespmem:s29+$0x8560]  }
0x119: {  	v22 =	vld [tilespmem:s29+$0x10560]  }
0x11a: {  	v26 =	vld [tilespmem:s29+$0x8570]  }
0x11b: {  	v24 =	vld [tilespmem:s29+$0x10570]  }
0x11c: {  	v29 =	vld [tilespmem:s29+$0x8900]  }
0x11d: {  	v28 =	vld [tilespmem:s29+$0x10900]  }
0x11e: {  	v31 =	vld [tilespmem:s29+$0x8910]  }
0x11f: {  	v30 =	vld [tilespmem:s29+$0x10910]  }
0x120: {  	v33 =	vld [tilespmem:s29+$0x8920]  }
0x121: {  	v32 =	vld [tilespmem:s29+$0x10920]  }
0x122: {  	v35 =	vld [tilespmem:s29+$0x8930]  }
0x123: {  	v34 =	vld [tilespmem:s29+$0x10930]  }
0x124: {  	v37 =	vld [tilespmem:s29+$0x8940]  }
0x125: {  	v36 =	vld [tilespmem:s29+$0x10940]  }
0x126: {  	v39 =	vld [tilespmem:s29+$0x8950]  }
0x127: {  	v38 =	vld [tilespmem:s29+$0x10950]  }
0x128: {  	v41 =	vld [tilespmem:s29+$0x8960]  }
0x129: {  	v40 =	vld [tilespmem:s29+$0x10960]  }
0x12a: {  	v45 =	vld [tilespmem:s29+$0x8970]  }
0x12b: {  	v42 =	vld [tilespmem:s29+$0x10970]  }
0x12c: {  	v49 =	vld [tilespmem:s29+$0x8D00]  }
0x12d: {  	v47 =	vld [tilespmem:s29+$0x10D00]  }
0x12e: {  	v54 =	vld [tilespmem:s29+$0x8D10]  }
0x12f: {  	v52 =	vld [tilespmem:s29+$0x10D10]  }
0x130: {  	v56 =	vld [tilespmem:s29+$0x8D20]  }
0x131: {  	v55 =	vld [tilespmem:s29+$0x10D20]  }
0x132: {  	v58 =	vld [tilespmem:s29+$0x8D30]  }
0x133: {  	v57 =	vld [tilespmem:s29+$0x10D30]  }
0x134: {  	v60 =	vld [tilespmem:s29+$0x8D40]  }
0x135: {  	v59 =	vld [tilespmem:s29+$0x10D40]  }
0x136: {  	v53 =	vld [tilespmem:s29+$0x8D50]  }
0x137: {  	v61 =	vld [tilespmem:s29+$0x10D50]  }
0x138: {  	v62 =	vld [tilespmem:s29+$0x8D60]  }
.Ltmp0:
0x139: {  	v63 =	vld [tilespmem:s29+$0x10D60];
	(pc) =	sbr.rel @p0 .LBB2_2-.Ltmp0, $4  }
0x13a: {  	v51 =	vld [tilespmem:s29+$0x8D70]  }
0x13b: {  	v0 =	vld [tilespmem:s29+$0x9100]  }
0x13c: {  	v27 =	vld [tilespmem:s29+$0x9110]  }
0x13d: {  	v43 =	vmov s30;
	s30 =	sadd.s32 $0x8, s30;
	v25 =	vld [tilespmem:s29+$0x9120]  }
0x13e: {  	_ = 	snop  }
0x13f: {  	v2 =	vld [tilespmem:s29+$0xD50]  }
0x140: {  	v3 =	vld [tilespmem:s29+$0xD60]  }
0x141: {  	v1 =	vor.u32 $0x1, v43;
	v4 =	vld [tilespmem:s29+$0xD70]  }
0x142: {  	v5 =	vld.idx.msk [tilespmem:v43+s11+$0x0], $0xffff  }
0x143: {  	v6 =	vld [tilespmem:s29+$0x1100]  }
0x144: {  	v7 =	vld [tilespmem:s29+$0x11100]  }
0x145: {  	v8 =	vld [tilespmem:s29+$0x10D70]  }
0x146: {  	v1 =	vld.idx.msk [tilespmem:v1+s11+$0x0], $0xffff  }
0x147: {  	v46 =	vld [tilespmem:s29+$0x9130]  }
0x148: {  	v50 =	vld [tilespmem:s29+$0x9140];
	v44 =	vpack.i.f32.bf16 v5, v5  }
0x149: {  	v48 =	vld [tilespmem:s29+$0x9150];
	v6 =	vmul.bf16 v6, v44;
	v4 =	vmul.bf16 v4, v44  }
0x14a: {  	v10 =	vld [tilespmem:s29+$0xD30];
	v3 =	vmul.bf16 v3, v44;
	v2 =	vmul.bf16 v2, v44  }
0x14b: {  	v5 =	vld [tilespmem:s29+$0xD40];
	v6 =	vadd.bf16 v7, v6;
	v4 =	vadd.bf16 v8, v4;
	v43 =	vpack.i.f32.bf16 v1, v1  }
0x14c: {  	v7 =	vld [tilespmem:s29+$0xD10];
	v3 =	vadd.bf16 v63, v3;
	v0 =	vmul.bf16 v0, v43;
	v8 =	vmul.bf16 v51, v43  }
0x14d: {  	v63 =	vadd.bf16 v61, v2;
	v1 =	vld [tilespmem:s29+$0xD20];
	v62 =	vmul.bf16 v62, v43;
	v61 =	vmul.bf16 v53, v43  }
0x14e: {  	v51 =	vld [tilespmem:s29+$0x9160];
	v60 =	vmul.bf16 v60, v43;
	v56 =	vmul.bf16 v56, v43  }
0x14f: {  	v53 =	vld [tilespmem:s29+$0x9170];
	v39 =	vmul.bf16 v39, v43;
	v37 =	vmul.bf16 v37, v43  }
0x150: {  	v33 =	vmul.bf16 v33, v43;
	v26 =	vmul.bf16 v26, v43;
	v0 =	vadd.bf16 v6, v0;
	v6 =	vld [tilespmem:s29+$0xD00]  }
0x151: {  	v23 =	vmul.bf16 v23, v43;
	v21 =	vmul.bf16 v21, v43;
	v4 =	vadd.bf16 v4, v8;
	v8 =	vld [tilespmem:s29+$0x970]  }
0x152: {  	v19 =	vmul.bf16 v19, v43;
	v3 =	vadd.bf16 v3, v62;
	v62 =	vmul.bf16 v5, v44;
	v5 =	vld [tilespmem:s29+$0x960]  }
0x153: {  	v46 =	vmul.bf16 v46, v43;
	[tilespmem:s29+$0x11100] =	vst v0;
	v0 =	vadd.bf16 v63, v61;
	v63 =	vmul.bf16 v10, v44;
	v10 =	vld [tilespmem:s29+$0x950]  }
0x154: {  	v50 =	vmul.bf16 v50, v43;
	[tilespmem:s29+$0x10D70] =	vst v4;
	v4 =	vadd.bf16 v59, v62;
	v62 =	vmul.bf16 v54, v43;
	v54 =	vld [tilespmem:s29+$0x920]  }
0x155: {  	v7 =	vmul.bf16 v7, v44;
	v1 =	vmul.bf16 v1, v44;
	v59 =	vld [tilespmem:s29+$0x910]  }
0x156: {  	[tilespmem:s29+$0x10D60] =	vst v3;
	v61 =	vmul.bf16 v58, v43;
	v58 =	vmul.bf16 v49, v43;
	v3 =	vadd.bf16 v4, v60;
	v4 =	vld [tilespmem:s29+$0x940]  }
0x157: {  	v2 =	vadd.bf16 v57, v63;
	v57 =	vld [tilespmem:s29+$0x930];
	v1 =	vadd.bf16 v55, v1;
	v60 =	vmul.bf16 v45, v43  }
0x158: {  	[tilespmem:s29+$0x10D50] =	vst v0;
	v55 =	vld [tilespmem:s29+$0x500];
	v63 =	vadd.bf16 v52, v7;
	v45 =	vmul.bf16 v35, v43;
	v35 =	vmul.bf16 v27, v43  }
0x159: {  	v52 =	vmul.bf16 v6, v44;
	v5 =	vmul.bf16 v5, v44;
	v0 =	vadd.bf16 v2, v61;
	[tilespmem:s29+$0x10D40] =	vst v3;
	v3 =	vld [tilespmem:s29+$0x510]  }
0x15a: {  	v1 =	vadd.bf16 v1, v56;
	v2 =	vadd.bf16 v63, v62;
	v56 =	vmul.bf16 v8, v44;
	v8 =	vld [tilespmem:s29+$0x900]  }
0x15b: {  	v61 =	vmul.bf16 v41, v43;
	v62 =	vmul.bf16 v10, v44;
	v5 =	vadd.bf16 v40, v5;
	v10 =	vld [tilespmem:s29+$0x570]  }
0x15c: {  	v40 =	vld [tilespmem:s29+$0x560];
	v6 =	vmul.bf16 v54, v44;
	v49 =	vmul.bf16 v59, v44;
	[tilespmem:s29+$0x10D30] =	vst v0;
	v0 =	vadd.bf16 v47, v52  }
0x15d: {  	v54 =	vld [tilespmem:s29+$0x530];
	[tilespmem:s29+$0x10D20] =	vst v1;
	v1 =	vadd.bf16 v42, v56;
	v56 =	vmul.bf16 v31, v43;
	v31 =	vmul.bf16 v15, v43  }
0x15e: {  	[tilespmem:s29+$0x10D10] =	vst v2;
	v42 =	vld [tilespmem:s29+$0x550];
	v63 =	vmul.bf16 v4, v44;
	v2 =	vadd.bf16 v38, v62;
	v6 =	vadd.bf16 v32, v6  }
0x15f: {  	v47 =	vld [tilespmem:s29+$0x520];
	v41 =	vmul.bf16 v57, v44;
	v0 =	vadd.bf16 v0, v58;
	v1 =	vadd.bf16 v1, v60  }
0x160: {  	v52 =	vld [tilespmem:s29+$0x540];
	v58 =	vmul.bf16 v29, v43;
	v2 =	vadd.bf16 v2, v39;
	v57 =	vmul.bf16 v8, v44  }
0x161: {  	v62 =	vld [tilespmem:s29+$0x1140];
	v6 =	vadd.bf16 v6, v33;
	v3 =	vmul.bf16 v3, v44;
	v33 =	vmul.bf16 v13, v43;
	[tilespmem:s29+$0x10D00] =	vst v0  }
0x162: {  	v32 =	vld [tilespmem:s29+$0x1160];
	v39 =	vmul.bf16 v25, v43;
	[tilespmem:s29+$0x10970] =	vst v1;
	v0 =	vadd.bf16 v5, v61;
	v1 =	vadd.bf16 v36, v63  }
0x163: {  	v8 =	vld [tilespmem:s29+$0x1110];
	v5 =	vadd.bf16 v34, v41;
	v59 =	vmul.bf16 v10, v44;
	[tilespmem:s29+$0x10950] =	vst v2;
	v2 =	vadd.bf16 v30, v49  }
0x164: {  	v10 =	vld [tilespmem:s29+$0x1120];
	v4 =	vmul.bf16 v40, v44;
	[tilespmem:s29+$0x10920] =	vst v6;
	v3 =	vadd.bf16 v12, v3;
	v1 =	vadd.bf16 v1, v37  }
0x165: {  	v61 =	vld [tilespmem:s29+$0x1130];
	v7 =	vmul.bf16 v52, v44;
	[tilespmem:s29+$0x10960] =	vst v0;
	v0 =	vadd.bf16 v5, v45;
	v6 =	vadd.bf16 v24, v59  }
0x166: {  	v63 =	vmul.bf16 v54, v44;
	v36 =	vld [tilespmem:s29+$0x11140];
	v4 =	vadd.bf16 v22, v4;
	v2 =	vadd.bf16 v2, v56;
	[tilespmem:s29+$0x10940] =	vst v1  }
0x167: {  	v29 =	vmul.bf16 v47, v44;
	v30 =	vld [tilespmem:s29+$0x11120];
	v7 =	vadd.bf16 v18, v7;
	v3 =	vadd.bf16 v3, v33;
	[tilespmem:s29+$0x10930] =	vst v0  }
0x168: {  	v60 =	vmul.bf16 v42, v44;
	v0 =	vadd.bf16 v28, v57;
	v6 =	vadd.bf16 v6, v26;
	v28 =	vld [tilespmem:s29+$0x11110];
	[tilespmem:s29+$0x10910] =	vst v2  }
0x169: {  	v34 =	vld [tilespmem:s29+$0x11130];
	v42 =	vmul.bf16 v62, v44;
	v23 =	vadd.bf16 v4, v23;
	v1 =	vadd.bf16 v14, v29;
	[tilespmem:s29+$0x10510] =	vst v3  }
0x16a: {  	v52 =	vld [tilespmem:s29+$0x10500];
	v8 =	vmul.bf16 v8, v44;
	v2 =	vadd.bf16 v20, v60;
	v7 =	vadd.bf16 v7, v19;
	[tilespmem:s29+$0x10570] =	vst v6  }
0x16b: {  	v24 =	vld [tilespmem:s29+$0x1150];
	v10 =	vmul.bf16 v10, v44;
	v0 =	vadd.bf16 v0, v58;
	[tilespmem:s29+$0x10560] =	vst v23;
	v37 =	vadd.bf16 v1, v31  }
0x16c: {  	v45 =	vld [tilespmem:s29+$0x11160];
	v5 =	vmul.bf16 v61, v44;
	v1 =	vadd.bf16 v36, v42;
	v2 =	vadd.bf16 v2, v21;
	[tilespmem:s29+$0x10540] =	vst v7  }
0x16d: {  	v56 =	vmul.bf16 v32, v44;
	v40 =	vadd.bf16 v30, v10;
	[tilespmem:s29+$0x10900] =	vst v0;
	v38 =	vadd.bf16 v28, v8;
	v8 =	vld [tilespmem:s29+$0x1170]  }
0x16e: {  	v58 =	vmul.bf16 v55, v44;
	v10 =	vld [tilespmem:s29+$0x11150];
	v47 =	vadd.bf16 v34, v5;
	[tilespmem:s29+$0x10520] =	vst v37;
	v1 =	vadd.bf16 v1, v50  }
0x16f: {  	v49 =	vld [tilespmem:s29+$0x11170];
	v26 =	vmul.bf16 v17, v43;
	v0 =	vadd.bf16 v16, v63;
	[tilespmem:s29+$0x10550] =	vst v2;
	v2 =	vadd.bf16 v40, v39  }
0x170: {  	v61 =	vmul.bf16 v11, v43;
	v62 =	vadd.bf16 v52, v58;
	v3 =	vadd.bf16 v47, v46;
	[tilespmem:s29+$0x11140] =	vst v1  }
0x171: {  	v57 =	vmul.bf16 v51, v43;
	v4 =	vmul.bf16 v24, v44;
	v0 =	vadd.bf16 v0, v26;
	[tilespmem:s29+$0x11120] =	vst v2  }
0x172: {  	v59 =	vadd.bf16 v45, v56;
	v1 =	vadd.bf16 v62, v61;
	[tilespmem:s29+$0x11130] =	vst v3;
	v8 =	vmul.bf16 v8, v44  }
0x173: {  	v54 =	vmul.bf16 v48, v43;
	v41 =	vadd.bf16 v38, v35;
	[tilespmem:s29+$0x10530] =	vst v0;
	v4 =	vadd.bf16 v10, v4  }
0x174: {  	v60 =	vmul.bf16 v53, v43;
	v0 =	vadd.bf16 v59, v57;
	[tilespmem:s29+$0x10500] =	vst v1;
	v5 =	vadd.bf16 v49, v8  }
0x175: {  	[tilespmem:s29+$0x11110] =	vst v41;
	v4 =	vadd.bf16 v4, v54  }
0x176: {  	s28 =	sadd.s32 $0x1, s28;
	[tilespmem:s29+$0x11160] =	vst v0;
	v63 =	vadd.bf16 v5, v60  }
0x177: {  	p0 =	sne.s32 s28, s9;
	[tilespmem:s29+$0x11150] =	vst v4  }
.Ltmp1:
0x178: {  	[tilespmem:s29+$0x11170] =	vst v63;
	(pc) =	sbr.rel @p0 .LBB2_1-.Ltmp1, $4  }
0x179: {  	[hbm4b:s8+s3] =	stream.linear.scatter [tilespmem:s23], [sflag:$0x4], $0x8000, $0x38;
	[tilespmem:$0x18500] =	vst v63  }
0x17a: {  	_ =	swait.ge [sflag:s10], $0x8000  }
0x17b: {  	[sflag:s10] =	ssyncset.done $0x0  }
0x17c: {  	[sflag:s10] =	ssyncadd.s32 $0xFFFF8000  }
0x17d: {  	_ =	sfence.sel $0x180000  }
0x17e: {  	[bflag:$0x0] =	sbarrier.arrive $0xFFFF  }
0x17f: {  	_ =	strace $0x9000004A  }
0x180: {  	s0 =	stileid.u32;
	[bflag:$0x2] =	sbarrier.arrive $0xFFFF  }
0x181: {  	p0 =	sne.s32 s0, $0x0;
	s0 =	rddreg [dreg:$0x2]  }
0x182: {  	s0 =	sadd.s32 @!p0 $0x100000, s0  }
0x183: {  	[sflag:s0] =	ssyncadd.tile.s32 @!p0 $0x1;
	_ =	shalt  }
.Lfunc_end2:
_tile_overlayer_lowered:
.L_overlay_start_2:
0x184: {  	(tag) =	ssettag $0x2  }
0x185: {  	s0 =	rddreg [dreg:$0x0];
	s2 =	stileid.u32  }
0x186: {  	s1 =	rddreg [dreg:$0x1];
	p0 =	sne.s32 s2, $0x0  }
0x187: {  	s3 =	rddreg [dreg:$0x2];
	[bflag:$0x3] =	sbarrier.arrive $0xFFFF;
	s2 =	simm.s32 @!p0 $0x1C04  }
0x188: {  	[timem:s3], [sflag:s2] =	dma.local @!p0 [hbm:s0], s1  }
0x189: {  	s0 =	simm.s32 @!p0 $0x4  }
0x18a: {  	_ =	swait.ge @!p0 [sflag:s0], s1  }
0x18b: {  	s1 =	ssub.s32 @!p0 $0x0, s1;
	[sflag:s0] =	ssyncset.done @!p0 $0x0  }
0x18c: {  	[sflag:s0] =	ssyncadd.s32 @!p0 s1  }
0x18d: {  	[bflag:$0x3] =	sbarrier.arrive $0xFFFF  }
0x18e: {  	_ =	shalt  }

// kernel: kernel.7.cloned.1.call-start
scs
__scs_entry_jumppad:
0x0: {  	(pc) =	sbr.rel $0x88, $3  }
0x1: {  	(tag) =	ssettag $0x0;
	lr =	simm.s32 $0x1  }
0x2: {  	[smem:$0x3F99] =	sst lr;
	_ =	strace $0xD0000000  }
0x3: {  	_ = 	snop  }
0x4: {  	_ = 	snop  }
0x5: {  	_ = 	snop  }
0x6: {  	_ = 	snop  }
0x7: {  	_ = 	snop  }
__scs_overlays_trampoline_lowered:
0x8: {  	[smem:$0x3FA8] =	sst s0  }
0x9: {  	[smem:$0x3FA9] =	sst s1  }
0xa: {  	[smem:$0x3FAA] =	sst s2  }
0xb: {  	[smem:$0x3FAB] =	sst s3  }
0xc: {  	[smem:$0x3FAC] =	sst s4  }
0xd: {  	[smem:$0x3FAD] =	sst s5  }
0xe: {  	[smem:$0x3FAE] =	sst s6  }
0xf: {  	[smem:$0x3FAF] =	sst s7  }
0x10: {  	[smem:$0x3FB0] =	sst s8  }
0x11: {  	[smem:$0x3FB1] =	sst s9;
	s0 =	simm.s32 @!p0 $0x0  }
0x12: {  	s1 =	sld [smem:$0x3F97];
	s0 =	simm.s32 @p0 $0x1  }
0x13: {  	[smem:$0x3FB2] =	sst s0;
	s0 =	simm.s32 @!p1 $0x0  }
0x14: {  	s2 =	sld [smem:$0x3F96];
	s0 =	simm.s32 @p1 $0x1  }
0x15: {  	[smem:$0x3FB3] =	sst s0;
	s0 =	simm.s32 @!p2 $0x0  }
0x16: {  	s3 =	sld [smem:$0x3FDB];
	s0 =	simm.s32 @p2 $0x1  }
0x17: {  	s4 =	simm.s32 $0x1BF5;
	[smem:$0x3FB5] =	sst s0  }
0x18: {  	s0 =	sld [smem:$0x3F98];
	_ =	swait.ge [sflag:s4], $0x0  }
0x19: {  	s7 =	sld [smem:$0x3F99]  }
0x1a: {  	s8 =	sadd.s32 $0xFFFFE003, lr  }
0x1b: {  	s9 =	sadd.s32 $0xFFFFFEF7, lr;
	s5 =	simm.s32 $0xFFFFFFFF;
	p2 =	slt.u32 s8, $0xFFFFF086  }
0x1c: {  	p1 =	slt.u32 s9, $0xF7A;
	s5 =	simm.s32 @!p2 $0x0  }
0x1d: {  	s5 =	simm.s32 @p1 $0x1;
	p0 =	seq.s32 s7, s2  }
0x1e: {  	s7 =	smul.u32 @!p0 $0xF7A, s2;
	p2 =	seq.s32 @!p0 s5, $0x0  }
0x1f: {  	s9 =	smul.u32 $0xF7A, s1;
	s8 =	simm.s32 @!p0 $0x1BF5;
	p2 =	por !p2, p0  }
0x20: {  	[sflag:s8] =	ssyncset.s32 @!p0 $0xFFFFF086;
	s6 =	sadd.s32 @!p0 s3, s7;
	s7 =	simm.s32 @!p0 $0x108  }
0x21: {  	s3 =	sadd.s32 s3, s9;
	s6 =	sadd.s32 @!p0 $0x88, s6;
	s7 =	simm.s32 @p2 $0x1082  }
0x22: {  	[simem:s7], [sflag:s8] =	dma.local @!p0 [hbm:s6], $0xF7A  }
0x23: {  	s9 =	sor.u32 $0xD0000000, s2;
	s6 =	simm.s32 $0x108;
	_ =	swait.ge @!p0 [sflag:s8], $0x0  }
0x24: {  	s3 =	sadd.s32 $0x88, s3;
	s6 =	simm.s32 @!p1 $0x1082;
	[sflag:s4] =	ssyncset.s32 $0xFFFFF086  }
0x25: {  	[simem:s6], [sflag:s4] =	dma.local [hbm:s3], $0xF7A  }
0x26: {  	[smem:$0x3F99] =	sst s1;
	(tag) =	ssettag s2;
	_ =	strace s9  }
0x27: {  	s1 =	sld [smem:$0x3FA9]  }
0x28: {  	s2 =	sld [smem:$0x3FAA]  }
0x29: {  	s4 =	sld [smem:$0x3FAC]  }
0x2a: {  	p0 =	seq.s32 s5, $0x0;
	s5 =	sld [smem:$0x3FAD]  }
0x2b: {  	s6 =	sld [smem:$0x3FAE]  }
0x2c: {  	s7 =	sld [smem:$0x3FAF]  }
0x2d: {  	s3 =	simm.s32 $0x108;
	s8 =	sld [smem:$0x3FB0]  }
0x2e: {  	s3 =	simm.s32 @!p0 $0x1082;
	s9 =	sld [smem:$0x3FB1]  }
0x2f: {  	lr =	sadd.s32 s0, s3;
	s0 =	sld [smem:$0x3FA8]  }
0x30: {  	s3 =	sld [smem:$0x3FAB]  }
0x31: {  	[smem:$0x3FB4] =	sst s10  }
0x32: {  	s10 =	sld [smem:$0x3FB2];
	_ =	sdelay $0x3  }
0x33: {  	p0 =	seq.s32 s10, $0x1;
	s10 =	sld [smem:$0x3FB4];
	_ =	sdelay $0x3  }
0x34: {  	[smem:$0x3FB4] =	sst s10  }
0x35: {  	s10 =	sld [smem:$0x3FB3];
	_ =	sdelay $0x3  }
0x36: {  	p1 =	seq.s32 s10, $0x1;
	s10 =	sld [smem:$0x3FB4];
	_ =	sdelay $0x3  }
0x37: {  	[smem:$0x3FB4] =	sst s10  }
0x38: {  	s10 =	sld [smem:$0x3FB5]  }
0x39: {  	_ = 	snop;
	(pc) =	sbr.ind lr, $3  }
0x3a: {  	_ = 	snop  }
0x3b: {  	_ = 	snop  }
0x3c: {  	p2 =	seq.s32 s10, $0x1;
	s10 =	sld [smem:$0x3FB4]  }
0x3d: {  	_ =	shalt  }
0x3e: {  	_ =	shalt  }
0x3f: {  	_ =	shalt  }
0x40: {  	_ =	shalt  }
0x41: {  	_ =	shalt  }
0x42: {  	_ =	shalt  }
0x43: {  	_ =	shalt  }
0x44: {  	_ =	shalt  }
0x45: {  	_ =	shalt  }
0x46: {  	_ =	shalt  }
0x47: {  	_ =	shalt  }
0x48: {  	_ =	shalt  }
0x49: {  	_ =	shalt  }
0x4a: {  	_ =	shalt  }
0x4b: {  	_ =	shalt  }
0x4c: {  	_ =	shalt  }
0x4d: {  	_ =	shalt  }
0x4e: {  	_ =	shalt  }
0x4f: {  	_ =	shalt  }
0x50: {  	_ =	shalt  }
0x51: {  	_ =	shalt  }
0x52: {  	_ =	shalt  }
0x53: {  	_ =	shalt  }
0x54: {  	_ =	shalt  }
0x55: {  	_ =	shalt  }
0x56: {  	_ =	shalt  }
0x57: {  	_ =	shalt  }
0x58: {  	_ =	shalt  }
0x59: {  	_ =	shalt  }
0x5a: {  	_ =	shalt  }
0x5b: {  	_ =	shalt  }
0x5c: {  	_ =	shalt  }
0x5d: {  	_ =	shalt  }
0x5e: {  	_ =	shalt  }
0x5f: {  	_ =	shalt  }
0x60: {  	_ =	shalt  }
0x61: {  	_ =	shalt  }
0x62: {  	_ =	shalt  }
0x63: {  	_ =	shalt  }
0x64: {  	_ =	shalt  }
0x65: {  	_ =	shalt  }
0x66: {  	_ =	shalt  }
0x67: {  	_ =	shalt  }
0x68: {  	_ =	shalt  }
0x69: {  	_ =	shalt  }
0x6a: {  	_ =	shalt  }
0x6b: {  	_ =	shalt  }
0x6c: {  	_ =	shalt  }
0x6d: {  	_ =	shalt  }
0x6e: {  	_ =	shalt  }
0x6f: {  	_ =	shalt  }
0x70: {  	_ =	shalt  }
0x71: {  	_ =	shalt  }
0x72: {  	_ =	shalt  }
0x73: {  	_ =	shalt  }
0x74: {  	_ =	shalt  }
0x75: {  	_ =	shalt  }
0x76: {  	_ =	shalt  }
0x77: {  	_ =	shalt  }
0x78: {  	_ =	shalt  }
0x79: {  	_ =	shalt  }
0x7a: {  	_ =	shalt  }
0x7b: {  	_ =	shalt  }
0x7c: {  	_ =	shalt  }
0x7d: {  	_ =	shalt  }
0x7e: {  	_ =	shalt  }
0x7f: {  	_ =	shalt  }
0x80: {  	_ =	shalt  }
0x81: {  	_ =	shalt  }
0x82: {  	_ =	shalt  }
0x83: {  	_ =	shalt  }
0x84: {  	_ =	shalt  }
0x85: {  	_ =	shalt  }
0x86: {  	_ =	shalt  }
0x87: {  	_ =	shalt  }
.Lfunc_end0:
.L_simem_size_0:
called_computation_lowered:
.L_overlay_start_0:
0x88: {  	s2 =	sld [smem:$0x3FD9]  }
0x89: {  	s3 =	sld [smem:$0x3FFE];
	_ =	sdelay $0x1  }
0x8a: {  	s1 =	srdreg.scid  }
0x8b: {  	s0 =	sand.u32 $0x1, s1  }
0x8c: {  	s17 =	sshll.u32 s0, $0xA;
	s2 =	sadd.s32 s3, s2  }
0x8d: {  	s2 =	sadd.s32 s2, s17  }
0x8e: {  	[smem:$0x3FC0] =	sst s2  }
0x8f: {  	_ = 	snop  }
0x90: {  	s2 =	sld [smem:$0x3FD0];
	(tm) =	ssettm $0x1  }
0x91: {  	s18 =	sld [smem:$0x3FFB];
	_ =	sdelay $0x3  }
0x92: {  	_ =	strace s18  }
0x93: {  	s3 =	sld [smem:$0x3FFC];
	_ =	sdelay $0x3  }
0x94: {  	_ =	strace s3  }
0x95: {  	s3 =	sld [smem:$0x3FFD];
	_ =	sdelay $0x3  }
0x96: {  	_ =	strace s3  }
0x97: {  	_ =	strace $0x8FFFFFFF  }
0x98: {  	s19 =	sld [smem:$0x3FDB];
	_ =	sdelay $0x1  }
0x99: {  	s4 =	simm.s32 $_scs_section_size  }
0x9a: {  	s5 =	simm.s32 $_size__tile_overlayer_lowered;
	s6 =	simm.s32 $_tile_overlayer_lowered  }
0x9b: {  	s22 =	simm.s32 $0x1BFF;
	s21 =	sshll.u32 s6, $0x1;
	s3 =	sadd.s32 s4, s19  }
0x9c: {  	s7 =	simm.s32 $0x0;
	s20 =	sshll.u32 s5, $0x1;
	s5 =	sadd.s32 s21, s3  }
0x9d: {  	[timem:s7], [sflag:s22] =	dma.local [hbm:s5], s20  }
0x9e: {  	_ =	swait.ge [sflag:s22], s20  }
0x9f: {  	s4 =	ssub.s32 $0x0, s20;
	[sflag:s22] =	ssyncset.done $0x0  }
0xa0: {  	[sflag:s22] =	ssyncadd.s32 s4;
	_ =	sdelay $0x1  }
0xa1: {  	s23 =	simm.s32 $0x1B8B  }
0xa2: {  	_ =	swait.ge [sflag:s23], $0x1  }
0xa3: {  	[sflag:s23] =	ssyncset.done $0x0  }
0xa4: {  	s25 =	simm.s32 $0x1B8E;
	s24 =	sld [smem:$0x3FFE];
	[sflag:s23] =	ssyncadd.s32 $0xFFFFFFFF  }
0xa5: {  	s26 =	simm.s32 $execute0_lowered;
	[smem:$0x3FD2] =	sst s25  }
0xa6: {  	s5 =	sshll.u32 s26, $0x1;
	_ =	strace $0x80000046;
	[dreg:$0x1] =	wrdreg $0xFFFFFFFF  }
0xa7: {  	s28 =	simm.s32 $_size_execute0_lowered;
	s3 =	sadd.s32 s3, s5;
	[dreg:$0x0] =	wrdreg $0x0  }
0xa8: {  	s5 =	sshll.u32 s28, $0x1;
	[dreg:$0x2] =	wrdreg s3  }
0xa9: {  	[dreg:$0x3] =	wrdreg s5  }
0xaa: {  	[dreg:$0x4] =	wrdreg $0xC0  }
0xab: {  	_ =	task [dreg:s7], $0x5FFFF  }
0xac: {  	[dreg:$0x1] =	wrdreg $0xFFFFFFFF  }
0xad: {  	[dreg:$0x0] =	wrdreg $0x60  }
0xae: {  	[dreg:$0x2] =	wrdreg s24  }
0xaf: {  	[dreg:$0x3] =	wrdreg s2  }
0xb0: {  	[dreg:$0x4] =	wrdreg $0x9  }
0xb1: {  	_ =	task.clear_ibuf [dreg:s7], $0x5FFFF;
	_ =	strace $0x90000046  }
0xb2: {  	s29 =	simm.s32 $0x9;
	_ =	strace $0x80000048  }
0xb3: {  	_ =	swait.ge [sflag:s29], $0x1  }
0xb4: {  	[sflag:s29] =	ssyncadd.s32 $0xFFFFFFFF  }
0xb5: {  	_ =	strace $0x90000048  }
0xb6: {  	_ =	sfence  }
0xb7: {  	s30 =	sld [smem:$0x0];
	_ =	sdelay $0x2  }
0xb8: {  	s31 =	sshll.u32 s1, $0xD;
	s1 =	sshrl.u32 s1, $0x2  }
0xb9: {  	s3 =	sand.u32 $0x4000, s31;
	s1 =	sadd.s32 s1, s30  }
0xba: {  	s0 =	sor.u32 s3, s0;
	s1 =	sshll.u32 s1, $0x11  }
0xbb: {  	s0 =	sor.u32 s1, s0  }
0xbc: {  	s0 =	sadd.s32 $0x8F2B, s0  }
0xbd: {  	[sflag:s0] =	ssyncadd.remote.s32 $0x1  }
0xbe: {  	_ =	sfence.sel $0xFFFF  }
0xbf: {  	[dreg:$0x0] =	wrdreg $0xFFFFFFFF;
	(pc) =	sbr.abs _section_cstart, $3  }
0xc0: {  	[dreg:$0x1] =	wrdreg $0xFFFFFFFF  }
0xc1: {  	_ =	task.clear_ibuf [dreg:s7], $0x2FFFF;
	_ =	strace $0x9FFFFFFF  }
0xc2: {  	(tm) =	ssettm $0x7FFFFFFF  }
0xc3: {  	_ =	shalt  }
tec
execute0_lowered:
.L_overlay_start_1:
0x0: {  	(tag) =	ssettag $0x1  }
0x1: {  	s0 =	rddreg [dreg:$0x0]  }
0x2: {  	s1 =	rddreg [dreg:$0x1];
	s2 =	simm.s32 $0x0  }
0x3: {  	s3 =	srdreg.scid;
	s4 =	stileid.u32;
	s9 =	simm.s32 $0x3  }
0x4: {  	s10 =	simm.s32 $0x4000;
	s11 =	simm.s32 $0x4080;
	s26 =	simm.s32 $0xB880  }
0x5: {  	s28 =	simm.s32 $0xC080;
	s29 =	simm.s32 $0xC880;
	s30 =	simm.s32 $0xD080  }
0x6: {  	s31 =	simm.s32 $0xD880;
	s12 =	simm.s32 $0xF080;
	s13 =	simm.s32 $0xF880  }
0x7: {  	s14 =	simm.s32 $0x10080;
	s15 =	simm.s32 $0x10880;
	s18 =	simm.s32 $0x12080  }
0x8: {  	s19 =	simm.s32 $0x12880;
	s20 =	simm.s32 $0x13080;
	s21 =	simm.s32 $0x13880  }
0x9: {  	s22 =	simm.s32 $0x1;
	s23 =	simm.s32 $0x2;
	s24 =	simm.s32 $0x0  }
0xa: {  	[smem:$0x7FF] =	sst s2;
	s3 =	sand.u32 $0x1, s3;
	s4 =	sshll.u32 s4, $0x8  }
0xb: {  	_ =	strace $0x80000047;
	s5 =	ssub.s32 $0x2, s3;
	s6 =	sshll.u32 s3, $0x7  }
0xc: {  	s3 =	sadd.s32 $0x22000, s0;
	s7 =	sshrl.u32 s5, $0x1;
	s16 =	sor.u32 s6, s4  }
0xd: {  	s4 =	sadd.s32 $0x2000, s0;
	s8 =	ssub.s32 s5, s7;
	s6 =	sshll.u32 s16, $0x6  }
0xe: {  	v2 =	vlaneseq.u32;
	v3 =	vimm.s32 $0x0;
	vm0 =	vmmov $0xffff;
	s17 =	sadd.s32 $0x80, s16;
	s5 =	sadd.s32 $0x2100, s0;
	s0 =	simm.s32 $0xE080  }
0xf: {  	v4 =	vand.u32 $0x7, v2;
	v5 =	vshrl.u32 v2, $0x3;
	v0 =	vmov s16;
	s16 =	simm.s32 $0x11080;
	s6 =	sadd.s32 s1, s6;
	s8 =	smax.u32 s8, $0x1  }
0x10: {  	v6 =	vor.u32 $0x8, v2;
	v5 =	vmul.u32 $0x8, v5;
	s1 =	simm.s32 $0xE880;
	v1 =	vmov s17;
	s17 =	simm.s32 $0x11880;
	s7 =	sadd.s32 $0x1000, s6  }
.LBB2_1:
0x11: {  	[tilespmem:s2], [sflag:$0x3] =	stream.linear.gather [hbm4b:s3+s2], $0x4000, $0x38;
	[tilespmem:$0x14080] =	vst v63  }
0x12: {  	_ =	swait.ge [sflag:s9], $0x4000  }
0x13: {  	[sflag:s9] =	ssyncset.done $0x0  }
0x14: {  	[sflag:s9] =	ssyncadd.s32 $0xFFFFC000  }
0x15: {  	[tilespmem:$0x4000] =	vst v3  }
0x16: {  	[tilespmem:$0x4010] =	vst v3  }
0x17: {  	v7 =	vor.u32 s2, v2;
	[tilespmem:$0x4020] =	vst v3  }
0x18: {  	v8 =	vshll.u32 v7, $0x3;
	[tilespmem:$0x4030] =	vst v3  }
0x19: {  	v9 =	vor.u32 $0x1, v8;
	[tilespmem:$0x4040] =	vst v3  }
0x1a: {  	[tilespmem:$0x4050] =	vst v3  }
0x1b: {  	[tilespmem:$0x4060] =	vst v3  }
0x1c: {  	[tilespmem:$0x4070] =	vst v3  }
0x1d: {  	v8 =	vld.idx.msk [tilespmem:v8+s2+$0x0], $0xffff  }
0x1e: {  	v9 =	vld.idx.msk [tilespmem:v9+s2+$0x0], $0xffff;
	_ =	sdelay $0x3  }
0x1f: {  	vm1 =	vge.s32 v8, v0;
	vm2 =	vlt.s32 v8, v1;
	v8 =	vsub.s32 v8, v0  }
0x20: {  	vm1 =	vmand vm1, vm2;
	vm2 =	vge.s32 v9, v0;
	vm3 =	vlt.s32 v9, v1  }
0x21: {  	s25 =	simm.s32 $0x10;
	v10 =	vsub.s32 v9, v0;
	vm2 =	vmand vm2, vm3;
	v9 =	vnsel vm1, $0x0, v8  }
0x22: {  	v8 =	vor.u32 s25, v2;
	s25 =	simm.s32 $0x20;
	v10 =	vnsel vm2, $0x0, v10  }
.LBB2_2:
0x23: {  	p0 =	sne.s32 s25, $0x7F0;
	v11 =	vshll.u32 v8, $0x3  }
0x24: {  	v12 =	vor.u32 $0x1, v11;
	_ =	sdelay $0x1  }
0x25: {  	[tilespmem:v9+s10+$0x0] =	vst.idx.msk vm1, v7  }
0x26: {  	[tilespmem:v10+s10+$0x0] =	vst.idx.msk vm2, v7;
	v7 =	vmov v8  }
0x27: {  	v8 =	vld.idx.msk [tilespmem:v11+s2+$0x0], $0xffff  }
0x28: {  	v10 =	vld.idx.msk [tilespmem:v12+s2+$0x0], $0xffff;
	_ =	sdelay $0x3  }
.Ltmp0:
0x29: {  	(pc) =	sbr.rel @p0 .LBB2_2-.Ltmp0, $4  }
0x2a: {  	vm1 =	vge.s32 v8, v0;
	vm2 =	vlt.s32 v8, v1;
	v8 =	vsub.s32 v8, v0  }
0x2b: {  	vm1 =	vmand vm1, vm2;
	vm2 =	vge.s32 v10, v0;
	vm3 =	vlt.s32 v10, v1  }
0x2c: {  	v10 =	vsub.s32 v10, v0;
	v9 =	vnsel vm1, $0x0, v8;
	vm2 =	vmand vm2, vm3  }
0x2d: {  	v8 =	vor.u32 s25, v2;
	s25 =	sadd.s32 $0x10, s25;
	v10 =	vnsel vm2, $0x0, v10  }
0x2e: {  	_ =	sdelay $0x1  }
0x2f: {  	v11 =	vshll.u32 v8, $0x3  }
0x30: {  	v12 =	vor.u32 $0x1, v11;
	_ =	sdelay $0x1  }
0x31: {  	[tilespmem:v9+s10+$0x0] =	vst.idx.msk vm1, v7  }
0x32: {  	[tilespmem:v10+s10+$0x0] =	vst.idx.msk vm2, v7  }
0x33: {  	v7 =	vld.idx.msk [tilespmem:v11+s2+$0x0], $0xffff  }
0x34: {  	v9 =	vld.idx.msk [tilespmem:v12+s2+$0x0], $0xffff;
	_ =	sdelay $0x3  }
0x35: {  	vm1 =	vge.s32 v7, v0;
	vm2 =	vlt.s32 v7, v1;
	v7 =	vsub.s32 v7, v0  }
0x36: {  	vm1 =	vmand vm1, vm2;
	vm2 =	vge.s32 v9, v0;
	vm3 =	vlt.s32 v9, v1  }
0x37: {  	v9 =	vsub.s32 v9, v0;
	v7 =	vnsel vm1, $0x0, v7;
	vm2 =	vmand vm2, vm3  }
0x38: {  	v9 =	vnsel vm2, $0x0, v9;
	_ =	sdelay $0x3  }
0x39: {  	[tilespmem:v7+s10+$0x0] =	vst.idx.msk vm1, v8  }
0x3a: {  	[tilespmem:v9+s10+$0x0] =	vst.idx.msk vm2, v8  }
0x3b: {  	v7 =	vld [tilespmem:$0x4000];
	_ =	sdelay $0x4  }
0x3c: {  	v8 =	vshll.u32 v7, $0x2  }
0x3d: {  	v7 =	vand.u32 $0x7, v7;
	v8 =	vand.u32 $0xFFFFFFE0, v8  }
0x3e: {  	v7 =	vor.u32 v7, v8  }
0x3f: {  	v8 =	vperm.xlane v7, v4;
	_ =	sdelay $0x1  }
0x40: {  	v8 =	vadd.s32 v5, v8;
	_ =	sdelay $0x1  }
0x41: {  	v7 =	vperm.xlane v7, v6;
	_ =	sdelay $0x1  }
0x42: {  	v7 =	vadd.s32 v5, v7  }
0x43: {  	[tilespmem:s11], [sflag:$0x1] =	stream.indirect_vreg.gather [hbm4b:s4+s2], $0x80, v8, vm0, $0xb8;
	[tilespmem:$0x14080] =	vst v63  }
0x44: {  	s25 =	simm.s32 $0x4880  }
0x45: {  	[tilespmem:s25], [sflag:$0x1] =	stream.indirect_vreg.gather [hbm4b:s5+s2], $0x80, v8, vm0, $0xb8;
	[tilespmem:$0x14080] =	vst v63  }
0x46: {  	s25 =	simm.s32 $0x5080  }
0x47: {  	[tilespmem:s25], [sflag:$0x1] =	stream.indirect_vreg.gather [hbm4b:s4+s2], $0x80, v7, vm0, $0xb8;
	[tilespmem:$0x14080] =	vst v63  }
0x48: {  	s25 =	simm.s32 $0x5880  }
0x49: {  	[tilespmem:s25], [sflag:$0x1] =	stream.indirect_vreg.gather [hbm4b:s5+s2], $0x80, v7, vm0, $0xb8;
	[tilespmem:$0x14080] =	vst v63  }
0x4a: {  	v7 =	vld [tilespmem:$0x4010];
	_ =	sdelay $0x4  }
0x4b: {  	v8 =	vshll.u32 v7, $0x2  }
0x4c: {  	v7 =	vand.u32 $0x7, v7;
	v8 =	vand.u32 $0xFFFFFFE0, v8  }
0x4d: {  	v7 =	vor.u32 v7, v8  }
0x4e: {  	v8 =	vperm.xlane v7, v4;
	_ =	sdelay $0x1  }
0x4f: {  	v8 =	vadd.s32 v5, v8;
	_ =	sdelay $0x1  }
0x50: {  	v7 =	vperm.xlane v7, v6;
	_ =	sdelay $0x1  }
0x51: {  	s25 =	simm.s32 $0x6080;
	v7 =	vadd.s32 v5, v7  }
0x52: {  	[tilespmem:s25], [sflag:$0x1] =	stream.indirect_vreg.gather [hbm4b:s4+s2], $0x80, v8, vm0, $0xb8;
	[tilespmem:$0x14080] =	vst v63  }
0x53: {  	s25 =	simm.s32 $0x6880  }
0x54: {  	[tilespmem:s25], [sflag:$0x1] =	stream.indirect_vreg.gather [hbm4b:s5+s2], $0x80, v8, vm0, $0xb8;
	[tilespmem:$0x14080] =	vst v63  }
0x55: {  	s25 =	simm.s32 $0x7080  }
0x56: {  	[tilespmem:s25], [sflag:$0x1] =	stream.indirect_vreg.gather [hbm4b:s4+s2], $0x80, v7, vm0, $0xb8;
	[tilespmem:$0x14080] =	vst v63  }
0x57: {  	s25 =	simm.s32 $0x7880  }
0x58: {  	[tilespmem:s25], [sflag:$0x1] =	stream.indirect_vreg.gather [hbm4b:s5+s2], $0x80, v7, vm0, $0xb8;
	[tilespmem:$0x14080] =	vst v63  }
0x59: {  	v7 =	vld [tilespmem:$0x4020];
	_ =	sdelay $0x4  }
0x5a: {  	v8 =	vshll.u32 v7, $0x2  }
0x5b: {  	v7 =	vand.u32 $0x7, v7;
	v8 =	vand.u32 $0xFFFFFFE0, v8  }
0x5c: {  	v7 =	vor.u32 v7, v8  }
0x5d: {  	v8 =	vperm.xlane v7, v4;
	_ =	sdelay $0x1  }
0x5e: {  	v8 =	vadd.s32 v5, v8;
	_ =	sdelay $0x1  }
0x5f: {  	v7 =	vperm.xlane v7, v6;
	_ =	sdelay $0x1  }
0x60: {  	s25 =	simm.s32 $0x8080;
	v7 =	vadd.s32 v5, v7  }
0x61: {  	[tilespmem:s25], [sflag:$0x1] =	stream.indirect_vreg.gather [hbm4b:s4+s2], $0x80, v8, vm0, $0xb8;
	[tilespmem:$0x14080] =	vst v63  }
0x62: {  	s25 =	simm.s32 $0x8880  }
0x63: {  	[tilespmem:s25], [sflag:$0x1] =	stream.indirect_vreg.gather [hbm4b:s5+s2], $0x80, v8, vm0, $0xb8;
	[tilespmem:$0x14080] =	vst v63  }
0x64: {  	s25 =	simm.s32 $0x9080  }
0x65: {  	[tilespmem:s25], [sflag:$0x1] =	stream.indirect_vreg.gather [hbm4b:s4+s2], $0x80, v7, vm0, $0xb8;
	[tilespmem:$0x14080] =	vst v63  }
0x66: {  	s25 =	simm.s32 $0x9880  }
0x67: {  	[tilespmem:s25], [sflag:$0x1] =	stream.indirect_vreg.gather [hbm4b:s5+s2], $0x80, v7, vm0, $0xb8;
	[tilespmem:$0x14080] =	vst v63  }
0x68: {  	v7 =	vld [tilespmem:$0x4030];
	_ =	sdelay $0x4  }
0x69: {  	v8 =	vshll.u32 v7, $0x2  }
0x6a: {  	v7 =	vand.u32 $0x7, v7;
	v8 =	vand.u32 $0xFFFFFFE0, v8  }
0x6b: {  	v7 =	vor.u32 v7, v8  }
0x6c: {  	v8 =	vperm.xlane v7, v4;
	_ =	sdelay $0x1  }
0x6d: {  	v8 =	vadd.s32 v5, v8;
	_ =	sdelay $0x1  }
0x6e: {  	v7 =	vperm.xlane v7, v6;
	_ =	sdelay $0x1  }
0x6f: {  	s25 =	simm.s32 $0xA080;
	v7 =	vadd.s32 v5, v7  }
0x70: {  	[tilespmem:s25], [sflag:$0x1] =	stream.indirect_vreg.gather [hbm4b:s4+s2], $0x80, v8, vm0, $0xb8;
	[tilespmem:$0x14080] =	vst v63  }
0x71: {  	s25 =	simm.s32 $0xA880  }
0x72: {  	[tilespmem:s25], [sflag:$0x1] =	stream.indirect_vreg.gather [hbm4b:s5+s2], $0x80, v8, vm0, $0xb8;
	[tilespmem:$0x14080] =	vst v63  }
0x73: {  	s25 =	simm.s32 $0xB080  }
0x74: {  	[tilespmem:s25], [sflag:$0x1] =	stream.indirect_vreg.gather [hbm4b:s4+s2], $0x80, v7, vm0, $0xb8;
	[tilespmem:$0x14080] =	vst v63  }
0x75: {  	_ = 	snop  }
0x76: {  	[tilespmem:s26], [sflag:$0x1] =	stream.indirect_vreg.gather [hbm4b:s5+s2], $0x80, v7, vm0, $0xb8;
	[tilespmem:$0x14080] =	vst v63  }
0x77: {  	v7 =	vld [tilespmem:$0x4040];
	_ =	sdelay $0x4  }
0x78: {  	v8 =	vshll.u32 v7, $0x2  }
0x79: {  	v7 =	vand.u32 $0x7, v7;
	v8 =	vand.u32 $0xFFFFFFE0, v8  }
0x7a: {  	v7 =	vor.u32 v7, v8  }
0x7b: {  	v8 =	vperm.xlane v7, v4;
	_ =	sdelay $0x1  }
0x7c: {  	v8 =	vadd.s32 v5, v8;
	_ =	sdelay $0x1  }
0x7d: {  	v7 =	vperm.xlane v7, v6;
	_ =	sdelay $0x1  }
0x7e: {  	v7 =	vadd.s32 v5, v7  }
0x7f: {  	[tilespmem:s28], [sflag:$0x2] =	stream.indirect_vreg.gather [hbm4b:s4+s2], $0x80, v8, vm0, $0xb8;
	[tilespmem:$0x14080] =	vst v63  }
0x80: {  	_ = 	snop  }
0x81: {  	[tilespmem:s29], [sflag:$0x2] =	stream.indirect_vreg.gather [hbm4b:s5+s2], $0x80, v8, vm0, $0xb8;
	[tilespmem:$0x14080] =	vst v63  }
0x82: {  	_ = 	snop  }
0x83: {  	[tilespmem:s30], [sflag:$0x2] =	stream.indirect_vreg.gather [hbm4b:s4+s2], $0x80, v7, vm0, $0xb8;
	[tilespmem:$0x14080] =	vst v63  }
0x84: {  	_ = 	snop  }
0x85: {  	[tilespmem:s31], [sflag:$0x2] =	stream.indirect_vreg.gather [hbm4b:s5+s2], $0x80, v7, vm0, $0xb8;
	[tilespmem:$0x14080] =	vst v63  }
0x86: {  	v7 =	vld [tilespmem:$0x4050];
	_ =	sdelay $0x4  }
0x87: {  	v8 =	vshll.u32 v7, $0x2  }
0x88: {  	v7 =	vand.u32 $0x7, v7;
	v8 =	vand.u32 $0xFFFFFFE0, v8  }
0x89: {  	v7 =	vor.u32 v7, v8  }
0x8a: {  	v8 =	vperm.xlane v7, v4;
	_ =	sdelay $0x1  }
0x8b: {  	v8 =	vadd.s32 v5, v8;
	_ =	sdelay $0x1  }
0x8c: {  	v7 =	vperm.xlane v7, v6;
	_ =	sdelay $0x1  }
0x8d: {  	v7 =	vadd.s32 v5, v7  }
0x8e: {  	[tilespmem:s0], [sflag:$0x2] =	stream.indirect_vreg.gather [hbm4b:s4+s2], $0x80, v8, vm0, $0xb8;
	[tilespmem:$0x14080] =	vst v63  }
0x8f: {  	_ = 	snop  }
0x90: {  	[tilespmem:s1], [sflag:$0x2] =	stream.indirect_vreg.gather [hbm4b:s5+s2], $0x80, v8, vm0, $0xb8;
	[tilespmem:$0x14080] =	vst v63  }
0x91: {  	_ = 	snop  }
0x92: {  	[tilespmem:s12], [sflag:$0x2] =	stream.indirect_vreg.gather [hbm4b:s4+s2], $0x80, v7, vm0, $0xb8;
	[tilespmem:$0x14080] =	vst v63  }
0x93: {  	_ = 	snop  }
0x94: {  	[tilespmem:s13], [sflag:$0x2] =	stream.indirect_vreg.gather [hbm4b:s5+s2], $0x80, v7, vm0, $0xb8;
	[tilespmem:$0x14080] =	vst v63  }
0x95: {  	v7 =	vld [tilespmem:$0x4060];
	_ =	sdelay $0x4  }
0x96: {  	v8 =	vshll.u32 v7, $0x2  }
0x97: {  	v7 =	vand.u32 $0x7, v7;
	v8 =	vand.u32 $0xFFFFFFE0, v8  }
0x98: {  	v7 =	vor.u32 v7, v8  }
0x99: {  	v8 =	vperm.xlane v7, v4;
	_ =	sdelay $0x1  }
0x9a: {  	v8 =	vadd.s32 v5, v8;
	_ =	sdelay $0x1  }
0x9b: {  	v7 =	vperm.xlane v7, v6;
	_ =	sdelay $0x1  }
0x9c: {  	v7 =	vadd.s32 v5, v7  }
0x9d: {  	[tilespmem:s14], [sflag:$0x2] =	stream.indirect_vreg.gather [hbm4b:s4+s2], $0x80, v8, vm0, $0xb8;
	[tilespmem:$0x14080] =	vst v63  }
0x9e: {  	_ = 	snop  }
0x9f: {  	[tilespmem:s15], [sflag:$0x2] =	stream.indirect_vreg.gather [hbm4b:s5+s2], $0x80, v8, vm0, $0xb8;
	[tilespmem:$0x14080] =	vst v63  }
0xa0: {  	_ = 	snop  }
0xa1: {  	[tilespmem:s16], [sflag:$0x2] =	stream.indirect_vreg.gather [hbm4b:s4+s2], $0x80, v7, vm0, $0xb8;
	[tilespmem:$0x14080] =	vst v63  }
0xa2: {  	_ = 	snop  }
0xa3: {  	[tilespmem:s17], [sflag:$0x2] =	stream.indirect_vreg.gather [hbm4b:s5+s2], $0x80, v7, vm0, $0xb8;
	[tilespmem:$0x14080] =	vst v63  }
0xa4: {  	v7 =	vld [tilespmem:$0x4070];
	_ =	sdelay $0x4  }
0xa5: {  	v8 =	vshll.u32 v7, $0x2  }
0xa6: {  	v7 =	vand.u32 $0x7, v7;
	v8 =	vand.u32 $0xFFFFFFE0, v8  }
0xa7: {  	v7 =	vor.u32 v7, v8  }
0xa8: {  	v8 =	vperm.xlane v7, v4;
	_ =	sdelay $0x1  }
0xa9: {  	v8 =	vadd.s32 v5, v8;
	_ =	sdelay $0x1  }
0xaa: {  	v7 =	vperm.xlane v7, v6;
	_ =	sdelay $0x1  }
0xab: {  	v7 =	vadd.s32 v5, v7  }
0xac: {  	[tilespmem:s18], [sflag:$0x2] =	stream.indirect_vreg.gather [hbm4b:s4+s2], $0x80, v8, vm0, $0xb8;
	[tilespmem:$0x14080] =	vst v63  }
0xad: {  	_ = 	snop  }
0xae: {  	[tilespmem:s19], [sflag:$0x2] =	stream.indirect_vreg.gather [hbm4b:s5+s2], $0x80, v8, vm0, $0xb8;
	[tilespmem:$0x14080] =	vst v63  }
0xaf: {  	_ = 	snop  }
0xb0: {  	[tilespmem:s20], [sflag:$0x2] =	stream.indirect_vreg.gather [hbm4b:s4+s2], $0x80, v7, vm0, $0xb8;
	[tilespmem:$0x14080] =	vst v63  }
0xb1: {  	_ = 	snop  }
0xb2: {  	[tilespmem:s21], [sflag:$0x2] =	stream.indirect_vreg.gather [hbm4b:s5+s2], $0x80, v7, vm0, $0xb8;
	[tilespmem:$0x14080] =	vst v63  }
0xb3: {  	_ =	swait.ge [sflag:s22], $0x8000  }
0xb4: {  	[sflag:s22] =	ssyncset.done $0x0  }
0xb5: {  	[sflag:s22] =	ssyncadd.s32 $0xFFFF8000  }
0xb6: {  	[hbm4b:s6+s2] =	stream.linear.scatter [tilespmem:s11], [sflag:$0x3], $0x8000, $0x38;
	[tilespmem:$0x14080] =	vst v63  }
0xb7: {  	_ =	swait.ge [sflag:s9], $0x8000  }
0xb8: {  	[sflag:s9] =	ssyncset.done $0x0  }
0xb9: {  	[sflag:s9] =	ssyncadd.s32 $0xFFFF8000  }
0xba: {  	s24 =	sadd.s32 $0x1, s24;
	_ =	swait.ge [sflag:s23], $0x8000  }
0xbb: {  	p0 =	sne.s32 s24, s8;
	[sflag:s23] =	ssyncset.done $0x0  }
.Ltmp1:
0xbc: {  	[sflag:s23] =	ssyncadd.s32 $0xFFFF8000;
	(pc) =	sbr.rel @p0 .LBB2_1-.Ltmp1, $4  }
0xbd: {  	[hbm4b:s7+s2] =	stream.linear.scatter [tilespmem:s28], [sflag:$0x3], $0x8000, $0x38;
	[tilespmem:$0x14080] =	vst v63  }
0xbe: {  	_ =	swait.ge [sflag:s9], $0x8000  }
0xbf: {  	[sflag:s9] =	ssyncset.done $0x0  }
0xc0: {  	[sflag:s9] =	ssyncadd.s32 $0xFFFF8000  }
0xc1: {  	_ =	sfence.sel $0x180000  }
0xc2: {  	[bflag:$0x0] =	sbarrier.arrive $0xFFFF  }
0xc3: {  	_ =	strace $0x90000047  }
0xc4: {  	s0 =	stileid.u32;
	[bflag:$0x2] =	sbarrier.arrive $0xFFFF  }
0xc5: {  	p0 =	sne.s32 s0, $0x0;
	s0 =	rddreg [dreg:$0x2]  }
0xc6: {  	s0 =	sadd.s32 @!p0 $0x100000, s0  }
0xc7: {  	[sflag:s0] =	ssyncadd.tile.s32 @!p0 $0x1;
	_ =	shalt  }
.Lfunc_end2:
_tile_overlayer_lowered:
.L_overlay_start_2:
0xc8: {  	(tag) =	ssettag $0x2  }
0xc9: {  	s0 =	rddreg [dreg:$0x0];
	s2 =	stileid.u32  }
0xca: {  	s1 =	rddreg [dreg:$0x1];
	p0 =	sne.s32 s2, $0x0  }
0xcb: {  	s3 =	rddreg [dreg:$0x2];
	[bflag:$0x3] =	sbarrier.arrive $0xFFFF;
	s2 =	simm.s32 @!p0 $0x1C03  }
0xcc: {  	[timem:s3], [sflag:s2] =	dma.local @!p0 [hbm:s0], s1  }
0xcd: {  	s0 =	simm.s32 @!p0 $0x3  }
0xce: {  	_ =	swait.ge @!p0 [sflag:s0], s1  }
0xcf: {  	s1 =	ssub.s32 @!p0 $0x0, s1;
	[sflag:s0] =	ssyncset.done @!p0 $0x0  }
0xd0: {  	[sflag:s0] =	ssyncadd.s32 @!p0 s1  }
0xd1: {  	[bflag:$0x3] =	sbarrier.arrive $0xFFFF  }
0xd2: {  	_ =	shalt  }

</sc_bundles>
